<compile_context>
chip_gen: v7x
topology: tpu7x:2x2x1
jax: 0.10.2.dev20260603
libtpu: 0.0.44.dev20260713+nightly
codegen_flags: <defaults>
</compile_context>

<pallas_src>
import functools
import math

import jax
import jax.numpy as jnp
import numpy as np
from jax import lax
from jax.experimental import pallas as pl
from jax.experimental.pallas import tpu as pltpu
from jax.experimental.pallas import tpu_sc as plsc

_N = 10000
_NG = 256
_H = 128
_NC = 17
_NL = 4
_MAXLEN = 10000.0

_N_PAD = 10240
_NW = 32
_GC = 152
_SUB_ROWS = _N_PAD // 16
_EDGE_QUANTUM = _NW * _GC

_BLK = 1000


def _ln(x, g, b, eps=1e-5):
    mu = jnp.mean(x, axis=-1, keepdims=True)
    var = jnp.mean((x - mu) * (x - mu), axis=-1, keepdims=True)
    return (x - mu) / jnp.sqrt(var + eps) * g + b



@functools.lru_cache(maxsize=None)
def _make_segsum(e_pad, with_deg):
    n_chunks = e_pad // (_NW * _GC)
    mesh = plsc.VectorSubcoreMesh(core_axis_name="c", subcore_axis_name="s")

    out_type = [jax.ShapeDtypeStruct((2, _N_PAD, _H), jnp.float32)]
    scratch = [
        pltpu.VMEM((_GC,), jnp.int32),
        pltpu.VMEM((_GC,), jnp.int32),
        pltpu.VMEM((_GC, _H), jnp.float32),
        pltpu.VMEM_SHARED((_N_PAD, _H), jnp.float32),
        pltpu.SemaphoreType.DMA,
    ]
    if with_deg:
        out_type.append(jax.ShapeDtypeStruct((2, _N_PAD), jnp.float32))
        scratch += [pltpu.VMEM((_GC,), jnp.float32),
                    pltpu.VMEM_SHARED((_N_PAD,), jnp.float32)]

    @functools.partial(pl.kernel, mesh=mesh, out_type=out_type,
                       scratch_types=scratch)
    def seg(*refs):
        if with_deg:
            (h_hbm, src_hbm, dst_hbm, zeros_hbm, zd_hbm, ones_hbm,
             out_hbm, dout_hbm, src_v, dst_v, rows_v, acc_sh, sem,
             ones_v, dacc_sh) = refs
        else:
            (h_hbm, src_hbm, dst_hbm, zeros_hbm,
             out_hbm, src_v, dst_v, rows_v, acc_sh, sem) = refs
        cid = lax.axis_index("c")
        sid = lax.axis_index("s")
        wid = cid * 16 + sid
        sub = pl.ds(sid * _SUB_ROWS, _SUB_ROWS)
        pltpu.sync_copy(zeros_hbm, acc_sh.at[sub])
        if with_deg:
            pltpu.sync_copy(zd_hbm, dacc_sh.at[sub])
            pltpu.sync_copy(ones_hbm, ones_v)
        plsc.subcore_barrier()
        base = wid * n_chunks * _GC

        def body(c, carry):
            off = base + c * _GC
            pltpu.sync_copy(src_hbm.at[pl.ds(off, _GC)], src_v)
            pltpu.sync_copy(dst_hbm.at[pl.ds(off, _GC)], dst_v)
            pltpu.async_copy(h_hbm.at[src_v], rows_v, sem).wait()
            pltpu.sync_copy(rows_v, acc_sh.at[dst_v], add=True)
            if with_deg:
                pltpu.sync_copy(ones_v, dacc_sh.at[dst_v], add=True)
            return carry

        lax.fori_loop(0, n_chunks, body, 0)
        plsc.subcore_barrier()
        pltpu.sync_copy(acc_sh.at[sub], out_hbm.at[cid, sub])
        if with_deg:
            pltpu.sync_copy(dacc_sh.at[sub], dout_hbm.at[cid, sub])

    return seg



def _full(shape):
    return pl.BlockSpec(shape, lambda i: (0,) * len(shape))


def _enc_body(expr_ref, coords_ref, dt_ref,
              We1, be1, g1, b1, We2, be2, g2, b2,
              Wpa, Wpb, bp, gp, blp, out_ref):
    x = jnp.dot(expr_ref[...], We1[...], preferred_element_type=jnp.float32) + be1[...]
    x = jax.nn.gelu(_ln(x, g1[...], b1[...]))
    x = jnp.dot(x, We2[...], preferred_element_type=jnp.float32) + be2[...]
    x = _ln(x, g2[...], b2[...])
    cn = coords_ref[...] * (1000.0 / _MAXLEN)
    dt = dt_ref[...]
    cx = cn[:, 0:1] * dt
    cy = cn[:, 1:2] * dt
    pe = jnp.concatenate([jnp.sin(cx), jnp.cos(cx), jnp.sin(cy), jnp.cos(cy)], axis=-1)
    x = (jnp.dot(x, Wpa[...], preferred_element_type=jnp.float32)
         + jnp.dot(pe, Wpb[...], preferred_element_type=jnp.float32) + bp[...])
    out_ref[...] = jax.nn.gelu(_ln(x, gp[...], blp[...]))


def _encoder(expression, coords, dt, We1, be1, g1, b1, We2, be2, g2, b2,
             Wpa, Wpb, bp, gp, blp):
    vrow = lambda a: a.reshape(1, -1)
    return pl.pallas_call(
        _enc_body,
        grid=(_N // _BLK,),
        in_specs=[
            pl.BlockSpec((_BLK, _NG), lambda i: (i, 0)),
            pl.BlockSpec((_BLK, 2), lambda i: (i, 0)),
            _full((1, _H // 4)),
            _full((_NG, _H)), _full((1, _H)), _full((1, _H)), _full((1, _H)),
            _full((_H, _H)), _full((1, _H)), _full((1, _H)), _full((1, _H)),
            _full((_H, _H)), _full((_H, _H)), _full((1, _H)), _full((1, _H)),
            _full((1, _H)),
        ],
        out_specs=pl.BlockSpec((_BLK, _H), lambda i: (i, 0)),
        out_shape=jax.ShapeDtypeStruct((_N, _H), jnp.float32),
    )(expression, coords, dt, We1, vrow(be1), vrow(g1), vrow(b1),
      We2, vrow(be2), vrow(g2), vrow(b2), Wpa, Wpb, vrow(bp), vrow(gp),
      vrow(blp))



def _upd_body(hi_ref, lo_ref, accS_ref, accG_ref, degS_ref, degG_ref,
              Ws, bs, gs, bls, Wg, bg, gg, blg, hi_out, lo_out):
    def one(h, acc2, deg2, W, b, g, bl):
        acc = acc2[0] + acc2[1]
        deg = deg2[0] + deg2[1]
        t = (jnp.dot(acc, W[...], preferred_element_type=jnp.float32)
             + deg * b[...]) / jnp.maximum(deg, 1.0)
        return _ln(h + jax.nn.gelu(t), g[...], bl[...])

    hi_out[...] = one(hi_ref[...], accS_ref, degS_ref, Ws, bs, gs, bls)
    lo_out[...] = one(lo_ref[...], accG_ref, degG_ref, Wg, bg, gg, blg)


def _update(hi, lo, accS, accG, degS, degG, Ws, bs, gs, bls, Wg, bg, gg, blg):
    vrow = lambda a: a.reshape(1, -1)
    hblk = pl.BlockSpec((_BLK, _H), lambda i: (i, 0))
    ablk = pl.BlockSpec((2, _BLK, _H), lambda i: (0, i, 0))
    dblk = pl.BlockSpec((2, _BLK, 1), lambda i: (0, i, 0))
    return pl.pallas_call(
        _upd_body,
        grid=(_N // _BLK,),
        in_specs=[hblk, hblk, ablk, ablk, dblk, dblk,
                  _full((_H, _H)), _full((1, _H)), _full((1, _H)), _full((1, _H)),
                  _full((_H, _H)), _full((1, _H)), _full((1, _H)), _full((1, _H))],
        out_specs=[hblk, hblk],
        out_shape=[jax.ShapeDtypeStruct((_N, _H), jnp.float32),
                   jax.ShapeDtypeStruct((_N, _H), jnp.float32)],
    )(hi, lo, accS, accG, degS, degG,
      Ws, vrow(bs), vrow(gs), vrow(bls), Wg, vrow(bg), vrow(gg), vrow(blg))



def _fin_body(hi_ref, lo_ref, Wbh, Wbl, bb, gc, bc_ln, Wc, bc, out_ref):
    hi = hi_ref[...]
    lo = lo_ref[...]
    gate = jax.nn.sigmoid(
        jnp.dot(hi, Wbh[...], preferred_element_type=jnp.float32)
        + jnp.dot(lo, Wbl[...], preferred_element_type=jnp.float32) + bb[...])
    fused = gate * hi + (1.0 - gate) * lo
    out_ref[...] = (jnp.dot(_ln(fused, gc[...], bc_ln[...]), Wc[...],
                            preferred_element_type=jnp.float32) + bc[...])


def _final(hi, lo, Wbh, Wbl, bb, gc, bc_ln, Wc_pad, bc_pad):
    vrow = lambda a: a.reshape(1, -1)
    hblk = pl.BlockSpec((_BLK, _H), lambda i: (i, 0))
    return pl.pallas_call(
        _fin_body,
        grid=(_N // _BLK,),
        in_specs=[hblk, hblk,
                  _full((_H, _H)), _full((_H, _H)), _full((1, _H)),
                  _full((1, _H)), _full((1, _H)),
                  _full((_H, _H)), _full((1, _H))],
        out_specs=pl.BlockSpec((_BLK, _H), lambda i: (i, 0)),
        out_shape=jax.ShapeDtypeStruct((_N, _H), jnp.float32),
    )(hi, lo, Wbh, Wbl, vrow(bb), vrow(gc), vrow(bc_ln), Wc_pad, vrow(bc_pad))



def _pad_edges(edge_index):
    e = edge_index.shape[1]
    e_pad = -(-e // _EDGE_QUANTUM) * _EDGE_QUANTUM
    pad = e_pad - e
    src = jnp.concatenate([edge_index[0], jnp.zeros((pad,), jnp.int32)])
    dst = jnp.concatenate([edge_index[1], jnp.full((pad,), _N, jnp.int32)])
    return src, dst, e_pad


def kernel(expression, coords, spatial_edge_index, grn_edge_index, params):
    p = params
    dpc = _H // 2
    dt = jnp.asarray(
        np.exp(np.arange(0, dpc, 2, dtype=np.float32) * (-math.log(10000.0) / dpc)),
        jnp.float32).reshape(1, -1)

    x = _encoder(expression, coords, dt,
                 p['We1'], p['be1'], p['ln1_g'], p['ln1_b'],
                 p['We2'], p['be2'], p['ln2_g'], p['ln2_b'],
                 p['Wp'][:_H], p['Wp'][_H:], p['bp'], p['lnp_g'], p['lnp_b'])

    src_s, dst_s, es_pad = _pad_edges(spatial_edge_index)
    src_g, dst_g, eg_pad = _pad_edges(grn_edge_index)

    zrows = jnp.zeros((_SUB_ROWS, _H), jnp.float32)
    zdeg = jnp.zeros((_SUB_ROWS,), jnp.float32)
    ones = jnp.ones((_GC,), jnp.float32)

    seg_s = _make_segsum(es_pad, False)
    seg_g = _make_segsum(eg_pad, False)
    seg_s0 = _make_segsum(es_pad, True)
    seg_g0 = _make_segsum(eg_pad, True)

    hi = lo = x
    degS = degG = None
    for l in range(_NL):
        if l == 0:
            accS, degS = seg_s0(hi, src_s, dst_s, zrows, zdeg, ones)
            accG, degG = seg_g0(lo, src_g, dst_g, zrows, zdeg, ones)
            degS = degS.reshape(2, _N_PAD, 1)
            degG = degG.reshape(2, _N_PAD, 1)
        else:
            accS, = seg_s(hi, src_s, dst_s, zrows)
            accG, = seg_g(lo, src_g, dst_g, zrows)
        hi, lo = _update(hi, lo, accS, accG, degS, degG,
                         p[f'Ws{l}'], p[f'bs{l}'], p[f'lns_g{l}'], p[f'lns_b{l}'],
                         p[f'Wg{l}'], p[f'bg{l}'], p[f'lng_g{l}'], p[f'lng_b{l}'])

    Wc_pad = jnp.zeros((_H, _H), jnp.float32).at[:, :_NC].set(p['Wc'])
    bc_pad = jnp.zeros((_H,), jnp.float32).at[:_NC].set(p['bc'])
    logits = _final(hi, lo, p['Wb'][:_H], p['Wb'][_H:], p['bb'],
                    p['lnc_g'], p['lnc_b'], Wc_pad, bc_pad)
    return logits[:, :_NC]

# --- scband reference (transcript-rebuilt; emitter-appended) ---
"""Pipeline reference for scband-heistclassifier-85143431675978 (READ-ONLY COPY).

The authoritative reference and input builder live on the scoring server;
editing this copy changes nothing except your own understanding.
"""

import jax, jax.numpy as jnp
import numpy as np
import math

N = 10000
NG = 256
H = 128
NC = 17
NL = 4
ES = 320000
EG = 160000
MAXLEN = 10000.0


def layer_norm(x, g, b, eps=1e-5):
    mu = jnp.mean(x, axis=-1, keepdims=True)
    var = jnp.var(x, axis=-1, keepdims=True)
    return (x - mu) / jnp.sqrt(var + eps) * g + b


def _lin(key, fan_in, fan_out):
    return jax.random.normal(key, (fan_in, fan_out), jnp.float32) * (1.0 / math.sqrt(fan_in))


def setup_inputs(seed: int = 0) -> dict:
    key = jax.random.key(seed)
    ks = jax.random.split(key, 64)
    expression = jax.random.normal(ks[0], (N, NG), jnp.float32)
    coords = jax.random.uniform(ks[1], (N, 2), jnp.float32) * MAXLEN
    spatial_edge_index = jax.random.randint(ks[2], (2, ES), 0, N, dtype=jnp.int32)
    grn_edge_index = jax.random.randint(ks[3], (2, EG), 0, N, dtype=jnp.int32)
    p = {}
    p['We1'] = _lin(ks[4], NG, H); p['be1'] = jnp.zeros((H,), jnp.float32)
    p['ln1_g'] = jnp.ones((H,), jnp.float32); p['ln1_b'] = jnp.zeros((H,), jnp.float32)
    p['We2'] = _lin(ks[5], H, H); p['be2'] = jnp.zeros((H,), jnp.float32)
    p['ln2_g'] = jnp.ones((H,), jnp.float32); p['ln2_b'] = jnp.zeros((H,), jnp.float32)
    p['Wp'] = _lin(ks[6], 2 * H, H); p['bp'] = jnp.zeros((H,), jnp.float32)
    p['lnp_g'] = jnp.ones((H,), jnp.float32); p['lnp_b'] = jnp.zeros((H,), jnp.float32)
    for l in range(NL):
        p[f'Ws{l}'] = _lin(ks[8 + 2 * l], H, H); p[f'bs{l}'] = jnp.zeros((H,), jnp.float32)
        p[f'lns_g{l}'] = jnp.ones((H,), jnp.float32); p[f'lns_b{l}'] = jnp.zeros((H,), jnp.float32)
        p[f'Wg{l}'] = _lin(ks[9 + 2 * l], H, H); p[f'bg{l}'] = jnp.zeros((H,), jnp.float32)
        p[f'lng_g{l}'] = jnp.ones((H,), jnp.float32); p[f'lng_b{l}'] = jnp.zeros((H,), jnp.float32)
    p['Wb'] = _lin(ks[30], 2 * H, H); p['bb'] = jnp.zeros((H,), jnp.float32)
    p['lnc_g'] = jnp.ones((H,), jnp.float32); p['lnc_b'] = jnp.zeros((H,), jnp.float32)
    p['Wc'] = _lin(ks[31], H, NC); p['bc'] = jnp.zeros((NC,), jnp.float32)
    return {'expression': expression, 'coords': coords, 'spatial_edge_index': spatial_edge_index, 'grn_edge_index': grn_edge_index, 'params': p}


def _pos_encode(coords):
    dim_per_coord = H // 2
    div_term = jnp.exp(jnp.arange(0, dim_per_coord, 2).astype(jnp.float32) * (-math.log(10000.0) / dim_per_coord))
    cn = coords / MAXLEN * 1000.0
    cx = cn[:, 0:1]
    cy = cn[:, 1:2]
    return jnp.concatenate([jnp.sin(cx * div_term), jnp.cos(cx * div_term), jnp.sin(cy * div_term), jnp.cos(cy * div_term)], axis=-1)


def _mp(h, edge_index, W, b):
    src = edge_index[0]
    dst = edge_index[1]
    msg = jnp.take(h, src, axis=0) @ W + b
    agg = jax.ops.segment_sum(msg, dst, num_segments=N)
    deg = jax.ops.segment_sum(jnp.ones((edge_index.shape[1], 1), jnp.float32), dst, num_segments=N)
    return agg / jnp.maximum(deg, 1.0)


def reference(expression, coords, spatial_edge_index, grn_edge_index, params):
    p = params
    x = expression @ p['We1'] + p['be1']
    x = jax.nn.gelu(layer_norm(x, p['ln1_g'], p['ln1_b']))
    x = x @ p['We2'] + p['be2']
    x = layer_norm(x, p['ln2_g'], p['ln2_b'])
    pe = _pos_encode(coords)
    x = jnp.concatenate([x, pe], axis=-1) @ p['Wp'] + p['bp']
    x = jax.nn.gelu(layer_norm(x, p['lnp_g'], p['lnp_b']))
    high = x
    low = x
    for l in range(NL):
        high = layer_norm(high + jax.nn.gelu(_mp(high, spatial_edge_index, p[f'Ws{l}'], p[f'bs{l}'])), p[f'lns_g{l}'], p[f'lns_b{l}'])
        low = layer_norm(low + jax.nn.gelu(_mp(low, grn_edge_index, p[f'Wg{l}'], p[f'bg{l}'])), p[f'lng_g{l}'], p[f'lng_b{l}'])
    gate = jax.nn.sigmoid(jnp.concatenate([high, low], axis=-1) @ p['Wb'] + p['bb'])
    fused = gate * high + (1.0 - gate) * low
    logits = layer_norm(fused, p['lnc_g'], p['lnc_b']) @ p['Wc'] + p['bc']
    return logits

if __name__ == "__main__":
    import jax
    _d = setup_inputs()
    print(jax.jit(kernel)(*tuple(_d.values())))

</pallas_src>

<mosaic_0001>
#map = affine_map<(d0, d1) -> (0, 0)>
#map1 = affine_map<(d0, d1) -> (0)>
#map2 = affine_map<(d0, d1) -> (0, 0, 0)>
module attributes {stable_mosaic.version = 14 : i64} {
  func.func @seg(%arg0: i32, %arg1: i32, %arg2: memref<10000x128xf32, #tpu.memory_space<hbm>>, %arg3: memref<160512xi32, #tpu.memory_space<hbm>>, %arg4: memref<160512xi32, #tpu.memory_space<hbm>>, %arg5: memref<640x128xf32, #tpu.memory_space<hbm>>, %arg6: memref<640xf32, #tpu.memory_space<hbm>>, %arg7: memref<152xf32, #tpu.memory_space<hbm>>, %arg8: memref<2x10240x128xf32, #tpu.memory_space<hbm>>, %arg9: memref<2x10240xf32, #tpu.memory_space<hbm>>, %arg10: memref<152xi32, #tpu.memory_space<vmem>>, %arg11: memref<152xi32, #tpu.memory_space<vmem>>, %arg12: memref<152x128xf32, #tpu.memory_space<vmem>>, %arg13: memref<10240x128xf32, #tpu.memory_space<vmem_shared>>, %arg14: memref<!tpu.dma_semaphore, #tpu.memory_space<semaphore_mem>>, %arg15: memref<152xf32, #tpu.memory_space<vmem>>, %arg16: memref<10240xf32, #tpu.memory_space<vmem_shared>>) attributes {dimension_semantics = [#tpu.dimension_semantics<core_parallel>, #tpu.dimension_semantics<subcore_parallel>], iteration_bounds = array<i64: 2, 16>, scalar_prefetch = 0 : i64, scratch_operands = 7 : i64, tpu.core_type = #tpu.core_type<sc_vector_subcore>, window_params = [{transform_indices = #map}, {transform_indices = #map1}, {transform_indices = #map1}, {transform_indices = #map}, {transform_indices = #map1}, {transform_indices = #map1}, {transform_indices = #map2}, {transform_indices = #map}]} {
    %mul3A = arith.constant 16 : i32
    %mul3A_0 = arith.muli %arg0, %mul3A : i32
    %add3A = arith.addi %mul3A_0, %arg1 : i32
    %mul3A_1 = arith.constant 640 : i32
    %mul3A_2 = arith.muli %arg1, %mul3A_1 : i32
    "tpu.region"() ({
      %run_scoped3A = tpu.sem_alloc : memref<!tpu.dma_semaphore, #tpu.memory_space<semaphore_mem>>
      %dma_start3A = arith.constant 0 : i32
      %dma_start3A_13 = tpu.memref_slice %arg13[%mul3A_2, %dma_start3A] : memref<10240x128xf32, #tpu.memory_space<vmem_shared>> -> memref<640x128xf32, #tpu.memory_space<vmem_shared>>
      tpu.enqueue_dma source(%arg5 : memref<640x128xf32, #tpu.memory_space<hbm>>) target(%dma_start3A_13 : memref<640x128xf32, #tpu.memory_space<vmem_shared>>) target_semaphore(%run_scoped3A : memref<!tpu.dma_semaphore, #tpu.memory_space<semaphore_mem>>)
      %dma_wait3A = arith.constant 0 : i32
      %dma_wait3A_14 = tpu.memref_slice %arg13[%mul3A_2, %dma_wait3A] : memref<10240x128xf32, #tpu.memory_space<vmem_shared>> -> memref<640x128xf32, #tpu.memory_space<vmem_shared>>
      tpu.wait_dma2 semaphore(%run_scoped3A : memref<!tpu.dma_semaphore, #tpu.memory_space<semaphore_mem>>) src(%arg5 : memref<640x128xf32, #tpu.memory_space<hbm>>) dst(%dma_wait3A_14 : memref<640x128xf32, #tpu.memory_space<vmem_shared>>)
      tpu.yield
    }) : () -> ()
    "tpu.region"() ({
      %run_scoped3A = tpu.sem_alloc : memref<!tpu.dma_semaphore, #tpu.memory_space<semaphore_mem>>
      %dma_start3A = tpu.memref_slice %arg16[%mul3A_2] : memref<10240xf32, #tpu.memory_space<vmem_shared>> -> memref<640xf32, #tpu.memory_space<vmem_shared>>
      tpu.enqueue_dma source(%arg6 : memref<640xf32, #tpu.memory_space<hbm>>) target(%dma_start3A : memref<640xf32, #tpu.memory_space<vmem_shared>>) target_semaphore(%run_scoped3A : memref<!tpu.dma_semaphore, #tpu.memory_space<semaphore_mem>>)
      %dma_wait3A = tpu.memref_slice %arg16[%mul3A_2] : memref<10240xf32, #tpu.memory_space<vmem_shared>> -> memref<640xf32, #tpu.memory_space<vmem_shared>>
      tpu.wait_dma2 semaphore(%run_scoped3A : memref<!tpu.dma_semaphore, #tpu.memory_space<semaphore_mem>>) src(%arg6 : memref<640xf32, #tpu.memory_space<hbm>>) dst(%dma_wait3A : memref<640xf32, #tpu.memory_space<vmem_shared>>)
      tpu.yield
    }) : () -> ()
    "tpu.region"() ({
      %run_scoped3A = tpu.sem_alloc : memref<!tpu.dma_semaphore, #tpu.memory_space<semaphore_mem>>
      tpu.enqueue_dma source(%arg7 : memref<152xf32, #tpu.memory_space<hbm>>) target(%arg15 : memref<152xf32, #tpu.memory_space<vmem>>) target_semaphore(%run_scoped3A : memref<!tpu.dma_semaphore, #tpu.memory_space<semaphore_mem>>)
      tpu.wait_dma2 semaphore(%run_scoped3A : memref<!tpu.dma_semaphore, #tpu.memory_space<semaphore_mem>>) src(%arg7 : memref<152xf32, #tpu.memory_space<hbm>>) dst(%arg15 : memref<152xf32, #tpu.memory_space<vmem>>)
      tpu.yield
    }) : () -> ()
    %barrier3A = arith.constant 0 : index
    tpu.barrier barrier_id(%barrier3A)
    %mul3A_3 = arith.constant 33 : i32
    %mul3A_4 = arith.muli %add3A, %mul3A_3 : i32
    %mul3A_5 = arith.constant 152 : i32
    %mul3A_6 = arith.muli %mul3A_4, %mul3A_5 : i32
    %scan3A = arith.constant 0 : i32
    %scan3A_7 = arith.constant 0 : i32
    %scan3A_8 = arith.constant 33 : i32
    %scan3A_9 = arith.addi %scan3A_7, %scan3A_8 : i32
    %scan3A_10 = arith.constant 1 : i32
    scf.for %scan3A_13 = %scan3A_7 to %scan3A_9 step %scan3A_10  : i32 {
      %mul3A_14 = arith.constant 152 : i32
      %mul3A_15 = arith.muli %scan3A_13, %mul3A_14 : i32
      %add3A_16 = arith.addi %mul3A_6, %mul3A_15 : i32
      "tpu.region"() ({
        %run_scoped3A = tpu.sem_alloc : memref<!tpu.dma_semaphore, #tpu.memory_space<semaphore_mem>>
        %dma_start3A_21 = tpu.memref_slice %arg3[%add3A_16] : memref<160512xi32, #tpu.memory_space<hbm>> -> memref<152xi32, #tpu.memory_space<hbm>>
        %dma_start3A_22 = tpu.memref_slice %arg3[%add3A_16] : memref<160512xi32, #tpu.memory_space<hbm>> -> memref<152xi32, #tpu.memory_space<hbm>>
        tpu.enqueue_dma source(%dma_start3A_22 : memref<152xi32, #tpu.memory_space<hbm>>) target(%arg10 : memref<152xi32, #tpu.memory_space<vmem>>) target_semaphore(%run_scoped3A : memref<!tpu.dma_semaphore, #tpu.memory_space<semaphore_mem>>)
        %dma_wait3A_23 = tpu.memref_slice %arg3[%add3A_16] : memref<160512xi32, #tpu.memory_space<hbm>> -> memref<152xi32, #tpu.memory_space<hbm>>
        %dma_wait3A_24 = tpu.memref_slice %arg3[%add3A_16] : memref<160512xi32, #tpu.memory_space<hbm>> -> memref<152xi32, #tpu.memory_space<hbm>>
        tpu.wait_dma2 semaphore(%run_scoped3A : memref<!tpu.dma_semaphore, #tpu.memory_space<semaphore_mem>>) src(%dma_wait3A_24 : memref<152xi32, #tpu.memory_space<hbm>>) dst(%arg10 : memref<152xi32, #tpu.memory_space<vmem>>)
        tpu.yield
      }) : () -> ()
      "tpu.region"() ({
        %run_scoped3A = tpu.sem_alloc : memref<!tpu.dma_semaphore, #tpu.memory_space<semaphore_mem>>
        %dma_start3A_21 = tpu.memref_slice %arg4[%add3A_16] : memref<160512xi32, #tpu.memory_space<hbm>> -> memref<152xi32, #tpu.memory_space<hbm>>
        %dma_start3A_22 = tpu.memref_slice %arg4[%add3A_16] : memref<160512xi32, #tpu.memory_space<hbm>> -> memref<152xi32, #tpu.memory_space<hbm>>
        tpu.enqueue_dma source(%dma_start3A_22 : memref<152xi32, #tpu.memory_space<hbm>>) target(%arg11 : memref<152xi32, #tpu.memory_space<vmem>>) target_semaphore(%run_scoped3A : memref<!tpu.dma_semaphore, #tpu.memory_space<semaphore_mem>>)
        %dma_wait3A_23 = tpu.memref_slice %arg4[%add3A_16] : memref<160512xi32, #tpu.memory_space<hbm>> -> memref<152xi32, #tpu.memory_space<hbm>>
        %dma_wait3A_24 = tpu.memref_slice %arg4[%add3A_16] : memref<160512xi32, #tpu.memory_space<hbm>> -> memref<152xi32, #tpu.memory_space<hbm>>
        tpu.wait_dma2 semaphore(%run_scoped3A : memref<!tpu.dma_semaphore, #tpu.memory_space<semaphore_mem>>) src(%dma_wait3A_24 : memref<152xi32, #tpu.memory_space<hbm>>) dst(%arg11 : memref<152xi32, #tpu.memory_space<vmem>>)
        tpu.yield
      }) : () -> ()
      %dma_start3A = arith.constant 0 : i32
      %dma_start3A_17 = arith.constant 0 : i32
      %dma_start3A_18 = tpu.memref_slice %arg2[%dma_start3A, %dma_start3A_17] : memref<10000x128xf32, #tpu.memory_space<hbm>> -> memref<10000x128xf32, #tpu.memory_space<hbm>>
      tpu.enqueue_indirect_dma source(%dma_start3A_18 : memref<10000x128xf32, #tpu.memory_space<hbm>>) target(%arg12 : memref<152x128xf32, #tpu.memory_space<vmem>>) offsets(%arg10 : memref<152xi32, #tpu.memory_space<vmem>>) semaphore(%arg14 : memref<!tpu.dma_semaphore, #tpu.memory_space<semaphore_mem>>)
      %dma_wait3A = arith.constant 0 : i32
      %dma_wait3A_19 = arith.constant 0 : i32
      %dma_wait3A_20 = tpu.memref_slice %arg2[%dma_wait3A, %dma_wait3A_19] : memref<10000x128xf32, #tpu.memory_space<hbm>> -> memref<10000x128xf32, #tpu.memory_space<hbm>>
      tpu.wait_indirect_dma semaphore(%arg14 : memref<!tpu.dma_semaphore, #tpu.memory_space<semaphore_mem>>) src(%dma_wait3A_20 : memref<10000x128xf32, #tpu.memory_space<hbm>>) dst(%arg12 : memref<152x128xf32, #tpu.memory_space<vmem>>)
      "tpu.region"() ({
        %run_scoped3A = tpu.sem_alloc : memref<!tpu.dma_semaphore, #tpu.memory_space<semaphore_mem>>
        %dma_start3A_21 = arith.constant 0 : i32
        %dma_start3A_22 = arith.constant 0 : i32
        %dma_start3A_23 = tpu.memref_slice %arg13[%dma_start3A_21, %dma_start3A_22] : memref<10240x128xf32, #tpu.memory_space<vmem_shared>> -> memref<10240x128xf32, #tpu.memory_space<vmem_shared>>
        tpu.enqueue_indirect_dma source(%arg12 : memref<152x128xf32, #tpu.memory_space<vmem>>) target(%dma_start3A_23 : memref<10240x128xf32, #tpu.memory_space<vmem_shared>>) offsets(%arg11 : memref<152xi32, #tpu.memory_space<vmem>>) semaphore(%run_scoped3A : memref<!tpu.dma_semaphore, #tpu.memory_space<semaphore_mem>>) {add = true}
        %dma_wait3A_24 = arith.constant 0 : i32
        %dma_wait3A_25 = arith.constant 0 : i32
        %dma_wait3A_26 = tpu.memref_slice %arg13[%dma_wait3A_24, %dma_wait3A_25] : memref<10240x128xf32, #tpu.memory_space<vmem_shared>> -> memref<10240x128xf32, #tpu.memory_space<vmem_shared>>
        tpu.wait_indirect_dma semaphore(%run_scoped3A : memref<!tpu.dma_semaphore, #tpu.memory_space<semaphore_mem>>) src(%arg12 : memref<152x128xf32, #tpu.memory_space<vmem>>) dst(%dma_wait3A_26 : memref<10240x128xf32, #tpu.memory_space<vmem_shared>>)
        tpu.yield
      }) : () -> ()
      "tpu.region"() ({
        %run_scoped3A = tpu.sem_alloc : memref<!tpu.dma_semaphore, #tpu.memory_space<semaphore_mem>>
        %dma_start3A_21 = arith.constant 0 : i32
        %dma_start3A_22 = tpu.memref_slice %arg16[%dma_start3A_21] : memref<10240xf32, #tpu.memory_space<vmem_shared>> -> memref<10240xf32, #tpu.memory_space<vmem_shared>>
        tpu.enqueue_indirect_dma source(%arg15 : memref<152xf32, #tpu.memory_space<vmem>>) target(%dma_start3A_22 : memref<10240xf32, #tpu.memory_space<vmem_shared>>) offsets(%arg11 : memref<152xi32, #tpu.memory_space<vmem>>) semaphore(%run_scoped3A : memref<!tpu.dma_semaphore, #tpu.memory_space<semaphore_mem>>) {add = true}
        %dma_wait3A_23 = arith.constant 0 : i32
        %dma_wait3A_24 = tpu.memref_slice %arg16[%dma_wait3A_23] : memref<10240xf32, #tpu.memory_space<vmem_shared>> -> memref<10240xf32, #tpu.memory_space<vmem_shared>>
        tpu.wait_indirect_dma semaphore(%run_scoped3A : memref<!tpu.dma_semaphore, #tpu.memory_space<semaphore_mem>>) src(%arg15 : memref<152xf32, #tpu.memory_space<vmem>>) dst(%dma_wait3A_24 : memref<10240xf32, #tpu.memory_space<vmem_shared>>)
        tpu.yield
      }) : () -> ()
    }
    %scan3A_11 = arith.constant 33 : i32
    %barrier3A_12 = arith.constant 0 : index
    tpu.barrier barrier_id(%barrier3A_12)
    "tpu.region"() ({
      %run_scoped3A = tpu.sem_alloc : memref<!tpu.dma_semaphore, #tpu.memory_space<semaphore_mem>>
      %dma_start3A = arith.constant 0 : i32
      %dma_start3A_13 = tpu.memref_slice %arg8[%arg0, %mul3A_2, %dma_start3A] : memref<2x10240x128xf32, #tpu.memory_space<hbm>> -> memref<1x640x128xf32, #tpu.memory_space<hbm>>
      %dma_start3A_14 = tpu.memref_squeeze %dma_start3A_13 : memref<1x640x128xf32, #tpu.memory_space<hbm>> -> memref<640x128xf32, #tpu.memory_space<hbm>>
      %dma_start3A_15 = arith.constant 0 : i32
      %dma_start3A_16 = tpu.memref_slice %arg13[%mul3A_2, %dma_start3A_15] : memref<10240x128xf32, #tpu.memory_space<vmem_shared>> -> memref<640x128xf32, #tpu.memory_space<vmem_shared>>
      tpu.enqueue_dma source(%dma_start3A_16 : memref<640x128xf32, #tpu.memory_space<vmem_shared>>) target(%dma_start3A_14 : memref<640x128xf32, #tpu.memory_space<hbm>>) target_semaphore(%run_scoped3A : memref<!tpu.dma_semaphore, #tpu.memory_space<semaphore_mem>>)
      %dma_wait3A = arith.constant 0 : i32
      %dma_wait3A_17 = tpu.memref_slice %arg8[%arg0, %mul3A_2, %dma_wait3A] : memref<2x10240x128xf32, #tpu.memory_space<hbm>> -> memref<1x640x128xf32, #tpu.memory_space<hbm>>
      %dma_wait3A_18 = tpu.memref_squeeze %dma_wait3A_17 : memref<1x640x128xf32, #tpu.memory_space<hbm>> -> memref<640x128xf32, #tpu.memory_space<hbm>>
      %dma_wait3A_19 = arith.constant 0 : i32
      %dma_wait3A_20 = tpu.memref_slice %arg13[%mul3A_2, %dma_wait3A_19] : memref<10240x128xf32, #tpu.memory_space<vmem_shared>> -> memref<640x128xf32, #tpu.memory_space<vmem_shared>>
      tpu.wait_dma2 semaphore(%run_scoped3A : memref<!tpu.dma_semaphore, #tpu.memory_space<semaphore_mem>>) src(%dma_wait3A_20 : memref<640x128xf32, #tpu.memory_space<vmem_shared>>) dst(%dma_wait3A_18 : memref<640x128xf32, #tpu.memory_space<hbm>>)
      tpu.yield
    }) : () -> ()
    "tpu.region"() ({
      %run_scoped3A = tpu.sem_alloc : memref<!tpu.dma_semaphore, #tpu.memory_space<semaphore_mem>>
      %dma_start3A = tpu.memref_slice %arg9[%arg0, %mul3A_2] : memref<2x10240xf32, #tpu.memory_space<hbm>> -> memref<1x640xf32, #tpu.memory_space<hbm>>
      %dma_start3A_13 = tpu.memref_squeeze %dma_start3A : memref<1x640xf32, #tpu.memory_space<hbm>> -> memref<640xf32, #tpu.memory_space<hbm>>
      %dma_start3A_14 = tpu.memref_slice %arg16[%mul3A_2] : memref<10240xf32, #tpu.memory_space<vmem_shared>> -> memref<640xf32, #tpu.memory_space<vmem_shared>>
      tpu.enqueue_dma source(%dma_start3A_14 : memref<640xf32, #tpu.memory_space<vmem_shared>>) target(%dma_start3A_13 : memref<640xf32, #tpu.memory_space<hbm>>) target_semaphore(%run_scoped3A : memref<!tpu.dma_semaphore, #tpu.memory_space<semaphore_mem>>)
      %dma_wait3A = tpu.memref_slice %arg9[%arg0, %mul3A_2] : memref<2x10240xf32, #tpu.memory_space<hbm>> -> memref<1x640xf32, #tpu.memory_space<hbm>>
      %dma_wait3A_15 = tpu.memref_squeeze %dma_wait3A : memref<1x640xf32, #tpu.memory_space<hbm>> -> memref<640xf32, #tpu.memory_space<hbm>>
      %dma_wait3A_16 = tpu.memref_slice %arg16[%mul3A_2] : memref<10240xf32, #tpu.memory_space<vmem_shared>> -> memref<640xf32, #tpu.memory_space<vmem_shared>>
      tpu.wait_dma2 semaphore(%run_scoped3A : memref<!tpu.dma_semaphore, #tpu.memory_space<semaphore_mem>>) src(%dma_wait3A_16 : memref<640xf32, #tpu.memory_space<vmem_shared>>) dst(%dma_wait3A_15 : memref<640xf32, #tpu.memory_space<hbm>>)
      tpu.yield
    }) : () -> ()
    return
  }
}

#map = affine_map<(d0, d1) -> (0, 0)>
#map1 = affine_map<(d0, d1) -> (0)>
#map2 = affine_map<(d0, d1) -> (0, 0, 0)>
module attributes {stable_mosaic.version = 14 : i64} {
  func.func @seg(%arg0: i32, %arg1: i32, %arg2: memref<10000x128xf32, #tpu.memory_space<hbm>>, %arg3: memref<321024xi32, #tpu.memory_space<hbm>>, %arg4: memref<321024xi32, #tpu.memory_space<hbm>>, %arg5: memref<640x128xf32, #tpu.memory_space<hbm>>, %arg6: memref<640xf32, #tpu.memory_space<hbm>>, %arg7: memref<152xf32, #tpu.memory_space<hbm>>, %arg8: memref<2x10240x128xf32, #tpu.memory_space<hbm>>, %arg9: memref<2x10240xf32, #tpu.memory_space<hbm>>, %arg10: memref<152xi32, #tpu.memory_space<vmem>>, %arg11: memref<152xi32, #tpu.memory_space<vmem>>, %arg12: memref<152x128xf32, #tpu.memory_space<vmem>>, %arg13: memref<10240x128xf32, #tpu.memory_space<vmem_shared>>, %arg14: memref<!tpu.dma_semaphore, #tpu.memory_space<semaphore_mem>>, %arg15: memref<152xf32, #tpu.memory_space<vmem>>, %arg16: memref<10240xf32, #tpu.memory_space<vmem_shared>>) attributes {dimension_semantics = [#tpu.dimension_semantics<core_parallel>, #tpu.dimension_semantics<subcore_parallel>], iteration_bounds = array<i64: 2, 16>, scalar_prefetch = 0 : i64, scratch_operands = 7 : i64, tpu.core_type = #tpu.core_type<sc_vector_subcore>, window_params = [{transform_indices = #map}, {transform_indices = #map1}, {transform_indices = #map1}, {transform_indices = #map}, {transform_indices = #map1}, {transform_indices = #map1}, {transform_indices = #map2}, {transform_indices = #map}]} {
    %mul3A = arith.constant 16 : i32
    %mul3A_0 = arith.muli %arg0, %mul3A : i32
    %add3A = arith.addi %mul3A_0, %arg1 : i32
    %mul3A_1 = arith.constant 640 : i32
    %mul3A_2 = arith.muli %arg1, %mul3A_1 : i32
    "tpu.region"() ({
      %run_scoped3A = tpu.sem_alloc : memref<!tpu.dma_semaphore, #tpu.memory_space<semaphore_mem>>
      %dma_start3A = arith.constant 0 : i32
      %dma_start3A_13 = tpu.memref_slice %arg13[%mul3A_2, %dma_start3A] : memref<10240x128xf32, #tpu.memory_space<vmem_shared>> -> memref<640x128xf32, #tpu.memory_space<vmem_shared>>
      tpu.enqueue_dma source(%arg5 : memref<640x128xf32, #tpu.memory_space<hbm>>) target(%dma_start3A_13 : memref<640x128xf32, #tpu.memory_space<vmem_shared>>) target_semaphore(%run_scoped3A : memref<!tpu.dma_semaphore, #tpu.memory_space<semaphore_mem>>)
      %dma_wait3A = arith.constant 0 : i32
      %dma_wait3A_14 = tpu.memref_slice %arg13[%mul3A_2, %dma_wait3A] : memref<10240x128xf32, #tpu.memory_space<vmem_shared>> -> memref<640x128xf32, #tpu.memory_space<vmem_shared>>
      tpu.wait_dma2 semaphore(%run_scoped3A : memref<!tpu.dma_semaphore, #tpu.memory_space<semaphore_mem>>) src(%arg5 : memref<640x128xf32, #tpu.memory_space<hbm>>) dst(%dma_wait3A_14 : memref<640x128xf32, #tpu.memory_space<vmem_shared>>)
      tpu.yield
    }) : () -> ()
    "tpu.region"() ({
      %run_scoped3A = tpu.sem_alloc : memref<!tpu.dma_semaphore, #tpu.memory_space<semaphore_mem>>
      %dma_start3A = tpu.memref_slice %arg16[%mul3A_2] : memref<10240xf32, #tpu.memory_space<vmem_shared>> -> memref<640xf32, #tpu.memory_space<vmem_shared>>
      tpu.enqueue_dma source(%arg6 : memref<640xf32, #tpu.memory_space<hbm>>) target(%dma_start3A : memref<640xf32, #tpu.memory_space<vmem_shared>>) target_semaphore(%run_scoped3A : memref<!tpu.dma_semaphore, #tpu.memory_space<semaphore_mem>>)
      %dma_wait3A = tpu.memref_slice %arg16[%mul3A_2] : memref<10240xf32, #tpu.memory_space<vmem_shared>> -> memref<640xf32, #tpu.memory_space<vmem_shared>>
      tpu.wait_dma2 semaphore(%run_scoped3A : memref<!tpu.dma_semaphore, #tpu.memory_space<semaphore_mem>>) src(%arg6 : memref<640xf32, #tpu.memory_space<hbm>>) dst(%dma_wait3A : memref<640xf32, #tpu.memory_space<vmem_shared>>)
      tpu.yield
    }) : () -> ()
    "tpu.region"() ({
      %run_scoped3A = tpu.sem_alloc : memref<!tpu.dma_semaphore, #tpu.memory_space<semaphore_mem>>
      tpu.enqueue_dma source(%arg7 : memref<152xf32, #tpu.memory_space<hbm>>) target(%arg15 : memref<152xf32, #tpu.memory_space<vmem>>) target_semaphore(%run_scoped3A : memref<!tpu.dma_semaphore, #tpu.memory_space<semaphore_mem>>)
      tpu.wait_dma2 semaphore(%run_scoped3A : memref<!tpu.dma_semaphore, #tpu.memory_space<semaphore_mem>>) src(%arg7 : memref<152xf32, #tpu.memory_space<hbm>>) dst(%arg15 : memref<152xf32, #tpu.memory_space<vmem>>)
      tpu.yield
    }) : () -> ()
    %barrier3A = arith.constant 0 : index
    tpu.barrier barrier_id(%barrier3A)
    %mul3A_3 = arith.constant 66 : i32
    %mul3A_4 = arith.muli %add3A, %mul3A_3 : i32
    %mul3A_5 = arith.constant 152 : i32
    %mul3A_6 = arith.muli %mul3A_4, %mul3A_5 : i32
    %scan3A = arith.constant 0 : i32
    %scan3A_7 = arith.constant 0 : i32
    %scan3A_8 = arith.constant 66 : i32
    %scan3A_9 = arith.addi %scan3A_7, %scan3A_8 : i32
    %scan3A_10 = arith.constant 1 : i32
    scf.for %scan3A_13 = %scan3A_7 to %scan3A_9 step %scan3A_10  : i32 {
      %mul3A_14 = arith.constant 152 : i32
      %mul3A_15 = arith.muli %scan3A_13, %mul3A_14 : i32
      %add3A_16 = arith.addi %mul3A_6, %mul3A_15 : i32
      "tpu.region"() ({
        %run_scoped3A = tpu.sem_alloc : memref<!tpu.dma_semaphore, #tpu.memory_space<semaphore_mem>>
        %dma_start3A_21 = tpu.memref_slice %arg3[%add3A_16] : memref<321024xi32, #tpu.memory_space<hbm>> -> memref<152xi32, #tpu.memory_space<hbm>>
        %dma_start3A_22 = tpu.memref_slice %arg3[%add3A_16] : memref<321024xi32, #tpu.memory_space<hbm>> -> memref<152xi32, #tpu.memory_space<hbm>>
        tpu.enqueue_dma source(%dma_start3A_22 : memref<152xi32, #tpu.memory_space<hbm>>) target(%arg10 : memref<152xi32, #tpu.memory_space<vmem>>) target_semaphore(%run_scoped3A : memref<!tpu.dma_semaphore, #tpu.memory_space<semaphore_mem>>)
        %dma_wait3A_23 = tpu.memref_slice %arg3[%add3A_16] : memref<321024xi32, #tpu.memory_space<hbm>> -> memref<152xi32, #tpu.memory_space<hbm>>
        %dma_wait3A_24 = tpu.memref_slice %arg3[%add3A_16] : memref<321024xi32, #tpu.memory_space<hbm>> -> memref<152xi32, #tpu.memory_space<hbm>>
        tpu.wait_dma2 semaphore(%run_scoped3A : memref<!tpu.dma_semaphore, #tpu.memory_space<semaphore_mem>>) src(%dma_wait3A_24 : memref<152xi32, #tpu.memory_space<hbm>>) dst(%arg10 : memref<152xi32, #tpu.memory_space<vmem>>)
        tpu.yield
      }) : () -> ()
      "tpu.region"() ({
        %run_scoped3A = tpu.sem_alloc : memref<!tpu.dma_semaphore, #tpu.memory_space<semaphore_mem>>
        %dma_start3A_21 = tpu.memref_slice %arg4[%add3A_16] : memref<321024xi32, #tpu.memory_space<hbm>> -> memref<152xi32, #tpu.memory_space<hbm>>
        %dma_start3A_22 = tpu.memref_slice %arg4[%add3A_16] : memref<321024xi32, #tpu.memory_space<hbm>> -> memref<152xi32, #tpu.memory_space<hbm>>
        tpu.enqueue_dma source(%dma_start3A_22 : memref<152xi32, #tpu.memory_space<hbm>>) target(%arg11 : memref<152xi32, #tpu.memory_space<vmem>>) target_semaphore(%run_scoped3A : memref<!tpu.dma_semaphore, #tpu.memory_space<semaphore_mem>>)
        %dma_wait3A_23 = tpu.memref_slice %arg4[%add3A_16] : memref<321024xi32, #tpu.memory_space<hbm>> -> memref<152xi32, #tpu.memory_space<hbm>>
        %dma_wait3A_24 = tpu.memref_slice %arg4[%add3A_16] : memref<321024xi32, #tpu.memory_space<hbm>> -> memref<152xi32, #tpu.memory_space<hbm>>
        tpu.wait_dma2 semaphore(%run_scoped3A : memref<!tpu.dma_semaphore, #tpu.memory_space<semaphore_mem>>) src(%dma_wait3A_24 : memref<152xi32, #tpu.memory_space<hbm>>) dst(%arg11 : memref<152xi32, #tpu.memory_space<vmem>>)
        tpu.yield
      }) : () -> ()
      %dma_start3A = arith.constant 0 : i32
      %dma_start3A_17 = arith.constant 0 : i32
      %dma_start3A_18 = tpu.memref_slice %arg2[%dma_start3A, %dma_start3A_17] : memref<10000x128xf32, #tpu.memory_space<hbm>> -> memref<10000x128xf32, #tpu.memory_space<hbm>>
      tpu.enqueue_indirect_dma source(%dma_start3A_18 : memref<10000x128xf32, #tpu.memory_space<hbm>>) target(%arg12 : memref<152x128xf32, #tpu.memory_space<vmem>>) offsets(%arg10 : memref<152xi32, #tpu.memory_space<vmem>>) semaphore(%arg14 : memref<!tpu.dma_semaphore, #tpu.memory_space<semaphore_mem>>)
      %dma_wait3A = arith.constant 0 : i32
      %dma_wait3A_19 = arith.constant 0 : i32
      %dma_wait3A_20 = tpu.memref_slice %arg2[%dma_wait3A, %dma_wait3A_19] : memref<10000x128xf32, #tpu.memory_space<hbm>> -> memref<10000x128xf32, #tpu.memory_space<hbm>>
      tpu.wait_indirect_dma semaphore(%arg14 : memref<!tpu.dma_semaphore, #tpu.memory_space<semaphore_mem>>) src(%dma_wait3A_20 : memref<10000x128xf32, #tpu.memory_space<hbm>>) dst(%arg12 : memref<152x128xf32, #tpu.memory_space<vmem>>)
      "tpu.region"() ({
        %run_scoped3A = tpu.sem_alloc : memref<!tpu.dma_semaphore, #tpu.memory_space<semaphore_mem>>
        %dma_start3A_21 = arith.constant 0 : i32
        %dma_start3A_22 = arith.constant 0 : i32
        %dma_start3A_23 = tpu.memref_slice %arg13[%dma_start3A_21, %dma_start3A_22] : memref<10240x128xf32, #tpu.memory_space<vmem_shared>> -> memref<10240x128xf32, #tpu.memory_space<vmem_shared>>
        tpu.enqueue_indirect_dma source(%arg12 : memref<152x128xf32, #tpu.memory_space<vmem>>) target(%dma_start3A_23 : memref<10240x128xf32, #tpu.memory_space<vmem_shared>>) offsets(%arg11 : memref<152xi32, #tpu.memory_space<vmem>>) semaphore(%run_scoped3A : memref<!tpu.dma_semaphore, #tpu.memory_space<semaphore_mem>>) {add = true}
        %dma_wait3A_24 = arith.constant 0 : i32
        %dma_wait3A_25 = arith.constant 0 : i32
        %dma_wait3A_26 = tpu.memref_slice %arg13[%dma_wait3A_24, %dma_wait3A_25] : memref<10240x128xf32, #tpu.memory_space<vmem_shared>> -> memref<10240x128xf32, #tpu.memory_space<vmem_shared>>
        tpu.wait_indirect_dma semaphore(%run_scoped3A : memref<!tpu.dma_semaphore, #tpu.memory_space<semaphore_mem>>) src(%arg12 : memref<152x128xf32, #tpu.memory_space<vmem>>) dst(%dma_wait3A_26 : memref<10240x128xf32, #tpu.memory_space<vmem_shared>>)
        tpu.yield
      }) : () -> ()
      "tpu.region"() ({
        %run_scoped3A = tpu.sem_alloc : memref<!tpu.dma_semaphore, #tpu.memory_space<semaphore_mem>>
        %dma_start3A_21 = arith.constant 0 : i32
        %dma_start3A_22 = tpu.memref_slice %arg16[%dma_start3A_21] : memref<10240xf32, #tpu.memory_space<vmem_shared>> -> memref<10240xf32, #tpu.memory_space<vmem_shared>>
        tpu.enqueue_indirect_dma source(%arg15 : memref<152xf32, #tpu.memory_space<vmem>>) target(%dma_start3A_22 : memref<10240xf32, #tpu.memory_space<vmem_shared>>) offsets(%arg11 : memref<152xi32, #tpu.memory_space<vmem>>) semaphore(%run_scoped3A : memref<!tpu.dma_semaphore, #tpu.memory_space<semaphore_mem>>) {add = true}
        %dma_wait3A_23 = arith.constant 0 : i32
        %dma_wait3A_24 = tpu.memref_slice %arg16[%dma_wait3A_23] : memref<10240xf32, #tpu.memory_space<vmem_shared>> -> memref<10240xf32, #tpu.memory_space<vmem_shared>>
        tpu.wait_indirect_dma semaphore(%run_scoped3A : memref<!tpu.dma_semaphore, #tpu.memory_space<semaphore_mem>>) src(%arg15 : memref<152xf32, #tpu.memory_space<vmem>>) dst(%dma_wait3A_24 : memref<10240xf32, #tpu.memory_space<vmem_shared>>)
        tpu.yield
      }) : () -> ()
    }
    %scan3A_11 = arith.constant 66 : i32
    %barrier3A_12 = arith.constant 0 : index
    tpu.barrier barrier_id(%barrier3A_12)
    "tpu.region"() ({
      %run_scoped3A = tpu.sem_alloc : memref<!tpu.dma_semaphore, #tpu.memory_space<semaphore_mem>>
      %dma_start3A = arith.constant 0 : i32
      %dma_start3A_13 = tpu.memref_slice %arg8[%arg0, %mul3A_2, %dma_start3A] : memref<2x10240x128xf32, #tpu.memory_space<hbm>> -> memref<1x640x128xf32, #tpu.memory_space<hbm>>
      %dma_start3A_14 = tpu.memref_squeeze %dma_start3A_13 : memref<1x640x128xf32, #tpu.memory_space<hbm>> -> memref<640x128xf32, #tpu.memory_space<hbm>>
      %dma_start3A_15 = arith.constant 0 : i32
      %dma_start3A_16 = tpu.memref_slice %arg13[%mul3A_2, %dma_start3A_15] : memref<10240x128xf32, #tpu.memory_space<vmem_shared>> -> memref<640x128xf32, #tpu.memory_space<vmem_shared>>
      tpu.enqueue_dma source(%dma_start3A_16 : memref<640x128xf32, #tpu.memory_space<vmem_shared>>) target(%dma_start3A_14 : memref<640x128xf32, #tpu.memory_space<hbm>>) target_semaphore(%run_scoped3A : memref<!tpu.dma_semaphore, #tpu.memory_space<semaphore_mem>>)
      %dma_wait3A = arith.constant 0 : i32
      %dma_wait3A_17 = tpu.memref_slice %arg8[%arg0, %mul3A_2, %dma_wait3A] : memref<2x10240x128xf32, #tpu.memory_space<hbm>> -> memref<1x640x128xf32, #tpu.memory_space<hbm>>
      %dma_wait3A_18 = tpu.memref_squeeze %dma_wait3A_17 : memref<1x640x128xf32, #tpu.memory_space<hbm>> -> memref<640x128xf32, #tpu.memory_space<hbm>>
      %dma_wait3A_19 = arith.constant 0 : i32
      %dma_wait3A_20 = tpu.memref_slice %arg13[%mul3A_2, %dma_wait3A_19] : memref<10240x128xf32, #tpu.memory_space<vmem_shared>> -> memref<640x128xf32, #tpu.memory_space<vmem_shared>>
      tpu.wait_dma2 semaphore(%run_scoped3A : memref<!tpu.dma_semaphore, #tpu.memory_space<semaphore_mem>>) src(%dma_wait3A_20 : memref<640x128xf32, #tpu.memory_space<vmem_shared>>) dst(%dma_wait3A_18 : memref<640x128xf32, #tpu.memory_space<hbm>>)
      tpu.yield
    }) : () -> ()
    "tpu.region"() ({
      %run_scoped3A = tpu.sem_alloc : memref<!tpu.dma_semaphore, #tpu.memory_space<semaphore_mem>>
      %dma_start3A = tpu.memref_slice %arg9[%arg0, %mul3A_2] : memref<2x10240xf32, #tpu.memory_space<hbm>> -> memref<1x640xf32, #tpu.memory_space<hbm>>
      %dma_start3A_13 = tpu.memref_squeeze %dma_start3A : memref<1x640xf32, #tpu.memory_space<hbm>> -> memref<640xf32, #tpu.memory_space<hbm>>
      %dma_start3A_14 = tpu.memref_slice %arg16[%mul3A_2] : memref<10240xf32, #tpu.memory_space<vmem_shared>> -> memref<640xf32, #tpu.memory_space<vmem_shared>>
      tpu.enqueue_dma source(%dma_start3A_14 : memref<640xf32, #tpu.memory_space<vmem_shared>>) target(%dma_start3A_13 : memref<640xf32, #tpu.memory_space<hbm>>) target_semaphore(%run_scoped3A : memref<!tpu.dma_semaphore, #tpu.memory_space<semaphore_mem>>)
      %dma_wait3A = tpu.memref_slice %arg9[%arg0, %mul3A_2] : memref<2x10240xf32, #tpu.memory_space<hbm>> -> memref<1x640xf32, #tpu.memory_space<hbm>>
      %dma_wait3A_15 = tpu.memref_squeeze %dma_wait3A : memref<1x640xf32, #tpu.memory_space<hbm>> -> memref<640xf32, #tpu.memory_space<hbm>>
      %dma_wait3A_16 = tpu.memref_slice %arg16[%mul3A_2] : memref<10240xf32, #tpu.memory_space<vmem_shared>> -> memref<640xf32, #tpu.memory_space<vmem_shared>>
      tpu.wait_dma2 semaphore(%run_scoped3A : memref<!tpu.dma_semaphore, #tpu.memory_space<semaphore_mem>>) src(%dma_wait3A_16 : memref<640xf32, #tpu.memory_space<vmem_shared>>) dst(%dma_wait3A_15 : memref<640xf32, #tpu.memory_space<hbm>>)
      tpu.yield
    }) : () -> ()
    return
  }
}

#map = affine_map<(d0, d1) -> (0, 0)>
#map1 = affine_map<(d0, d1) -> (0)>
#map2 = affine_map<(d0, d1) -> (0, 0, 0)>
module attributes {stable_mosaic.version = 14 : i64} {
  func.func @seg(%arg0: i32, %arg1: i32, %arg2: memref<10000x128xf32, #tpu.memory_space<hbm>>, %arg3: memref<321024xi32, #tpu.memory_space<hbm>>, %arg4: memref<321024xi32, #tpu.memory_space<hbm>>, %arg5: memref<640x128xf32, #tpu.memory_space<hbm>>, %arg6: memref<2x10240x128xf32, #tpu.memory_space<hbm>>, %arg7: memref<152xi32, #tpu.memory_space<vmem>>, %arg8: memref<152xi32, #tpu.memory_space<vmem>>, %arg9: memref<152x128xf32, #tpu.memory_space<vmem>>, %arg10: memref<10240x128xf32, #tpu.memory_space<vmem_shared>>, %arg11: memref<!tpu.dma_semaphore, #tpu.memory_space<semaphore_mem>>) attributes {dimension_semantics = [#tpu.dimension_semantics<core_parallel>, #tpu.dimension_semantics<subcore_parallel>], iteration_bounds = array<i64: 2, 16>, scalar_prefetch = 0 : i64, scratch_operands = 5 : i64, tpu.core_type = #tpu.core_type<sc_vector_subcore>, window_params = [{transform_indices = #map}, {transform_indices = #map1}, {transform_indices = #map1}, {transform_indices = #map}, {transform_indices = #map2}]} {
    %mul3A = arith.constant 16 : i32
    %mul3A_0 = arith.muli %arg0, %mul3A : i32
    %add3A = arith.addi %mul3A_0, %arg1 : i32
    %mul3A_1 = arith.constant 640 : i32
    %mul3A_2 = arith.muli %arg1, %mul3A_1 : i32
    "tpu.region"() ({
      %run_scoped3A = tpu.sem_alloc : memref<!tpu.dma_semaphore, #tpu.memory_space<semaphore_mem>>
      %dma_start3A = arith.constant 0 : i32
      %dma_start3A_13 = tpu.memref_slice %arg10[%mul3A_2, %dma_start3A] : memref<10240x128xf32, #tpu.memory_space<vmem_shared>> -> memref<640x128xf32, #tpu.memory_space<vmem_shared>>
      tpu.enqueue_dma source(%arg5 : memref<640x128xf32, #tpu.memory_space<hbm>>) target(%dma_start3A_13 : memref<640x128xf32, #tpu.memory_space<vmem_shared>>) target_semaphore(%run_scoped3A : memref<!tpu.dma_semaphore, #tpu.memory_space<semaphore_mem>>)
      %dma_wait3A = arith.constant 0 : i32
      %dma_wait3A_14 = tpu.memref_slice %arg10[%mul3A_2, %dma_wait3A] : memref<10240x128xf32, #tpu.memory_space<vmem_shared>> -> memref<640x128xf32, #tpu.memory_space<vmem_shared>>
      tpu.wait_dma2 semaphore(%run_scoped3A : memref<!tpu.dma_semaphore, #tpu.memory_space<semaphore_mem>>) src(%arg5 : memref<640x128xf32, #tpu.memory_space<hbm>>) dst(%dma_wait3A_14 : memref<640x128xf32, #tpu.memory_space<vmem_shared>>)
      tpu.yield
    }) : () -> ()
    %barrier3A = arith.constant 0 : index
    tpu.barrier barrier_id(%barrier3A)
    %mul3A_3 = arith.constant 66 : i32
    %mul3A_4 = arith.muli %add3A, %mul3A_3 : i32
    %mul3A_5 = arith.constant 152 : i32
    %mul3A_6 = arith.muli %mul3A_4, %mul3A_5 : i32
    %scan3A = arith.constant 0 : i32
    %scan3A_7 = arith.constant 0 : i32
    %scan3A_8 = arith.constant 66 : i32
    %scan3A_9 = arith.addi %scan3A_7, %scan3A_8 : i32
    %scan3A_10 = arith.constant 1 : i32
    scf.for %scan3A_13 = %scan3A_7 to %scan3A_9 step %scan3A_10  : i32 {
      %mul3A_14 = arith.constant 152 : i32
      %mul3A_15 = arith.muli %scan3A_13, %mul3A_14 : i32
      %add3A_16 = arith.addi %mul3A_6, %mul3A_15 : i32
      "tpu.region"() ({
        %run_scoped3A = tpu.sem_alloc : memref<!tpu.dma_semaphore, #tpu.memory_space<semaphore_mem>>
        %dma_start3A_21 = tpu.memref_slice %arg3[%add3A_16] : memref<321024xi32, #tpu.memory_space<hbm>> -> memref<152xi32, #tpu.memory_space<hbm>>
        %dma_start3A_22 = tpu.memref_slice %arg3[%add3A_16] : memref<321024xi32, #tpu.memory_space<hbm>> -> memref<152xi32, #tpu.memory_space<hbm>>
        tpu.enqueue_dma source(%dma_start3A_22 : memref<152xi32, #tpu.memory_space<hbm>>) target(%arg7 : memref<152xi32, #tpu.memory_space<vmem>>) target_semaphore(%run_scoped3A : memref<!tpu.dma_semaphore, #tpu.memory_space<semaphore_mem>>)
        %dma_wait3A_23 = tpu.memref_slice %arg3[%add3A_16] : memref<321024xi32, #tpu.memory_space<hbm>> -> memref<152xi32, #tpu.memory_space<hbm>>
        %dma_wait3A_24 = tpu.memref_slice %arg3[%add3A_16] : memref<321024xi32, #tpu.memory_space<hbm>> -> memref<152xi32, #tpu.memory_space<hbm>>
        tpu.wait_dma2 semaphore(%run_scoped3A : memref<!tpu.dma_semaphore, #tpu.memory_space<semaphore_mem>>) src(%dma_wait3A_24 : memref<152xi32, #tpu.memory_space<hbm>>) dst(%arg7 : memref<152xi32, #tpu.memory_space<vmem>>)
        tpu.yield
      }) : () -> ()
      "tpu.region"() ({
        %run_scoped3A = tpu.sem_alloc : memref<!tpu.dma_semaphore, #tpu.memory_space<semaphore_mem>>
        %dma_start3A_21 = tpu.memref_slice %arg4[%add3A_16] : memref<321024xi32, #tpu.memory_space<hbm>> -> memref<152xi32, #tpu.memory_space<hbm>>
        %dma_start3A_22 = tpu.memref_slice %arg4[%add3A_16] : memref<321024xi32, #tpu.memory_space<hbm>> -> memref<152xi32, #tpu.memory_space<hbm>>
        tpu.enqueue_dma source(%dma_start3A_22 : memref<152xi32, #tpu.memory_space<hbm>>) target(%arg8 : memref<152xi32, #tpu.memory_space<vmem>>) target_semaphore(%run_scoped3A : memref<!tpu.dma_semaphore, #tpu.memory_space<semaphore_mem>>)
        %dma_wait3A_23 = tpu.memref_slice %arg4[%add3A_16] : memref<321024xi32, #tpu.memory_space<hbm>> -> memref<152xi32, #tpu.memory_space<hbm>>
        %dma_wait3A_24 = tpu.memref_slice %arg4[%add3A_16] : memref<321024xi32, #tpu.memory_space<hbm>> -> memref<152xi32, #tpu.memory_space<hbm>>
        tpu.wait_dma2 semaphore(%run_scoped3A : memref<!tpu.dma_semaphore, #tpu.memory_space<semaphore_mem>>) src(%dma_wait3A_24 : memref<152xi32, #tpu.memory_space<hbm>>) dst(%arg8 : memref<152xi32, #tpu.memory_space<vmem>>)
        tpu.yield
      }) : () -> ()
      %dma_start3A = arith.constant 0 : i32
      %dma_start3A_17 = arith.constant 0 : i32
      %dma_start3A_18 = tpu.memref_slice %arg2[%dma_start3A, %dma_start3A_17] : memref<10000x128xf32, #tpu.memory_space<hbm>> -> memref<10000x128xf32, #tpu.memory_space<hbm>>
      tpu.enqueue_indirect_dma source(%dma_start3A_18 : memref<10000x128xf32, #tpu.memory_space<hbm>>) target(%arg9 : memref<152x128xf32, #tpu.memory_space<vmem>>) offsets(%arg7 : memref<152xi32, #tpu.memory_space<vmem>>) semaphore(%arg11 : memref<!tpu.dma_semaphore, #tpu.memory_space<semaphore_mem>>)
      %dma_wait3A = arith.constant 0 : i32
      %dma_wait3A_19 = arith.constant 0 : i32
      %dma_wait3A_20 = tpu.memref_slice %arg2[%dma_wait3A, %dma_wait3A_19] : memref<10000x128xf32, #tpu.memory_space<hbm>> -> memref<10000x128xf32, #tpu.memory_space<hbm>>
      tpu.wait_indirect_dma semaphore(%arg11 : memref<!tpu.dma_semaphore, #tpu.memory_space<semaphore_mem>>) src(%dma_wait3A_20 : memref<10000x128xf32, #tpu.memory_space<hbm>>) dst(%arg9 : memref<152x128xf32, #tpu.memory_space<vmem>>)
      "tpu.region"() ({
        %run_scoped3A = tpu.sem_alloc : memref<!tpu.dma_semaphore, #tpu.memory_space<semaphore_mem>>
        %dma_start3A_21 = arith.constant 0 : i32
        %dma_start3A_22 = arith.constant 0 : i32
        %dma_start3A_23 = tpu.memref_slice %arg10[%dma_start3A_21, %dma_start3A_22] : memref<10240x128xf32, #tpu.memory_space<vmem_shared>> -> memref<10240x128xf32, #tpu.memory_space<vmem_shared>>
        tpu.enqueue_indirect_dma source(%arg9 : memref<152x128xf32, #tpu.memory_space<vmem>>) target(%dma_start3A_23 : memref<10240x128xf32, #tpu.memory_space<vmem_shared>>) offsets(%arg8 : memref<152xi32, #tpu.memory_space<vmem>>) semaphore(%run_scoped3A : memref<!tpu.dma_semaphore, #tpu.memory_space<semaphore_mem>>) {add = true}
        %dma_wait3A_24 = arith.constant 0 : i32
        %dma_wait3A_25 = arith.constant 0 : i32
        %dma_wait3A_26 = tpu.memref_slice %arg10[%dma_wait3A_24, %dma_wait3A_25] : memref<10240x128xf32, #tpu.memory_space<vmem_shared>> -> memref<10240x128xf32, #tpu.memory_space<vmem_shared>>
        tpu.wait_indirect_dma semaphore(%run_scoped3A : memref<!tpu.dma_semaphore, #tpu.memory_space<semaphore_mem>>) src(%arg9 : memref<152x128xf32, #tpu.memory_space<vmem>>) dst(%dma_wait3A_26 : memref<10240x128xf32, #tpu.memory_space<vmem_shared>>)
        tpu.yield
      }) : () -> ()
    }
    %scan3A_11 = arith.constant 66 : i32
    %barrier3A_12 = arith.constant 0 : index
    tpu.barrier barrier_id(%barrier3A_12)
    "tpu.region"() ({
      %run_scoped3A = tpu.sem_alloc : memref<!tpu.dma_semaphore, #tpu.memory_space<semaphore_mem>>
      %dma_start3A = arith.constant 0 : i32
      %dma_start3A_13 = tpu.memref_slice %arg6[%arg0, %mul3A_2, %dma_start3A] : memref<2x10240x128xf32, #tpu.memory_space<hbm>> -> memref<1x640x128xf32, #tpu.memory_space<hbm>>
      %dma_start3A_14 = tpu.memref_squeeze %dma_start3A_13 : memref<1x640x128xf32, #tpu.memory_space<hbm>> -> memref<640x128xf32, #tpu.memory_space<hbm>>
      %dma_start3A_15 = arith.constant 0 : i32
      %dma_start3A_16 = tpu.memref_slice %arg10[%mul3A_2, %dma_start3A_15] : memref<10240x128xf32, #tpu.memory_space<vmem_shared>> -> memref<640x128xf32, #tpu.memory_space<vmem_shared>>
      tpu.enqueue_dma source(%dma_start3A_16 : memref<640x128xf32, #tpu.memory_space<vmem_shared>>) target(%dma_start3A_14 : memref<640x128xf32, #tpu.memory_space<hbm>>) target_semaphore(%run_scoped3A : memref<!tpu.dma_semaphore, #tpu.memory_space<semaphore_mem>>)
      %dma_wait3A = arith.constant 0 : i32
      %dma_wait3A_17 = tpu.memref_slice %arg6[%arg0, %mul3A_2, %dma_wait3A] : memref<2x10240x128xf32, #tpu.memory_space<hbm>> -> memref<1x640x128xf32, #tpu.memory_space<hbm>>
      %dma_wait3A_18 = tpu.memref_squeeze %dma_wait3A_17 : memref<1x640x128xf32, #tpu.memory_space<hbm>> -> memref<640x128xf32, #tpu.memory_space<hbm>>
      %dma_wait3A_19 = arith.constant 0 : i32
      %dma_wait3A_20 = tpu.memref_slice %arg10[%mul3A_2, %dma_wait3A_19] : memref<10240x128xf32, #tpu.memory_space<vmem_shared>> -> memref<640x128xf32, #tpu.memory_space<vmem_shared>>
      tpu.wait_dma2 semaphore(%run_scoped3A : memref<!tpu.dma_semaphore, #tpu.memory_space<semaphore_mem>>) src(%dma_wait3A_20 : memref<640x128xf32, #tpu.memory_space<vmem_shared>>) dst(%dma_wait3A_18 : memref<640x128xf32, #tpu.memory_space<hbm>>)
      tpu.yield
    }) : () -> ()
    return
  }
}

#map = affine_map<(d0, d1) -> (0, 0)>
#map1 = affine_map<(d0, d1) -> (0)>
#map2 = affine_map<(d0, d1) -> (0, 0, 0)>
module attributes {stable_mosaic.version = 14 : i64} {
  func.func @seg(%arg0: i32, %arg1: i32, %arg2: memref<10000x128xf32, #tpu.memory_space<hbm>>, %arg3: memref<160512xi32, #tpu.memory_space<hbm>>, %arg4: memref<160512xi32, #tpu.memory_space<hbm>>, %arg5: memref<640x128xf32, #tpu.memory_space<hbm>>, %arg6: memref<2x10240x128xf32, #tpu.memory_space<hbm>>, %arg7: memref<152xi32, #tpu.memory_space<vmem>>, %arg8: memref<152xi32, #tpu.memory_space<vmem>>, %arg9: memref<152x128xf32, #tpu.memory_space<vmem>>, %arg10: memref<10240x128xf32, #tpu.memory_space<vmem_shared>>, %arg11: memref<!tpu.dma_semaphore, #tpu.memory_space<semaphore_mem>>) attributes {dimension_semantics = [#tpu.dimension_semantics<core_parallel>, #tpu.dimension_semantics<subcore_parallel>], iteration_bounds = array<i64: 2, 16>, scalar_prefetch = 0 : i64, scratch_operands = 5 : i64, tpu.core_type = #tpu.core_type<sc_vector_subcore>, window_params = [{transform_indices = #map}, {transform_indices = #map1}, {transform_indices = #map1}, {transform_indices = #map}, {transform_indices = #map2}]} {
    %mul3A = arith.constant 16 : i32
    %mul3A_0 = arith.muli %arg0, %mul3A : i32
    %add3A = arith.addi %mul3A_0, %arg1 : i32
    %mul3A_1 = arith.constant 640 : i32
    %mul3A_2 = arith.muli %arg1, %mul3A_1 : i32
    "tpu.region"() ({
      %run_scoped3A = tpu.sem_alloc : memref<!tpu.dma_semaphore, #tpu.memory_space<semaphore_mem>>
      %dma_start3A = arith.constant 0 : i32
      %dma_start3A_13 = tpu.memref_slice %arg10[%mul3A_2, %dma_start3A] : memref<10240x128xf32, #tpu.memory_space<vmem_shared>> -> memref<640x128xf32, #tpu.memory_space<vmem_shared>>
      tpu.enqueue_dma source(%arg5 : memref<640x128xf32, #tpu.memory_space<hbm>>) target(%dma_start3A_13 : memref<640x128xf32, #tpu.memory_space<vmem_shared>>) target_semaphore(%run_scoped3A : memref<!tpu.dma_semaphore, #tpu.memory_space<semaphore_mem>>)
      %dma_wait3A = arith.constant 0 : i32
      %dma_wait3A_14 = tpu.memref_slice %arg10[%mul3A_2, %dma_wait3A] : memref<10240x128xf32, #tpu.memory_space<vmem_shared>> -> memref<640x128xf32, #tpu.memory_space<vmem_shared>>
      tpu.wait_dma2 semaphore(%run_scoped3A : memref<!tpu.dma_semaphore, #tpu.memory_space<semaphore_mem>>) src(%arg5 : memref<640x128xf32, #tpu.memory_space<hbm>>) dst(%dma_wait3A_14 : memref<640x128xf32, #tpu.memory_space<vmem_shared>>)
      tpu.yield
    }) : () -> ()
    %barrier3A = arith.constant 0 : index
    tpu.barrier barrier_id(%barrier3A)
    %mul3A_3 = arith.constant 33 : i32
    %mul3A_4 = arith.muli %add3A, %mul3A_3 : i32
    %mul3A_5 = arith.constant 152 : i32
    %mul3A_6 = arith.muli %mul3A_4, %mul3A_5 : i32
    %scan3A = arith.constant 0 : i32
    %scan3A_7 = arith.constant 0 : i32
    %scan3A_8 = arith.constant 33 : i32
    %scan3A_9 = arith.addi %scan3A_7, %scan3A_8 : i32
    %scan3A_10 = arith.constant 1 : i32
    scf.for %scan3A_13 = %scan3A_7 to %scan3A_9 step %scan3A_10  : i32 {
      %mul3A_14 = arith.constant 152 : i32
      %mul3A_15 = arith.muli %scan3A_13, %mul3A_14 : i32
      %add3A_16 = arith.addi %mul3A_6, %mul3A_15 : i32
      "tpu.region"() ({
        %run_scoped3A = tpu.sem_alloc : memref<!tpu.dma_semaphore, #tpu.memory_space<semaphore_mem>>
        %dma_start3A_21 = tpu.memref_slice %arg3[%add3A_16] : memref<160512xi32, #tpu.memory_space<hbm>> -> memref<152xi32, #tpu.memory_space<hbm>>
        %dma_start3A_22 = tpu.memref_slice %arg3[%add3A_16] : memref<160512xi32, #tpu.memory_space<hbm>> -> memref<152xi32, #tpu.memory_space<hbm>>
        tpu.enqueue_dma source(%dma_start3A_22 : memref<152xi32, #tpu.memory_space<hbm>>) target(%arg7 : memref<152xi32, #tpu.memory_space<vmem>>) target_semaphore(%run_scoped3A : memref<!tpu.dma_semaphore, #tpu.memory_space<semaphore_mem>>)
        %dma_wait3A_23 = tpu.memref_slice %arg3[%add3A_16] : memref<160512xi32, #tpu.memory_space<hbm>> -> memref<152xi32, #tpu.memory_space<hbm>>
        %dma_wait3A_24 = tpu.memref_slice %arg3[%add3A_16] : memref<160512xi32, #tpu.memory_space<hbm>> -> memref<152xi32, #tpu.memory_space<hbm>>
        tpu.wait_dma2 semaphore(%run_scoped3A : memref<!tpu.dma_semaphore, #tpu.memory_space<semaphore_mem>>) src(%dma_wait3A_24 : memref<152xi32, #tpu.memory_space<hbm>>) dst(%arg7 : memref<152xi32, #tpu.memory_space<vmem>>)
        tpu.yield
      }) : () -> ()
      "tpu.region"() ({
        %run_scoped3A = tpu.sem_alloc : memref<!tpu.dma_semaphore, #tpu.memory_space<semaphore_mem>>
        %dma_start3A_21 = tpu.memref_slice %arg4[%add3A_16] : memref<160512xi32, #tpu.memory_space<hbm>> -> memref<152xi32, #tpu.memory_space<hbm>>
        %dma_start3A_22 = tpu.memref_slice %arg4[%add3A_16] : memref<160512xi32, #tpu.memory_space<hbm>> -> memref<152xi32, #tpu.memory_space<hbm>>
        tpu.enqueue_dma source(%dma_start3A_22 : memref<152xi32, #tpu.memory_space<hbm>>) target(%arg8 : memref<152xi32, #tpu.memory_space<vmem>>) target_semaphore(%run_scoped3A : memref<!tpu.dma_semaphore, #tpu.memory_space<semaphore_mem>>)
        %dma_wait3A_23 = tpu.memref_slice %arg4[%add3A_16] : memref<160512xi32, #tpu.memory_space<hbm>> -> memref<152xi32, #tpu.memory_space<hbm>>
        %dma_wait3A_24 = tpu.memref_slice %arg4[%add3A_16] : memref<160512xi32, #tpu.memory_space<hbm>> -> memref<152xi32, #tpu.memory_space<hbm>>
        tpu.wait_dma2 semaphore(%run_scoped3A : memref<!tpu.dma_semaphore, #tpu.memory_space<semaphore_mem>>) src(%dma_wait3A_24 : memref<152xi32, #tpu.memory_space<hbm>>) dst(%arg8 : memref<152xi32, #tpu.memory_space<vmem>>)
        tpu.yield
      }) : () -> ()
      %dma_start3A = arith.constant 0 : i32
      %dma_start3A_17 = arith.constant 0 : i32
      %dma_start3A_18 = tpu.memref_slice %arg2[%dma_start3A, %dma_start3A_17] : memref<10000x128xf32, #tpu.memory_space<hbm>> -> memref<10000x128xf32, #tpu.memory_space<hbm>>
      tpu.enqueue_indirect_dma source(%dma_start3A_18 : memref<10000x128xf32, #tpu.memory_space<hbm>>) target(%arg9 : memref<152x128xf32, #tpu.memory_space<vmem>>) offsets(%arg7 : memref<152xi32, #tpu.memory_space<vmem>>) semaphore(%arg11 : memref<!tpu.dma_semaphore, #tpu.memory_space<semaphore_mem>>)
      %dma_wait3A = arith.constant 0 : i32
      %dma_wait3A_19 = arith.constant 0 : i32
      %dma_wait3A_20 = tpu.memref_slice %arg2[%dma_wait3A, %dma_wait3A_19] : memref<10000x128xf32, #tpu.memory_space<hbm>> -> memref<10000x128xf32, #tpu.memory_space<hbm>>
      tpu.wait_indirect_dma semaphore(%arg11 : memref<!tpu.dma_semaphore, #tpu.memory_space<semaphore_mem>>) src(%dma_wait3A_20 : memref<10000x128xf32, #tpu.memory_space<hbm>>) dst(%arg9 : memref<152x128xf32, #tpu.memory_space<vmem>>)
      "tpu.region"() ({
        %run_scoped3A = tpu.sem_alloc : memref<!tpu.dma_semaphore, #tpu.memory_space<semaphore_mem>>
        %dma_start3A_21 = arith.constant 0 : i32
        %dma_start3A_22 = arith.constant 0 : i32
        %dma_start3A_23 = tpu.memref_slice %arg10[%dma_start3A_21, %dma_start3A_22] : memref<10240x128xf32, #tpu.memory_space<vmem_shared>> -> memref<10240x128xf32, #tpu.memory_space<vmem_shared>>
        tpu.enqueue_indirect_dma source(%arg9 : memref<152x128xf32, #tpu.memory_space<vmem>>) target(%dma_start3A_23 : memref<10240x128xf32, #tpu.memory_space<vmem_shared>>) offsets(%arg8 : memref<152xi32, #tpu.memory_space<vmem>>) semaphore(%run_scoped3A : memref<!tpu.dma_semaphore, #tpu.memory_space<semaphore_mem>>) {add = true}
        %dma_wait3A_24 = arith.constant 0 : i32
        %dma_wait3A_25 = arith.constant 0 : i32
        %dma_wait3A_26 = tpu.memref_slice %arg10[%dma_wait3A_24, %dma_wait3A_25] : memref<10240x128xf32, #tpu.memory_space<vmem_shared>> -> memref<10240x128xf32, #tpu.memory_space<vmem_shared>>
        tpu.wait_indirect_dma semaphore(%run_scoped3A : memref<!tpu.dma_semaphore, #tpu.memory_space<semaphore_mem>>) src(%arg9 : memref<152x128xf32, #tpu.memory_space<vmem>>) dst(%dma_wait3A_26 : memref<10240x128xf32, #tpu.memory_space<vmem_shared>>)
        tpu.yield
      }) : () -> ()
    }
    %scan3A_11 = arith.constant 33 : i32
    %barrier3A_12 = arith.constant 0 : index
    tpu.barrier barrier_id(%barrier3A_12)
    "tpu.region"() ({
      %run_scoped3A = tpu.sem_alloc : memref<!tpu.dma_semaphore, #tpu.memory_space<semaphore_mem>>
      %dma_start3A = arith.constant 0 : i32
      %dma_start3A_13 = tpu.memref_slice %arg6[%arg0, %mul3A_2, %dma_start3A] : memref<2x10240x128xf32, #tpu.memory_space<hbm>> -> memref<1x640x128xf32, #tpu.memory_space<hbm>>
      %dma_start3A_14 = tpu.memref_squeeze %dma_start3A_13 : memref<1x640x128xf32, #tpu.memory_space<hbm>> -> memref<640x128xf32, #tpu.memory_space<hbm>>
      %dma_start3A_15 = arith.constant 0 : i32
      %dma_start3A_16 = tpu.memref_slice %arg10[%mul3A_2, %dma_start3A_15] : memref<10240x128xf32, #tpu.memory_space<vmem_shared>> -> memref<640x128xf32, #tpu.memory_space<vmem_shared>>
      tpu.enqueue_dma source(%dma_start3A_16 : memref<640x128xf32, #tpu.memory_space<vmem_shared>>) target(%dma_start3A_14 : memref<640x128xf32, #tpu.memory_space<hbm>>) target_semaphore(%run_scoped3A : memref<!tpu.dma_semaphore, #tpu.memory_space<semaphore_mem>>)
      %dma_wait3A = arith.constant 0 : i32
      %dma_wait3A_17 = tpu.memref_slice %arg6[%arg0, %mul3A_2, %dma_wait3A] : memref<2x10240x128xf32, #tpu.memory_space<hbm>> -> memref<1x640x128xf32, #tpu.memory_space<hbm>>
      %dma_wait3A_18 = tpu.memref_squeeze %dma_wait3A_17 : memref<1x640x128xf32, #tpu.memory_space<hbm>> -> memref<640x128xf32, #tpu.memory_space<hbm>>
      %dma_wait3A_19 = arith.constant 0 : i32
      %dma_wait3A_20 = tpu.memref_slice %arg10[%mul3A_2, %dma_wait3A_19] : memref<10240x128xf32, #tpu.memory_space<vmem_shared>> -> memref<640x128xf32, #tpu.memory_space<vmem_shared>>
      tpu.wait_dma2 semaphore(%run_scoped3A : memref<!tpu.dma_semaphore, #tpu.memory_space<semaphore_mem>>) src(%dma_wait3A_20 : memref<640x128xf32, #tpu.memory_space<vmem_shared>>) dst(%dma_wait3A_18 : memref<640x128xf32, #tpu.memory_space<hbm>>)
      tpu.yield
    }) : () -> ()
    return
  }
}

#map = affine_map<(d0, d1) -> (0, 0)>
#map1 = affine_map<(d0, d1) -> (0)>
#map2 = affine_map<(d0, d1) -> (0, 0, 0)>
module attributes {stable_mosaic.version = 14 : i64} {
  func.func @seg(%arg0: i32, %arg1: i32, %arg2: memref<10000x128xf32, #tpu.memory_space<hbm>>, %arg3: memref<160512xi32, #tpu.memory_space<hbm>>, %arg4: memref<160512xi32, #tpu.memory_space<hbm>>, %arg5: memref<640x128xf32, #tpu.memory_space<hbm>>, %arg6: memref<2x10240x128xf32, #tpu.memory_space<hbm>>, %arg7: memref<152xi32, #tpu.memory_space<vmem>>, %arg8: memref<152xi32, #tpu.memory_space<vmem>>, %arg9: memref<152x128xf32, #tpu.memory_space<vmem>>, %arg10: memref<10240x128xf32, #tpu.memory_space<vmem_shared>>, %arg11: memref<!tpu.dma_semaphore, #tpu.memory_space<semaphore_mem>>) attributes {dimension_semantics = [#tpu.dimension_semantics<core_parallel>, #tpu.dimension_semantics<subcore_parallel>], iteration_bounds = array<i64: 2, 16>, scalar_prefetch = 0 : i64, scratch_operands = 5 : i64, tpu.core_type = #tpu.core_type<sc_vector_subcore>, window_params = [{transform_indices = #map}, {transform_indices = #map1}, {transform_indices = #map1}, {transform_indices = #map}, {transform_indices = #map2}]} {
    %mul3A = arith.constant 16 : i32
    %mul3A_0 = arith.muli %arg0, %mul3A : i32
    %add3A = arith.addi %mul3A_0, %arg1 : i32
    %mul3A_1 = arith.constant 640 : i32
    %mul3A_2 = arith.muli %arg1, %mul3A_1 : i32
    "tpu.region"() ({
      %run_scoped3A = tpu.sem_alloc : memref<!tpu.dma_semaphore, #tpu.memory_space<semaphore_mem>>
      %dma_start3A = arith.constant 0 : i32
      %dma_start3A_13 = tpu.memref_slice %arg10[%mul3A_2, %dma_start3A] : memref<10240x128xf32, #tpu.memory_space<vmem_shared>> -> memref<640x128xf32, #tpu.memory_space<vmem_shared>>
      tpu.enqueue_dma source(%arg5 : memref<640x128xf32, #tpu.memory_space<hbm>>) target(%dma_start3A_13 : memref<640x128xf32, #tpu.memory_space<vmem_shared>>) target_semaphore(%run_scoped3A : memref<!tpu.dma_semaphore, #tpu.memory_space<semaphore_mem>>)
      %dma_wait3A = arith.constant 0 : i32
      %dma_wait3A_14 = tpu.memref_slice %arg10[%mul3A_2, %dma_wait3A] : memref<10240x128xf32, #tpu.memory_space<vmem_shared>> -> memref<640x128xf32, #tpu.memory_space<vmem_shared>>
      tpu.wait_dma2 semaphore(%run_scoped3A : memref<!tpu.dma_semaphore, #tpu.memory_space<semaphore_mem>>) src(%arg5 : memref<640x128xf32, #tpu.memory_space<hbm>>) dst(%dma_wait3A_14 : memref<640x128xf32, #tpu.memory_space<vmem_shared>>)
      tpu.yield
    }) : () -> ()
    %barrier3A = arith.constant 0 : index
    tpu.barrier barrier_id(%barrier3A)
    %mul3A_3 = arith.constant 33 : i32
    %mul3A_4 = arith.muli %add3A, %mul3A_3 : i32
    %mul3A_5 = arith.constant 152 : i32
    %mul3A_6 = arith.muli %mul3A_4, %mul3A_5 : i32
    %scan3A = arith.constant 0 : i32
    %scan3A_7 = arith.constant 0 : i32
    %scan3A_8 = arith.constant 33 : i32
    %scan3A_9 = arith.addi %scan3A_7, %scan3A_8 : i32
    %scan3A_10 = arith.constant 1 : i32
    scf.for %scan3A_13 = %scan3A_7 to %scan3A_9 step %scan3A_10  : i32 {
      %mul3A_14 = arith.constant 152 : i32
      %mul3A_15 = arith.muli %scan3A_13, %mul3A_14 : i32
      %add3A_16 = arith.addi %mul3A_6, %mul3A_15 : i32
      "tpu.region"() ({
        %run_scoped3A = tpu.sem_alloc : memref<!tpu.dma_semaphore, #tpu.memory_space<semaphore_mem>>
        %dma_start3A_21 = tpu.memref_slice %arg3[%add3A_16] : memref<160512xi32, #tpu.memory_space<hbm>> -> memref<152xi32, #tpu.memory_space<hbm>>
        %dma_start3A_22 = tpu.memref_slice %arg3[%add3A_16] : memref<160512xi32, #tpu.memory_space<hbm>> -> memref<152xi32, #tpu.memory_space<hbm>>
        tpu.enqueue_dma source(%dma_start3A_22 : memref<152xi32, #tpu.memory_space<hbm>>) target(%arg7 : memref<152xi32, #tpu.memory_space<vmem>>) target_semaphore(%run_scoped3A : memref<!tpu.dma_semaphore, #tpu.memory_space<semaphore_mem>>)
        %dma_wait3A_23 = tpu.memref_slice %arg3[%add3A_16] : memref<160512xi32, #tpu.memory_space<hbm>> -> memref<152xi32, #tpu.memory_space<hbm>>
        %dma_wait3A_24 = tpu.memref_slice %arg3[%add3A_16] : memref<160512xi32, #tpu.memory_space<hbm>> -> memref<152xi32, #tpu.memory_space<hbm>>
        tpu.wait_dma2 semaphore(%run_scoped3A : memref<!tpu.dma_semaphore, #tpu.memory_space<semaphore_mem>>) src(%dma_wait3A_24 : memref<152xi32, #tpu.memory_space<hbm>>) dst(%arg7 : memref<152xi32, #tpu.memory_space<vmem>>)
        tpu.yield
      }) : () -> ()
      "tpu.region"() ({
        %run_scoped3A = tpu.sem_alloc : memref<!tpu.dma_semaphore, #tpu.memory_space<semaphore_mem>>
        %dma_start3A_21 = tpu.memref_slice %arg4[%add3A_16] : memref<160512xi32, #tpu.memory_space<hbm>> -> memref<152xi32, #tpu.memory_space<hbm>>
        %dma_start3A_22 = tpu.memref_slice %arg4[%add3A_16] : memref<160512xi32, #tpu.memory_space<hbm>> -> memref<152xi32, #tpu.memory_space<hbm>>
        tpu.enqueue_dma source(%dma_start3A_22 : memref<152xi32, #tpu.memory_space<hbm>>) target(%arg8 : memref<152xi32, #tpu.memory_space<vmem>>) target_semaphore(%run_scoped3A : memref<!tpu.dma_semaphore, #tpu.memory_space<semaphore_mem>>)
        %dma_wait3A_23 = tpu.memref_slice %arg4[%add3A_16] : memref<160512xi32, #tpu.memory_space<hbm>> -> memref<152xi32, #tpu.memory_space<hbm>>
        %dma_wait3A_24 = tpu.memref_slice %arg4[%add3A_16] : memref<160512xi32, #tpu.memory_space<hbm>> -> memref<152xi32, #tpu.memory_space<hbm>>
        tpu.wait_dma2 semaphore(%run_scoped3A : memref<!tpu.dma_semaphore, #tpu.memory_space<semaphore_mem>>) src(%dma_wait3A_24 : memref<152xi32, #tpu.memory_space<hbm>>) dst(%arg8 : memref<152xi32, #tpu.memory_space<vmem>>)
        tpu.yield
      }) : () -> ()
      %dma_start3A = arith.constant 0 : i32
      %dma_start3A_17 = arith.constant 0 : i32
      %dma_start3A_18 = tpu.memref_slice %arg2[%dma_start3A, %dma_start3A_17] : memref<10000x128xf32, #tpu.memory_space<hbm>> -> memref<10000x128xf32, #tpu.memory_space<hbm>>
      tpu.enqueue_indirect_dma source(%dma_start3A_18 : memref<10000x128xf32, #tpu.memory_space<hbm>>) target(%arg9 : memref<152x128xf32, #tpu.memory_space<vmem>>) offsets(%arg7 : memref<152xi32, #tpu.memory_space<vmem>>) semaphore(%arg11 : memref<!tpu.dma_semaphore, #tpu.memory_space<semaphore_mem>>)
      %dma_wait3A = arith.constant 0 : i32
      %dma_wait3A_19 = arith.constant 0 : i32
      %dma_wait3A_20 = tpu.memref_slice %arg2[%dma_wait3A, %dma_wait3A_19] : memref<10000x128xf32, #tpu.memory_space<hbm>> -> memref<10000x128xf32, #tpu.memory_space<hbm>>
      tpu.wait_indirect_dma semaphore(%arg11 : memref<!tpu.dma_semaphore, #tpu.memory_space<semaphore_mem>>) src(%dma_wait3A_20 : memref<10000x128xf32, #tpu.memory_space<hbm>>) dst(%arg9 : memref<152x128xf32, #tpu.memory_space<vmem>>)
      "tpu.region"() ({
        %run_scoped3A = tpu.sem_alloc : memref<!tpu.dma_semaphore, #tpu.memory_space<semaphore_mem>>
        %dma_start3A_21 = arith.constant 0 : i32
        %dma_start3A_22 = arith.constant 0 : i32
        %dma_start3A_23 = tpu.memref_slice %arg10[%dma_start3A_21, %dma_start3A_22] : memref<10240x128xf32, #tpu.memory_space<vmem_shared>> -> memref<10240x128xf32, #tpu.memory_space<vmem_shared>>
        tpu.enqueue_indirect_dma source(%arg9 : memref<152x128xf32, #tpu.memory_space<vmem>>) target(%dma_start3A_23 : memref<10240x128xf32, #tpu.memory_space<vmem_shared>>) offsets(%arg8 : memref<152xi32, #tpu.memory_space<vmem>>) semaphore(%run_scoped3A : memref<!tpu.dma_semaphore, #tpu.memory_space<semaphore_mem>>) {add = true}
        %dma_wait3A_24 = arith.constant 0 : i32
        %dma_wait3A_25 = arith.constant 0 : i32
        %dma_wait3A_26 = tpu.memref_slice %arg10[%dma_wait3A_24, %dma_wait3A_25] : memref<10240x128xf32, #tpu.memory_space<vmem_shared>> -> memref<10240x128xf32, #tpu.memory_space<vmem_shared>>
        tpu.wait_indirect_dma semaphore(%run_scoped3A : memref<!tpu.dma_semaphore, #tpu.memory_space<semaphore_mem>>) src(%arg9 : memref<152x128xf32, #tpu.memory_space<vmem>>) dst(%dma_wait3A_26 : memref<10240x128xf32, #tpu.memory_space<vmem_shared>>)
        tpu.yield
      }) : () -> ()
    }
    %scan3A_11 = arith.constant 33 : i32
    %barrier3A_12 = arith.constant 0 : index
    tpu.barrier barrier_id(%barrier3A_12)
    "tpu.region"() ({
      %run_scoped3A = tpu.sem_alloc : memref<!tpu.dma_semaphore, #tpu.memory_space<semaphore_mem>>
      %dma_start3A = arith.constant 0 : i32
      %dma_start3A_13 = tpu.memref_slice %arg6[%arg0, %mul3A_2, %dma_start3A] : memref<2x10240x128xf32, #tpu.memory_space<hbm>> -> memref<1x640x128xf32, #tpu.memory_space<hbm>>
      %dma_start3A_14 = tpu.memref_squeeze %dma_start3A_13 : memref<1x640x128xf32, #tpu.memory_space<hbm>> -> memref<640x128xf32, #tpu.memory_space<hbm>>
      %dma_start3A_15 = arith.constant 0 : i32
      %dma_start3A_16 = tpu.memref_slice %arg10[%mul3A_2, %dma_start3A_15] : memref<10240x128xf32, #tpu.memory_space<vmem_shared>> -> memref<640x128xf32, #tpu.memory_space<vmem_shared>>
      tpu.enqueue_dma source(%dma_start3A_16 : memref<640x128xf32, #tpu.memory_space<vmem_shared>>) target(%dma_start3A_14 : memref<640x128xf32, #tpu.memory_space<hbm>>) target_semaphore(%run_scoped3A : memref<!tpu.dma_semaphore, #tpu.memory_space<semaphore_mem>>)
      %dma_wait3A = arith.constant 0 : i32
      %dma_wait3A_17 = tpu.memref_slice %arg6[%arg0, %mul3A_2, %dma_wait3A] : memref<2x10240x128xf32, #tpu.memory_space<hbm>> -> memref<1x640x128xf32, #tpu.memory_space<hbm>>
      %dma_wait3A_18 = tpu.memref_squeeze %dma_wait3A_17 : memref<1x640x128xf32, #tpu.memory_space<hbm>> -> memref<640x128xf32, #tpu.memory_space<hbm>>
      %dma_wait3A_19 = arith.constant 0 : i32
      %dma_wait3A_20 = tpu.memref_slice %arg10[%mul3A_2, %dma_wait3A_19] : memref<10240x128xf32, #tpu.memory_space<vmem_shared>> -> memref<640x128xf32, #tpu.memory_space<vmem_shared>>
      tpu.wait_dma2 semaphore(%run_scoped3A : memref<!tpu.dma_semaphore, #tpu.memory_space<semaphore_mem>>) src(%dma_wait3A_20 : memref<640x128xf32, #tpu.memory_space<vmem_shared>>) dst(%dma_wait3A_18 : memref<640x128xf32, #tpu.memory_space<hbm>>)
      tpu.yield
    }) : () -> ()
    return
  }
}

#map = affine_map<(d0, d1) -> (0, 0)>
#map1 = affine_map<(d0, d1) -> (0)>
#map2 = affine_map<(d0, d1) -> (0, 0, 0)>
module attributes {stable_mosaic.version = 14 : i64} {
  func.func @seg(%arg0: i32, %arg1: i32, %arg2: memref<10000x128xf32, #tpu.memory_space<hbm>>, %arg3: memref<321024xi32, #tpu.memory_space<hbm>>, %arg4: memref<321024xi32, #tpu.memory_space<hbm>>, %arg5: memref<640x128xf32, #tpu.memory_space<hbm>>, %arg6: memref<2x10240x128xf32, #tpu.memory_space<hbm>>, %arg7: memref<152xi32, #tpu.memory_space<vmem>>, %arg8: memref<152xi32, #tpu.memory_space<vmem>>, %arg9: memref<152x128xf32, #tpu.memory_space<vmem>>, %arg10: memref<10240x128xf32, #tpu.memory_space<vmem_shared>>, %arg11: memref<!tpu.dma_semaphore, #tpu.memory_space<semaphore_mem>>) attributes {dimension_semantics = [#tpu.dimension_semantics<core_parallel>, #tpu.dimension_semantics<subcore_parallel>], iteration_bounds = array<i64: 2, 16>, scalar_prefetch = 0 : i64, scratch_operands = 5 : i64, tpu.core_type = #tpu.core_type<sc_vector_subcore>, window_params = [{transform_indices = #map}, {transform_indices = #map1}, {transform_indices = #map1}, {transform_indices = #map}, {transform_indices = #map2}]} {
    %mul3A = arith.constant 16 : i32
    %mul3A_0 = arith.muli %arg0, %mul3A : i32
    %add3A = arith.addi %mul3A_0, %arg1 : i32
    %mul3A_1 = arith.constant 640 : i32
    %mul3A_2 = arith.muli %arg1, %mul3A_1 : i32
    "tpu.region"() ({
      %run_scoped3A = tpu.sem_alloc : memref<!tpu.dma_semaphore, #tpu.memory_space<semaphore_mem>>
      %dma_start3A = arith.constant 0 : i32
      %dma_start3A_13 = tpu.memref_slice %arg10[%mul3A_2, %dma_start3A] : memref<10240x128xf32, #tpu.memory_space<vmem_shared>> -> memref<640x128xf32, #tpu.memory_space<vmem_shared>>
      tpu.enqueue_dma source(%arg5 : memref<640x128xf32, #tpu.memory_space<hbm>>) target(%dma_start3A_13 : memref<640x128xf32, #tpu.memory_space<vmem_shared>>) target_semaphore(%run_scoped3A : memref<!tpu.dma_semaphore, #tpu.memory_space<semaphore_mem>>)
      %dma_wait3A = arith.constant 0 : i32
      %dma_wait3A_14 = tpu.memref_slice %arg10[%mul3A_2, %dma_wait3A] : memref<10240x128xf32, #tpu.memory_space<vmem_shared>> -> memref<640x128xf32, #tpu.memory_space<vmem_shared>>
      tpu.wait_dma2 semaphore(%run_scoped3A : memref<!tpu.dma_semaphore, #tpu.memory_space<semaphore_mem>>) src(%arg5 : memref<640x128xf32, #tpu.memory_space<hbm>>) dst(%dma_wait3A_14 : memref<640x128xf32, #tpu.memory_space<vmem_shared>>)
      tpu.yield
    }) : () -> ()
    %barrier3A = arith.constant 0 : index
    tpu.barrier barrier_id(%barrier3A)
    %mul3A_3 = arith.constant 66 : i32
    %mul3A_4 = arith.muli %add3A, %mul3A_3 : i32
    %mul3A_5 = arith.constant 152 : i32
    %mul3A_6 = arith.muli %mul3A_4, %mul3A_5 : i32
    %scan3A = arith.constant 0 : i32
    %scan3A_7 = arith.constant 0 : i32
    %scan3A_8 = arith.constant 66 : i32
    %scan3A_9 = arith.addi %scan3A_7, %scan3A_8 : i32
    %scan3A_10 = arith.constant 1 : i32
    scf.for %scan3A_13 = %scan3A_7 to %scan3A_9 step %scan3A_10  : i32 {
      %mul3A_14 = arith.constant 152 : i32
      %mul3A_15 = arith.muli %scan3A_13, %mul3A_14 : i32
      %add3A_16 = arith.addi %mul3A_6, %mul3A_15 : i32
      "tpu.region"() ({
        %run_scoped3A = tpu.sem_alloc : memref<!tpu.dma_semaphore, #tpu.memory_space<semaphore_mem>>
        %dma_start3A_21 = tpu.memref_slice %arg3[%add3A_16] : memref<321024xi32, #tpu.memory_space<hbm>> -> memref<152xi32, #tpu.memory_space<hbm>>
        %dma_start3A_22 = tpu.memref_slice %arg3[%add3A_16] : memref<321024xi32, #tpu.memory_space<hbm>> -> memref<152xi32, #tpu.memory_space<hbm>>
        tpu.enqueue_dma source(%dma_start3A_22 : memref<152xi32, #tpu.memory_space<hbm>>) target(%arg7 : memref<152xi32, #tpu.memory_space<vmem>>) target_semaphore(%run_scoped3A : memref<!tpu.dma_semaphore, #tpu.memory_space<semaphore_mem>>)
        %dma_wait3A_23 = tpu.memref_slice %arg3[%add3A_16] : memref<321024xi32, #tpu.memory_space<hbm>> -> memref<152xi32, #tpu.memory_space<hbm>>
        %dma_wait3A_24 = tpu.memref_slice %arg3[%add3A_16] : memref<321024xi32, #tpu.memory_space<hbm>> -> memref<152xi32, #tpu.memory_space<hbm>>
        tpu.wait_dma2 semaphore(%run_scoped3A : memref<!tpu.dma_semaphore, #tpu.memory_space<semaphore_mem>>) src(%dma_wait3A_24 : memref<152xi32, #tpu.memory_space<hbm>>) dst(%arg7 : memref<152xi32, #tpu.memory_space<vmem>>)
        tpu.yield
      }) : () -> ()
      "tpu.region"() ({
        %run_scoped3A = tpu.sem_alloc : memref<!tpu.dma_semaphore, #tpu.memory_space<semaphore_mem>>
        %dma_start3A_21 = tpu.memref_slice %arg4[%add3A_16] : memref<321024xi32, #tpu.memory_space<hbm>> -> memref<152xi32, #tpu.memory_space<hbm>>
        %dma_start3A_22 = tpu.memref_slice %arg4[%add3A_16] : memref<321024xi32, #tpu.memory_space<hbm>> -> memref<152xi32, #tpu.memory_space<hbm>>
        tpu.enqueue_dma source(%dma_start3A_22 : memref<152xi32, #tpu.memory_space<hbm>>) target(%arg8 : memref<152xi32, #tpu.memory_space<vmem>>) target_semaphore(%run_scoped3A : memref<!tpu.dma_semaphore, #tpu.memory_space<semaphore_mem>>)
        %dma_wait3A_23 = tpu.memref_slice %arg4[%add3A_16] : memref<321024xi32, #tpu.memory_space<hbm>> -> memref<152xi32, #tpu.memory_space<hbm>>
        %dma_wait3A_24 = tpu.memref_slice %arg4[%add3A_16] : memref<321024xi32, #tpu.memory_space<hbm>> -> memref<152xi32, #tpu.memory_space<hbm>>
        tpu.wait_dma2 semaphore(%run_scoped3A : memref<!tpu.dma_semaphore, #tpu.memory_space<semaphore_mem>>) src(%dma_wait3A_24 : memref<152xi32, #tpu.memory_space<hbm>>) dst(%arg8 : memref<152xi32, #tpu.memory_space<vmem>>)
        tpu.yield
      }) : () -> ()
      %dma_start3A = arith.constant 0 : i32
      %dma_start3A_17 = arith.constant 0 : i32
      %dma_start3A_18 = tpu.memref_slice %arg2[%dma_start3A, %dma_start3A_17] : memref<10000x128xf32, #tpu.memory_space<hbm>> -> memref<10000x128xf32, #tpu.memory_space<hbm>>
      tpu.enqueue_indirect_dma source(%dma_start3A_18 : memref<10000x128xf32, #tpu.memory_space<hbm>>) target(%arg9 : memref<152x128xf32, #tpu.memory_space<vmem>>) offsets(%arg7 : memref<152xi32, #tpu.memory_space<vmem>>) semaphore(%arg11 : memref<!tpu.dma_semaphore, #tpu.memory_space<semaphore_mem>>)
      %dma_wait3A = arith.constant 0 : i32
      %dma_wait3A_19 = arith.constant 0 : i32
      %dma_wait3A_20 = tpu.memref_slice %arg2[%dma_wait3A, %dma_wait3A_19] : memref<10000x128xf32, #tpu.memory_space<hbm>> -> memref<10000x128xf32, #tpu.memory_space<hbm>>
      tpu.wait_indirect_dma semaphore(%arg11 : memref<!tpu.dma_semaphore, #tpu.memory_space<semaphore_mem>>) src(%dma_wait3A_20 : memref<10000x128xf32, #tpu.memory_space<hbm>>) dst(%arg9 : memref<152x128xf32, #tpu.memory_space<vmem>>)
      "tpu.region"() ({
        %run_scoped3A = tpu.sem_alloc : memref<!tpu.dma_semaphore, #tpu.memory_space<semaphore_mem>>
        %dma_start3A_21 = arith.constant 0 : i32
        %dma_start3A_22 = arith.constant 0 : i32
        %dma_start3A_23 = tpu.memref_slice %arg10[%dma_start3A_21, %dma_start3A_22] : memref<10240x128xf32, #tpu.memory_space<vmem_shared>> -> memref<10240x128xf32, #tpu.memory_space<vmem_shared>>
        tpu.enqueue_indirect_dma source(%arg9 : memref<152x128xf32, #tpu.memory_space<vmem>>) target(%dma_start3A_23 : memref<10240x128xf32, #tpu.memory_space<vmem_shared>>) offsets(%arg8 : memref<152xi32, #tpu.memory_space<vmem>>) semaphore(%run_scoped3A : memref<!tpu.dma_semaphore, #tpu.memory_space<semaphore_mem>>) {add = true}
        %dma_wait3A_24 = arith.constant 0 : i32
        %dma_wait3A_25 = arith.constant 0 : i32
        %dma_wait3A_26 = tpu.memref_slice %arg10[%dma_wait3A_24, %dma_wait3A_25] : memref<10240x128xf32, #tpu.memory_space<vmem_shared>> -> memref<10240x128xf32, #tpu.memory_space<vmem_shared>>
        tpu.wait_indirect_dma semaphore(%run_scoped3A : memref<!tpu.dma_semaphore, #tpu.memory_space<semaphore_mem>>) src(%arg9 : memref<152x128xf32, #tpu.memory_space<vmem>>) dst(%dma_wait3A_26 : memref<10240x128xf32, #tpu.memory_space<vmem_shared>>)
        tpu.yield
      }) : () -> ()
    }
    %scan3A_11 = arith.constant 66 : i32
    %barrier3A_12 = arith.constant 0 : index
    tpu.barrier barrier_id(%barrier3A_12)
    "tpu.region"() ({
      %run_scoped3A = tpu.sem_alloc : memref<!tpu.dma_semaphore, #tpu.memory_space<semaphore_mem>>
      %dma_start3A = arith.constant 0 : i32
      %dma_start3A_13 = tpu.memref_slice %arg6[%arg0, %mul3A_2, %dma_start3A] : memref<2x10240x128xf32, #tpu.memory_space<hbm>> -> memref<1x640x128xf32, #tpu.memory_space<hbm>>
      %dma_start3A_14 = tpu.memref_squeeze %dma_start3A_13 : memref<1x640x128xf32, #tpu.memory_space<hbm>> -> memref<640x128xf32, #tpu.memory_space<hbm>>
      %dma_start3A_15 = arith.constant 0 : i32
      %dma_start3A_16 = tpu.memref_slice %arg10[%mul3A_2, %dma_start3A_15] : memref<10240x128xf32, #tpu.memory_space<vmem_shared>> -> memref<640x128xf32, #tpu.memory_space<vmem_shared>>
      tpu.enqueue_dma source(%dma_start3A_16 : memref<640x128xf32, #tpu.memory_space<vmem_shared>>) target(%dma_start3A_14 : memref<640x128xf32, #tpu.memory_space<hbm>>) target_semaphore(%run_scoped3A : memref<!tpu.dma_semaphore, #tpu.memory_space<semaphore_mem>>)
      %dma_wait3A = arith.constant 0 : i32
      %dma_wait3A_17 = tpu.memref_slice %arg6[%arg0, %mul3A_2, %dma_wait3A] : memref<2x10240x128xf32, #tpu.memory_space<hbm>> -> memref<1x640x128xf32, #tpu.memory_space<hbm>>
      %dma_wait3A_18 = tpu.memref_squeeze %dma_wait3A_17 : memref<1x640x128xf32, #tpu.memory_space<hbm>> -> memref<640x128xf32, #tpu.memory_space<hbm>>
      %dma_wait3A_19 = arith.constant 0 : i32
      %dma_wait3A_20 = tpu.memref_slice %arg10[%mul3A_2, %dma_wait3A_19] : memref<10240x128xf32, #tpu.memory_space<vmem_shared>> -> memref<640x128xf32, #tpu.memory_space<vmem_shared>>
      tpu.wait_dma2 semaphore(%run_scoped3A : memref<!tpu.dma_semaphore, #tpu.memory_space<semaphore_mem>>) src(%dma_wait3A_20 : memref<640x128xf32, #tpu.memory_space<vmem_shared>>) dst(%dma_wait3A_18 : memref<640x128xf32, #tpu.memory_space<hbm>>)
      tpu.yield
    }) : () -> ()
    return
  }
}

#map = affine_map<(d0, d1) -> (0, 0)>
#map1 = affine_map<(d0, d1) -> (0)>
#map2 = affine_map<(d0, d1) -> (0, 0, 0)>
module attributes {stable_mosaic.version = 14 : i64} {
  func.func @seg(%arg0: i32, %arg1: i32, %arg2: memref<10000x128xf32, #tpu.memory_space<hbm>>, %arg3: memref<160512xi32, #tpu.memory_space<hbm>>, %arg4: memref<160512xi32, #tpu.memory_space<hbm>>, %arg5: memref<640x128xf32, #tpu.memory_space<hbm>>, %arg6: memref<2x10240x128xf32, #tpu.memory_space<hbm>>, %arg7: memref<152xi32, #tpu.memory_space<vmem>>, %arg8: memref<152xi32, #tpu.memory_space<vmem>>, %arg9: memref<152x128xf32, #tpu.memory_space<vmem>>, %arg10: memref<10240x128xf32, #tpu.memory_space<vmem_shared>>, %arg11: memref<!tpu.dma_semaphore, #tpu.memory_space<semaphore_mem>>) attributes {dimension_semantics = [#tpu.dimension_semantics<core_parallel>, #tpu.dimension_semantics<subcore_parallel>], iteration_bounds = array<i64: 2, 16>, scalar_prefetch = 0 : i64, scratch_operands = 5 : i64, tpu.core_type = #tpu.core_type<sc_vector_subcore>, window_params = [{transform_indices = #map}, {transform_indices = #map1}, {transform_indices = #map1}, {transform_indices = #map}, {transform_indices = #map2}]} {
    %mul3A = arith.constant 16 : i32
    %mul3A_0 = arith.muli %arg0, %mul3A : i32
    %add3A = arith.addi %mul3A_0, %arg1 : i32
    %mul3A_1 = arith.constant 640 : i32
    %mul3A_2 = arith.muli %arg1, %mul3A_1 : i32
    "tpu.region"() ({
      %run_scoped3A = tpu.sem_alloc : memref<!tpu.dma_semaphore, #tpu.memory_space<semaphore_mem>>
      %dma_start3A = arith.constant 0 : i32
      %dma_start3A_13 = tpu.memref_slice %arg10[%mul3A_2, %dma_start3A] : memref<10240x128xf32, #tpu.memory_space<vmem_shared>> -> memref<640x128xf32, #tpu.memory_space<vmem_shared>>
      tpu.enqueue_dma source(%arg5 : memref<640x128xf32, #tpu.memory_space<hbm>>) target(%dma_start3A_13 : memref<640x128xf32, #tpu.memory_space<vmem_shared>>) target_semaphore(%run_scoped3A : memref<!tpu.dma_semaphore, #tpu.memory_space<semaphore_mem>>)
      %dma_wait3A = arith.constant 0 : i32
      %dma_wait3A_14 = tpu.memref_slice %arg10[%mul3A_2, %dma_wait3A] : memref<10240x128xf32, #tpu.memory_space<vmem_shared>> -> memref<640x128xf32, #tpu.memory_space<vmem_shared>>
      tpu.wait_dma2 semaphore(%run_scoped3A : memref<!tpu.dma_semaphore, #tpu.memory_space<semaphore_mem>>) src(%arg5 : memref<640x128xf32, #tpu.memory_space<hbm>>) dst(%dma_wait3A_14 : memref<640x128xf32, #tpu.memory_space<vmem_shared>>)
      tpu.yield
    }) : () -> ()
    %barrier3A = arith.constant 0 : index
    tpu.barrier barrier_id(%barrier3A)
    %mul3A_3 = arith.constant 33 : i32
    %mul3A_4 = arith.muli %add3A, %mul3A_3 : i32
    %mul3A_5 = arith.constant 152 : i32
    %mul3A_6 = arith.muli %mul3A_4, %mul3A_5 : i32
    %scan3A = arith.constant 0 : i32
    %scan3A_7 = arith.constant 0 : i32
    %scan3A_8 = arith.constant 33 : i32
    %scan3A_9 = arith.addi %scan3A_7, %scan3A_8 : i32
    %scan3A_10 = arith.constant 1 : i32
    scf.for %scan3A_13 = %scan3A_7 to %scan3A_9 step %scan3A_10  : i32 {
      %mul3A_14 = arith.constant 152 : i32
      %mul3A_15 = arith.muli %scan3A_13, %mul3A_14 : i32
      %add3A_16 = arith.addi %mul3A_6, %mul3A_15 : i32
      "tpu.region"() ({
        %run_scoped3A = tpu.sem_alloc : memref<!tpu.dma_semaphore, #tpu.memory_space<semaphore_mem>>
        %dma_start3A_21 = tpu.memref_slice %arg3[%add3A_16] : memref<160512xi32, #tpu.memory_space<hbm>> -> memref<152xi32, #tpu.memory_space<hbm>>
        %dma_start3A_22 = tpu.memref_slice %arg3[%add3A_16] : memref<160512xi32, #tpu.memory_space<hbm>> -> memref<152xi32, #tpu.memory_space<hbm>>
        tpu.enqueue_dma source(%dma_start3A_22 : memref<152xi32, #tpu.memory_space<hbm>>) target(%arg7 : memref<152xi32, #tpu.memory_space<vmem>>) target_semaphore(%run_scoped3A : memref<!tpu.dma_semaphore, #tpu.memory_space<semaphore_mem>>)
        %dma_wait3A_23 = tpu.memref_slice %arg3[%add3A_16] : memref<160512xi32, #tpu.memory_space<hbm>> -> memref<152xi32, #tpu.memory_space<hbm>>
        %dma_wait3A_24 = tpu.memref_slice %arg3[%add3A_16] : memref<160512xi32, #tpu.memory_space<hbm>> -> memref<152xi32, #tpu.memory_space<hbm>>
        tpu.wait_dma2 semaphore(%run_scoped3A : memref<!tpu.dma_semaphore, #tpu.memory_space<semaphore_mem>>) src(%dma_wait3A_24 : memref<152xi32, #tpu.memory_space<hbm>>) dst(%arg7 : memref<152xi32, #tpu.memory_space<vmem>>)
        tpu.yield
      }) : () -> ()
      "tpu.region"() ({
        %run_scoped3A = tpu.sem_alloc : memref<!tpu.dma_semaphore, #tpu.memory_space<semaphore_mem>>
        %dma_start3A_21 = tpu.memref_slice %arg4[%add3A_16] : memref<160512xi32, #tpu.memory_space<hbm>> -> memref<152xi32, #tpu.memory_space<hbm>>
        %dma_start3A_22 = tpu.memref_slice %arg4[%add3A_16] : memref<160512xi32, #tpu.memory_space<hbm>> -> memref<152xi32, #tpu.memory_space<hbm>>
        tpu.enqueue_dma source(%dma_start3A_22 : memref<152xi32, #tpu.memory_space<hbm>>) target(%arg8 : memref<152xi32, #tpu.memory_space<vmem>>) target_semaphore(%run_scoped3A : memref<!tpu.dma_semaphore, #tpu.memory_space<semaphore_mem>>)
        %dma_wait3A_23 = tpu.memref_slice %arg4[%add3A_16] : memref<160512xi32, #tpu.memory_space<hbm>> -> memref<152xi32, #tpu.memory_space<hbm>>
        %dma_wait3A_24 = tpu.memref_slice %arg4[%add3A_16] : memref<160512xi32, #tpu.memory_space<hbm>> -> memref<152xi32, #tpu.memory_space<hbm>>
        tpu.wait_dma2 semaphore(%run_scoped3A : memref<!tpu.dma_semaphore, #tpu.memory_space<semaphore_mem>>) src(%dma_wait3A_24 : memref<152xi32, #tpu.memory_space<hbm>>) dst(%arg8 : memref<152xi32, #tpu.memory_space<vmem>>)
        tpu.yield
      }) : () -> ()
      %dma_start3A = arith.constant 0 : i32
      %dma_start3A_17 = arith.constant 0 : i32
      %dma_start3A_18 = tpu.memref_slice %arg2[%dma_start3A, %dma_start3A_17] : memref<10000x128xf32, #tpu.memory_space<hbm>> -> memref<10000x128xf32, #tpu.memory_space<hbm>>
      tpu.enqueue_indirect_dma source(%dma_start3A_18 : memref<10000x128xf32, #tpu.memory_space<hbm>>) target(%arg9 : memref<152x128xf32, #tpu.memory_space<vmem>>) offsets(%arg7 : memref<152xi32, #tpu.memory_space<vmem>>) semaphore(%arg11 : memref<!tpu.dma_semaphore, #tpu.memory_space<semaphore_mem>>)
      %dma_wait3A = arith.constant 0 : i32
      %dma_wait3A_19 = arith.constant 0 : i32
      %dma_wait3A_20 = tpu.memref_slice %arg2[%dma_wait3A, %dma_wait3A_19] : memref<10000x128xf32, #tpu.memory_space<hbm>> -> memref<10000x128xf32, #tpu.memory_space<hbm>>
      tpu.wait_indirect_dma semaphore(%arg11 : memref<!tpu.dma_semaphore, #tpu.memory_space<semaphore_mem>>) src(%dma_wait3A_20 : memref<10000x128xf32, #tpu.memory_space<hbm>>) dst(%arg9 : memref<152x128xf32, #tpu.memory_space<vmem>>)
      "tpu.region"() ({
        %run_scoped3A = tpu.sem_alloc : memref<!tpu.dma_semaphore, #tpu.memory_space<semaphore_mem>>
        %dma_start3A_21 = arith.constant 0 : i32
        %dma_start3A_22 = arith.constant 0 : i32
        %dma_start3A_23 = tpu.memref_slice %arg10[%dma_start3A_21, %dma_start3A_22] : memref<10240x128xf32, #tpu.memory_space<vmem_shared>> -> memref<10240x128xf32, #tpu.memory_space<vmem_shared>>
        tpu.enqueue_indirect_dma source(%arg9 : memref<152x128xf32, #tpu.memory_space<vmem>>) target(%dma_start3A_23 : memref<10240x128xf32, #tpu.memory_space<vmem_shared>>) offsets(%arg8 : memref<152xi32, #tpu.memory_space<vmem>>) semaphore(%run_scoped3A : memref<!tpu.dma_semaphore, #tpu.memory_space<semaphore_mem>>) {add = true}
        %dma_wait3A_24 = arith.constant 0 : i32
        %dma_wait3A_25 = arith.constant 0 : i32
        %dma_wait3A_26 = tpu.memref_slice %arg10[%dma_wait3A_24, %dma_wait3A_25] : memref<10240x128xf32, #tpu.memory_space<vmem_shared>> -> memref<10240x128xf32, #tpu.memory_space<vmem_shared>>
        tpu.wait_indirect_dma semaphore(%run_scoped3A : memref<!tpu.dma_semaphore, #tpu.memory_space<semaphore_mem>>) src(%arg9 : memref<152x128xf32, #tpu.memory_space<vmem>>) dst(%dma_wait3A_26 : memref<10240x128xf32, #tpu.memory_space<vmem_shared>>)
        tpu.yield
      }) : () -> ()
    }
    %scan3A_11 = arith.constant 33 : i32
    %barrier3A_12 = arith.constant 0 : index
    tpu.barrier barrier_id(%barrier3A_12)
    "tpu.region"() ({
      %run_scoped3A = tpu.sem_alloc : memref<!tpu.dma_semaphore, #tpu.memory_space<semaphore_mem>>
      %dma_start3A = arith.constant 0 : i32
      %dma_start3A_13 = tpu.memref_slice %arg6[%arg0, %mul3A_2, %dma_start3A] : memref<2x10240x128xf32, #tpu.memory_space<hbm>> -> memref<1x640x128xf32, #tpu.memory_space<hbm>>
      %dma_start3A_14 = tpu.memref_squeeze %dma_start3A_13 : memref<1x640x128xf32, #tpu.memory_space<hbm>> -> memref<640x128xf32, #tpu.memory_space<hbm>>
      %dma_start3A_15 = arith.constant 0 : i32
      %dma_start3A_16 = tpu.memref_slice %arg10[%mul3A_2, %dma_start3A_15] : memref<10240x128xf32, #tpu.memory_space<vmem_shared>> -> memref<640x128xf32, #tpu.memory_space<vmem_shared>>
      tpu.enqueue_dma source(%dma_start3A_16 : memref<640x128xf32, #tpu.memory_space<vmem_shared>>) target(%dma_start3A_14 : memref<640x128xf32, #tpu.memory_space<hbm>>) target_semaphore(%run_scoped3A : memref<!tpu.dma_semaphore, #tpu.memory_space<semaphore_mem>>)
      %dma_wait3A = arith.constant 0 : i32
      %dma_wait3A_17 = tpu.memref_slice %arg6[%arg0, %mul3A_2, %dma_wait3A] : memref<2x10240x128xf32, #tpu.memory_space<hbm>> -> memref<1x640x128xf32, #tpu.memory_space<hbm>>
      %dma_wait3A_18 = tpu.memref_squeeze %dma_wait3A_17 : memref<1x640x128xf32, #tpu.memory_space<hbm>> -> memref<640x128xf32, #tpu.memory_space<hbm>>
      %dma_wait3A_19 = arith.constant 0 : i32
      %dma_wait3A_20 = tpu.memref_slice %arg10[%mul3A_2, %dma_wait3A_19] : memref<10240x128xf32, #tpu.memory_space<vmem_shared>> -> memref<640x128xf32, #tpu.memory_space<vmem_shared>>
      tpu.wait_dma2 semaphore(%run_scoped3A : memref<!tpu.dma_semaphore, #tpu.memory_space<semaphore_mem>>) src(%dma_wait3A_20 : memref<640x128xf32, #tpu.memory_space<vmem_shared>>) dst(%dma_wait3A_18 : memref<640x128xf32, #tpu.memory_space<hbm>>)
      tpu.yield
    }) : () -> ()
    return
  }
}

#map = affine_map<(d0, d1) -> (0, 0)>
#map1 = affine_map<(d0, d1) -> (0)>
#map2 = affine_map<(d0, d1) -> (0, 0, 0)>
module attributes {stable_mosaic.version = 14 : i64} {
  func.func @seg(%arg0: i32, %arg1: i32, %arg2: memref<10000x128xf32, #tpu.memory_space<hbm>>, %arg3: memref<321024xi32, #tpu.memory_space<hbm>>, %arg4: memref<321024xi32, #tpu.memory_space<hbm>>, %arg5: memref<640x128xf32, #tpu.memory_space<hbm>>, %arg6: memref<2x10240x128xf32, #tpu.memory_space<hbm>>, %arg7: memref<152xi32, #tpu.memory_space<vmem>>, %arg8: memref<152xi32, #tpu.memory_space<vmem>>, %arg9: memref<152x128xf32, #tpu.memory_space<vmem>>, %arg10: memref<10240x128xf32, #tpu.memory_space<vmem_shared>>, %arg11: memref<!tpu.dma_semaphore, #tpu.memory_space<semaphore_mem>>) attributes {dimension_semantics = [#tpu.dimension_semantics<core_parallel>, #tpu.dimension_semantics<subcore_parallel>], iteration_bounds = array<i64: 2, 16>, scalar_prefetch = 0 : i64, scratch_operands = 5 : i64, tpu.core_type = #tpu.core_type<sc_vector_subcore>, window_params = [{transform_indices = #map}, {transform_indices = #map1}, {transform_indices = #map1}, {transform_indices = #map}, {transform_indices = #map2}]} {
    %mul3A = arith.constant 16 : i32
    %mul3A_0 = arith.muli %arg0, %mul3A : i32
    %add3A = arith.addi %mul3A_0, %arg1 : i32
    %mul3A_1 = arith.constant 640 : i32
    %mul3A_2 = arith.muli %arg1, %mul3A_1 : i32
    "tpu.region"() ({
      %run_scoped3A = tpu.sem_alloc : memref<!tpu.dma_semaphore, #tpu.memory_space<semaphore_mem>>
      %dma_start3A = arith.constant 0 : i32
      %dma_start3A_13 = tpu.memref_slice %arg10[%mul3A_2, %dma_start3A] : memref<10240x128xf32, #tpu.memory_space<vmem_shared>> -> memref<640x128xf32, #tpu.memory_space<vmem_shared>>
      tpu.enqueue_dma source(%arg5 : memref<640x128xf32, #tpu.memory_space<hbm>>) target(%dma_start3A_13 : memref<640x128xf32, #tpu.memory_space<vmem_shared>>) target_semaphore(%run_scoped3A : memref<!tpu.dma_semaphore, #tpu.memory_space<semaphore_mem>>)
      %dma_wait3A = arith.constant 0 : i32
      %dma_wait3A_14 = tpu.memref_slice %arg10[%mul3A_2, %dma_wait3A] : memref<10240x128xf32, #tpu.memory_space<vmem_shared>> -> memref<640x128xf32, #tpu.memory_space<vmem_shared>>
      tpu.wait_dma2 semaphore(%run_scoped3A : memref<!tpu.dma_semaphore, #tpu.memory_space<semaphore_mem>>) src(%arg5 : memref<640x128xf32, #tpu.memory_space<hbm>>) dst(%dma_wait3A_14 : memref<640x128xf32, #tpu.memory_space<vmem_shared>>)
      tpu.yield
    }) : () -> ()
    %barrier3A = arith.constant 0 : index
    tpu.barrier barrier_id(%barrier3A)
    %mul3A_3 = arith.constant 66 : i32
    %mul3A_4 = arith.muli %add3A, %mul3A_3 : i32
    %mul3A_5 = arith.constant 152 : i32
    %mul3A_6 = arith.muli %mul3A_4, %mul3A_5 : i32
    %scan3A = arith.constant 0 : i32
    %scan3A_7 = arith.constant 0 : i32
    %scan3A_8 = arith.constant 66 : i32
    %scan3A_9 = arith.addi %scan3A_7, %scan3A_8 : i32
    %scan3A_10 = arith.constant 1 : i32
    scf.for %scan3A_13 = %scan3A_7 to %scan3A_9 step %scan3A_10  : i32 {
      %mul3A_14 = arith.constant 152 : i32
      %mul3A_15 = arith.muli %scan3A_13, %mul3A_14 : i32
      %add3A_16 = arith.addi %mul3A_6, %mul3A_15 : i32
      "tpu.region"() ({
        %run_scoped3A = tpu.sem_alloc : memref<!tpu.dma_semaphore, #tpu.memory_space<semaphore_mem>>
        %dma_start3A_21 = tpu.memref_slice %arg3[%add3A_16] : memref<321024xi32, #tpu.memory_space<hbm>> -> memref<152xi32, #tpu.memory_space<hbm>>
        %dma_start3A_22 = tpu.memref_slice %arg3[%add3A_16] : memref<321024xi32, #tpu.memory_space<hbm>> -> memref<152xi32, #tpu.memory_space<hbm>>
        tpu.enqueue_dma source(%dma_start3A_22 : memref<152xi32, #tpu.memory_space<hbm>>) target(%arg7 : memref<152xi32, #tpu.memory_space<vmem>>) target_semaphore(%run_scoped3A : memref<!tpu.dma_semaphore, #tpu.memory_space<semaphore_mem>>)
        %dma_wait3A_23 = tpu.memref_slice %arg3[%add3A_16] : memref<321024xi32, #tpu.memory_space<hbm>> -> memref<152xi32, #tpu.memory_space<hbm>>
        %dma_wait3A_24 = tpu.memref_slice %arg3[%add3A_16] : memref<321024xi32, #tpu.memory_space<hbm>> -> memref<152xi32, #tpu.memory_space<hbm>>
        tpu.wait_dma2 semaphore(%run_scoped3A : memref<!tpu.dma_semaphore, #tpu.memory_space<semaphore_mem>>) src(%dma_wait3A_24 : memref<152xi32, #tpu.memory_space<hbm>>) dst(%arg7 : memref<152xi32, #tpu.memory_space<vmem>>)
        tpu.yield
      }) : () -> ()
      "tpu.region"() ({
        %run_scoped3A = tpu.sem_alloc : memref<!tpu.dma_semaphore, #tpu.memory_space<semaphore_mem>>
        %dma_start3A_21 = tpu.memref_slice %arg4[%add3A_16] : memref<321024xi32, #tpu.memory_space<hbm>> -> memref<152xi32, #tpu.memory_space<hbm>>
        %dma_start3A_22 = tpu.memref_slice %arg4[%add3A_16] : memref<321024xi32, #tpu.memory_space<hbm>> -> memref<152xi32, #tpu.memory_space<hbm>>
        tpu.enqueue_dma source(%dma_start3A_22 : memref<152xi32, #tpu.memory_space<hbm>>) target(%arg8 : memref<152xi32, #tpu.memory_space<vmem>>) target_semaphore(%run_scoped3A : memref<!tpu.dma_semaphore, #tpu.memory_space<semaphore_mem>>)
        %dma_wait3A_23 = tpu.memref_slice %arg4[%add3A_16] : memref<321024xi32, #tpu.memory_space<hbm>> -> memref<152xi32, #tpu.memory_space<hbm>>
        %dma_wait3A_24 = tpu.memref_slice %arg4[%add3A_16] : memref<321024xi32, #tpu.memory_space<hbm>> -> memref<152xi32, #tpu.memory_space<hbm>>
        tpu.wait_dma2 semaphore(%run_scoped3A : memref<!tpu.dma_semaphore, #tpu.memory_space<semaphore_mem>>) src(%dma_wait3A_24 : memref<152xi32, #tpu.memory_space<hbm>>) dst(%arg8 : memref<152xi32, #tpu.memory_space<vmem>>)
        tpu.yield
      }) : () -> ()
      %dma_start3A = arith.constant 0 : i32
      %dma_start3A_17 = arith.constant 0 : i32
      %dma_start3A_18 = tpu.memref_slice %arg2[%dma_start3A, %dma_start3A_17] : memref<10000x128xf32, #tpu.memory_space<hbm>> -> memref<10000x128xf32, #tpu.memory_space<hbm>>
      tpu.enqueue_indirect_dma source(%dma_start3A_18 : memref<10000x128xf32, #tpu.memory_space<hbm>>) target(%arg9 : memref<152x128xf32, #tpu.memory_space<vmem>>) offsets(%arg7 : memref<152xi32, #tpu.memory_space<vmem>>) semaphore(%arg11 : memref<!tpu.dma_semaphore, #tpu.memory_space<semaphore_mem>>)
      %dma_wait3A = arith.constant 0 : i32
      %dma_wait3A_19 = arith.constant 0 : i32
      %dma_wait3A_20 = tpu.memref_slice %arg2[%dma_wait3A, %dma_wait3A_19] : memref<10000x128xf32, #tpu.memory_space<hbm>> -> memref<10000x128xf32, #tpu.memory_space<hbm>>
      tpu.wait_indirect_dma semaphore(%arg11 : memref<!tpu.dma_semaphore, #tpu.memory_space<semaphore_mem>>) src(%dma_wait3A_20 : memref<10000x128xf32, #tpu.memory_space<hbm>>) dst(%arg9 : memref<152x128xf32, #tpu.memory_space<vmem>>)
      "tpu.region"() ({
        %run_scoped3A = tpu.sem_alloc : memref<!tpu.dma_semaphore, #tpu.memory_space<semaphore_mem>>
        %dma_start3A_21 = arith.constant 0 : i32
        %dma_start3A_22 = arith.constant 0 : i32
        %dma_start3A_23 = tpu.memref_slice %arg10[%dma_start3A_21, %dma_start3A_22] : memref<10240x128xf32, #tpu.memory_space<vmem_shared>> -> memref<10240x128xf32, #tpu.memory_space<vmem_shared>>
        tpu.enqueue_indirect_dma source(%arg9 : memref<152x128xf32, #tpu.memory_space<vmem>>) target(%dma_start3A_23 : memref<10240x128xf32, #tpu.memory_space<vmem_shared>>) offsets(%arg8 : memref<152xi32, #tpu.memory_space<vmem>>) semaphore(%run_scoped3A : memref<!tpu.dma_semaphore, #tpu.memory_space<semaphore_mem>>) {add = true}
        %dma_wait3A_24 = arith.constant 0 : i32
        %dma_wait3A_25 = arith.constant 0 : i32
        %dma_wait3A_26 = tpu.memref_slice %arg10[%dma_wait3A_24, %dma_wait3A_25] : memref<10240x128xf32, #tpu.memory_space<vmem_shared>> -> memref<10240x128xf32, #tpu.memory_space<vmem_shared>>
        tpu.wait_indirect_dma semaphore(%run_scoped3A : memref<!tpu.dma_semaphore, #tpu.memory_space<semaphore_mem>>) src(%arg9 : memref<152x128xf32, #tpu.memory_space<vmem>>) dst(%dma_wait3A_26 : memref<10240x128xf32, #tpu.memory_space<vmem_shared>>)
        tpu.yield
      }) : () -> ()
    }
    %scan3A_11 = arith.constant 66 : i32
    %barrier3A_12 = arith.constant 0 : index
    tpu.barrier barrier_id(%barrier3A_12)
    "tpu.region"() ({
      %run_scoped3A = tpu.sem_alloc : memref<!tpu.dma_semaphore, #tpu.memory_space<semaphore_mem>>
      %dma_start3A = arith.constant 0 : i32
      %dma_start3A_13 = tpu.memref_slice %arg6[%arg0, %mul3A_2, %dma_start3A] : memref<2x10240x128xf32, #tpu.memory_space<hbm>> -> memref<1x640x128xf32, #tpu.memory_space<hbm>>
      %dma_start3A_14 = tpu.memref_squeeze %dma_start3A_13 : memref<1x640x128xf32, #tpu.memory_space<hbm>> -> memref<640x128xf32, #tpu.memory_space<hbm>>
      %dma_start3A_15 = arith.constant 0 : i32
      %dma_start3A_16 = tpu.memref_slice %arg10[%mul3A_2, %dma_start3A_15] : memref<10240x128xf32, #tpu.memory_space<vmem_shared>> -> memref<640x128xf32, #tpu.memory_space<vmem_shared>>
      tpu.enqueue_dma source(%dma_start3A_16 : memref<640x128xf32, #tpu.memory_space<vmem_shared>>) target(%dma_start3A_14 : memref<640x128xf32, #tpu.memory_space<hbm>>) target_semaphore(%run_scoped3A : memref<!tpu.dma_semaphore, #tpu.memory_space<semaphore_mem>>)
      %dma_wait3A = arith.constant 0 : i32
      %dma_wait3A_17 = tpu.memref_slice %arg6[%arg0, %mul3A_2, %dma_wait3A] : memref<2x10240x128xf32, #tpu.memory_space<hbm>> -> memref<1x640x128xf32, #tpu.memory_space<hbm>>
      %dma_wait3A_18 = tpu.memref_squeeze %dma_wait3A_17 : memref<1x640x128xf32, #tpu.memory_space<hbm>> -> memref<640x128xf32, #tpu.memory_space<hbm>>
      %dma_wait3A_19 = arith.constant 0 : i32
      %dma_wait3A_20 = tpu.memref_slice %arg10[%mul3A_2, %dma_wait3A_19] : memref<10240x128xf32, #tpu.memory_space<vmem_shared>> -> memref<640x128xf32, #tpu.memory_space<vmem_shared>>
      tpu.wait_dma2 semaphore(%run_scoped3A : memref<!tpu.dma_semaphore, #tpu.memory_space<semaphore_mem>>) src(%dma_wait3A_20 : memref<640x128xf32, #tpu.memory_space<vmem_shared>>) dst(%dma_wait3A_18 : memref<640x128xf32, #tpu.memory_space<hbm>>)
      tpu.yield
    }) : () -> ()
    return
  }
}

module attributes {stable_mosaic.version = 14 : i64} {
  func.func @_enc_body(%arg0: i32, %arg1: memref<1000x256xf32, #tpu.memory_space<vmem>>, %arg2: memref<1000x2xf32, #tpu.memory_space<vmem>>, %arg3: memref<1x32xf32, #tpu.memory_space<vmem>>, %arg4: memref<256x128xf32, #tpu.memory_space<vmem>>, %arg5: memref<1x128xf32, #tpu.memory_space<vmem>>, %arg6: memref<1x128xf32, #tpu.memory_space<vmem>>, %arg7: memref<1x128xf32, #tpu.memory_space<vmem>>, %arg8: memref<128x128xf32, #tpu.memory_space<vmem>>, %arg9: memref<1x128xf32, #tpu.memory_space<vmem>>, %arg10: memref<1x128xf32, #tpu.memory_space<vmem>>, %arg11: memref<1x128xf32, #tpu.memory_space<vmem>>, %arg12: memref<128x128xf32, #tpu.memory_space<vmem>>, %arg13: memref<128x128xf32, #tpu.memory_space<vmem>>, %arg14: memref<1x128xf32, #tpu.memory_space<vmem>>, %arg15: memref<1x128xf32, #tpu.memory_space<vmem>>, %arg16: memref<1x128xf32, #tpu.memory_space<vmem>>, %arg17: memref<1000x128xf32, #tpu.memory_space<vmem>>) attributes {dimension_semantics = [#tpu.dimension_semantics<arbitrary>], iteration_bounds = array<i64: 10>, scalar_prefetch = 0 : i64, scratch_operands = 0 : i64, tpu.core_type = #tpu.core_type<tc>, window_params = [{transform_indices = @transform_0, window_bounds = array<i64: 1000, 256>}, {transform_indices = @transform_1, window_bounds = array<i64: 1000, 2>}, {pipeline_mode = #tpu.pipeline_mode<synchronous>, transform_indices = @transform_2, window_bounds = array<i64: 1, 32>}, {pipeline_mode = #tpu.pipeline_mode<synchronous>, transform_indices = @transform_3, window_bounds = array<i64: 256, 128>}, {pipeline_mode = #tpu.pipeline_mode<synchronous>, transform_indices = @transform_4, window_bounds = array<i64: 1, 128>}, {pipeline_mode = #tpu.pipeline_mode<synchronous>, transform_indices = @transform_5, window_bounds = array<i64: 1, 128>}, {pipeline_mode = #tpu.pipeline_mode<synchronous>, transform_indices = @transform_6, window_bounds = array<i64: 1, 128>}, {pipeline_mode = #tpu.pipeline_mode<synchronous>, transform_indices = @transform_7, window_bounds = array<i64: 128, 128>}, {pipeline_mode = #tpu.pipeline_mode<synchronous>, transform_indices = @transform_8, window_bounds = array<i64: 1, 128>}, {pipeline_mode = #tpu.pipeline_mode<synchronous>, transform_indices = @transform_9, window_bounds = array<i64: 1, 128>}, {pipeline_mode = #tpu.pipeline_mode<synchronous>, transform_indices = @transform_10, window_bounds = array<i64: 1, 128>}, {pipeline_mode = #tpu.pipeline_mode<synchronous>, transform_indices = @transform_11, window_bounds = array<i64: 128, 128>}, {pipeline_mode = #tpu.pipeline_mode<synchronous>, transform_indices = @transform_12, window_bounds = array<i64: 128, 128>}, {pipeline_mode = #tpu.pipeline_mode<synchronous>, transform_indices = @transform_13, window_bounds = array<i64: 1, 128>}, {pipeline_mode = #tpu.pipeline_mode<synchronous>, transform_indices = @transform_14, window_bounds = array<i64: 1, 128>}, {pipeline_mode = #tpu.pipeline_mode<synchronous>, transform_indices = @transform_15, window_bounds = array<i64: 1, 128>}, {transform_indices = @transform_16, window_bounds = array<i64: 1000, 128>}]} {
    %get3A = arith.constant 0 : index
    %get3A_0 = arith.constant 0 : index
    %get3A_1 = vector.load %arg1[%get3A, %get3A_0] : memref<1000x256xf32, #tpu.memory_space<vmem>>, vector<1000x256xf32>
    %get3A_2 = arith.constant 0 : index
    %get3A_3 = arith.constant 0 : index
    %get3A_4 = vector.load %arg4[%get3A_2, %get3A_3] : memref<256x128xf32, #tpu.memory_space<vmem>>, vector<256x128xf32>
    %dot_general3A = arith.constant dense<0.000000e+00> : vector<1000x128xf32>
    %dot_general3A_5 = tpu.matmul %get3A_1, %get3A_4, %dot_general3A {dimension_numbers = #tpu.dot_dimension_numbers<[1], [0], [0], [1], [0, 0, 1, 1], [], []>, transpose_lhs_hint = false} : vector<1000x256xf32>, vector<256x128xf32>, vector<1000x128xf32> -> vector<1000x128xf32>
    %get3A_6 = arith.constant 0 : index
    %get3A_7 = arith.constant 0 : index
    %get3A_8 = vector.load %arg5[%get3A_6, %get3A_7] : memref<1x128xf32, #tpu.memory_space<vmem>>, vector<1x128xf32>
    %add3A = vector.broadcast %get3A_8 : vector<1x128xf32> to vector<1000x128xf32>
    %add3A_9 = arith.addf %dot_general3A_5, %add3A : vector<1000x128xf32>
    %get3A_10 = arith.constant 0 : index
    %get3A_11 = arith.constant 0 : index
    %get3A_12 = vector.load %arg6[%get3A_10, %get3A_11] : memref<1x128xf32, #tpu.memory_space<vmem>>, vector<1x128xf32>
    %get3A_13 = arith.constant 0 : index
    %get3A_14 = arith.constant 0 : index
    %get3A_15 = vector.load %arg7[%get3A_13, %get3A_14] : memref<1x128xf32, #tpu.memory_space<vmem>>, vector<1x128xf32>
    %reduce_sum3A = arith.constant dense<0.000000e+00> : vector<1000xf32>
    %reduce_sum3A_16 = vector.multi_reduction <add>, %add3A_9, %reduce_sum3A [1] : vector<1000x128xf32> to vector<1000xf32>
    %broadcast_in_dim3A = vector.shape_cast %reduce_sum3A_16 : vector<1000xf32> to vector<1000x1xf32>
    %div3A = arith.constant 1.280000e+02 : f32
    %div3A_17 = vector.broadcast %div3A : f32 to vector<1000x1xf32>
    %div3A_18 = arith.divf %broadcast_in_dim3A, %div3A_17 : vector<1000x1xf32>
    %sub3A = vector.broadcast %div3A_18 : vector<1000x1xf32> to vector<1000x128xf32>
    %sub3A_19 = arith.subf %add3A_9, %sub3A : vector<1000x128xf32>
    %sub3A_20 = vector.broadcast %div3A_18 : vector<1000x1xf32> to vector<1000x128xf32>
    %sub3A_21 = arith.subf %add3A_9, %sub3A_20 : vector<1000x128xf32>
    %mul3A = arith.mulf %sub3A_19, %sub3A_21 : vector<1000x128xf32>
    %reduce_sum3A_22 = arith.constant dense<0.000000e+00> : vector<1000xf32>
    %reduce_sum3A_23 = vector.multi_reduction <add>, %mul3A, %reduce_sum3A_22 [1] : vector<1000x128xf32> to vector<1000xf32>
    %broadcast_in_dim3A_24 = vector.shape_cast %reduce_sum3A_23 : vector<1000xf32> to vector<1000x1xf32>
    %div3A_25 = arith.constant 1.280000e+02 : f32
    %div3A_26 = vector.broadcast %div3A_25 : f32 to vector<1000x1xf32>
    %div3A_27 = arith.divf %broadcast_in_dim3A_24, %div3A_26 : vector<1000x1xf32>
    %sub3A_28 = vector.broadcast %div3A_18 : vector<1000x1xf32> to vector<1000x128xf32>
    %sub3A_29 = arith.subf %add3A_9, %sub3A_28 : vector<1000x128xf32>
    %add3A_30 = arith.constant 9.99999974E-6 : f32
    %add3A_31 = vector.broadcast %add3A_30 : f32 to vector<1000x1xf32>
    %add3A_32 = arith.addf %div3A_27, %add3A_31 : vector<1000x1xf32>
    %sqrt3A = math.sqrt %add3A_32 : vector<1000x1xf32>
    %div3A_33 = vector.broadcast %sqrt3A : vector<1000x1xf32> to vector<1000x128xf32>
    %div3A_34 = arith.divf %sub3A_29, %div3A_33 : vector<1000x128xf32>
    %mul3A_35 = vector.broadcast %get3A_12 : vector<1x128xf32> to vector<1000x128xf32>
    %mul3A_36 = arith.mulf %div3A_34, %mul3A_35 : vector<1000x128xf32>
    %add3A_37 = vector.broadcast %get3A_15 : vector<1x128xf32> to vector<1000x128xf32>
    %add3A_38 = arith.addf %mul3A_36, %add3A_37 : vector<1000x128xf32>
    %integer_pow3A = arith.mulf %add3A_38, %add3A_38 : vector<1000x128xf32>
    %integer_pow3A_39 = arith.mulf %add3A_38, %integer_pow3A : vector<1000x128xf32>
    %mul3A_40 = arith.constant 4.471500e-02 : f32
    %mul3A_41 = vector.broadcast %mul3A_40 : f32 to vector<1000x128xf32>
    %mul3A_42 = arith.mulf %mul3A_41, %integer_pow3A_39 : vector<1000x128xf32>
    %add3A_43 = arith.addf %add3A_38, %mul3A_42 : vector<1000x128xf32>
    %mul3A_44 = arith.constant 0.797884583 : f32
    %mul3A_45 = vector.broadcast %mul3A_44 : f32 to vector<1000x128xf32>
    %mul3A_46 = arith.mulf %mul3A_45, %add3A_43 : vector<1000x128xf32>
    %tanh3A = math.tanh %mul3A_46 : vector<1000x128xf32>
    %add3A_47 = arith.constant 1.000000e+00 : f32
    %add3A_48 = vector.broadcast %add3A_47 : f32 to vector<1000x128xf32>
    %add3A_49 = arith.addf %add3A_48, %tanh3A : vector<1000x128xf32>
    %mul3A_50 = arith.constant 5.000000e-01 : f32
    %mul3A_51 = vector.broadcast %mul3A_50 : f32 to vector<1000x128xf32>
    %mul3A_52 = arith.mulf %mul3A_51, %add3A_49 : vector<1000x128xf32>
    %mul3A_53 = arith.mulf %add3A_38, %mul3A_52 : vector<1000x128xf32>
    %get3A_54 = arith.constant 0 : index
    %get3A_55 = arith.constant 0 : index
    %get3A_56 = vector.load %arg8[%get3A_54, %get3A_55] : memref<128x128xf32, #tpu.memory_space<vmem>>, vector<128x128xf32>
    %dot_general3A_57 = arith.constant dense<0.000000e+00> : vector<1000x128xf32>
    %dot_general3A_58 = tpu.matmul %mul3A_53, %get3A_56, %dot_general3A_57 {dimension_numbers = #tpu.dot_dimension_numbers<[1], [0], [0], [1], [0, 0, 1, 1], [], []>, transpose_lhs_hint = false} : vector<1000x128xf32>, vector<128x128xf32>, vector<1000x128xf32> -> vector<1000x128xf32>
    %get3A_59 = arith.constant 0 : index
    %get3A_60 = arith.constant 0 : index
    %get3A_61 = vector.load %arg9[%get3A_59, %get3A_60] : memref<1x128xf32, #tpu.memory_space<vmem>>, vector<1x128xf32>
    %add3A_62 = vector.broadcast %get3A_61 : vector<1x128xf32> to vector<1000x128xf32>
    %add3A_63 = arith.addf %dot_general3A_58, %add3A_62 : vector<1000x128xf32>
    %get3A_64 = arith.constant 0 : index
    %get3A_65 = arith.constant 0 : index
    %get3A_66 = vector.load %arg10[%get3A_64, %get3A_65] : memref<1x128xf32, #tpu.memory_space<vmem>>, vector<1x128xf32>
    %get3A_67 = arith.constant 0 : index
    %get3A_68 = arith.constant 0 : index
    %get3A_69 = vector.load %arg11[%get3A_67, %get3A_68] : memref<1x128xf32, #tpu.memory_space<vmem>>, vector<1x128xf32>
    %reduce_sum3A_70 = arith.constant dense<0.000000e+00> : vector<1000xf32>
    %reduce_sum3A_71 = vector.multi_reduction <add>, %add3A_63, %reduce_sum3A_70 [1] : vector<1000x128xf32> to vector<1000xf32>
    %broadcast_in_dim3A_72 = vector.shape_cast %reduce_sum3A_71 : vector<1000xf32> to vector<1000x1xf32>
    %div3A_73 = arith.constant 1.280000e+02 : f32
    %div3A_74 = vector.broadcast %div3A_73 : f32 to vector<1000x1xf32>
    %div3A_75 = arith.divf %broadcast_in_dim3A_72, %div3A_74 : vector<1000x1xf32>
    %sub3A_76 = vector.broadcast %div3A_75 : vector<1000x1xf32> to vector<1000x128xf32>
    %sub3A_77 = arith.subf %add3A_63, %sub3A_76 : vector<1000x128xf32>
    %sub3A_78 = vector.broadcast %div3A_75 : vector<1000x1xf32> to vector<1000x128xf32>
    %sub3A_79 = arith.subf %add3A_63, %sub3A_78 : vector<1000x128xf32>
    %mul3A_80 = arith.mulf %sub3A_77, %sub3A_79 : vector<1000x128xf32>
    %reduce_sum3A_81 = arith.constant dense<0.000000e+00> : vector<1000xf32>
    %reduce_sum3A_82 = vector.multi_reduction <add>, %mul3A_80, %reduce_sum3A_81 [1] : vector<1000x128xf32> to vector<1000xf32>
    %broadcast_in_dim3A_83 = vector.shape_cast %reduce_sum3A_82 : vector<1000xf32> to vector<1000x1xf32>
    %div3A_84 = arith.constant 1.280000e+02 : f32
    %div3A_85 = vector.broadcast %div3A_84 : f32 to vector<1000x1xf32>
    %div3A_86 = arith.divf %broadcast_in_dim3A_83, %div3A_85 : vector<1000x1xf32>
    %sub3A_87 = vector.broadcast %div3A_75 : vector<1000x1xf32> to vector<1000x128xf32>
    %sub3A_88 = arith.subf %add3A_63, %sub3A_87 : vector<1000x128xf32>
    %add3A_89 = arith.constant 9.99999974E-6 : f32
    %add3A_90 = vector.broadcast %add3A_89 : f32 to vector<1000x1xf32>
    %add3A_91 = arith.addf %div3A_86, %add3A_90 : vector<1000x1xf32>
    %sqrt3A_92 = math.sqrt %add3A_91 : vector<1000x1xf32>
    %div3A_93 = vector.broadcast %sqrt3A_92 : vector<1000x1xf32> to vector<1000x128xf32>
    %div3A_94 = arith.divf %sub3A_88, %div3A_93 : vector<1000x128xf32>
    %mul3A_95 = vector.broadcast %get3A_66 : vector<1x128xf32> to vector<1000x128xf32>
    %mul3A_96 = arith.mulf %div3A_94, %mul3A_95 : vector<1000x128xf32>
    %add3A_97 = vector.broadcast %get3A_69 : vector<1x128xf32> to vector<1000x128xf32>
    %add3A_98 = arith.addf %mul3A_96, %add3A_97 : vector<1000x128xf32>
    %get3A_99 = arith.constant 0 : index
    %get3A_100 = arith.constant 0 : index
    %get3A_101 = vector.load %arg2[%get3A_99, %get3A_100] : memref<1000x2xf32, #tpu.memory_space<vmem>>, vector<1000x2xf32>
    %mul3A_102 = arith.constant 1.000000e-01 : f32
    %mul3A_103 = vector.broadcast %mul3A_102 : f32 to vector<1000x2xf32>
    %mul3A_104 = arith.mulf %get3A_101, %mul3A_103 : vector<1000x2xf32>
    %get3A_105 = arith.constant 0 : index
    %get3A_106 = arith.constant 0 : index
    %get3A_107 = vector.load %arg3[%get3A_105, %get3A_106] : memref<1x32xf32, #tpu.memory_space<vmem>>, vector<1x32xf32>
    %slice3A = vector.extract_strided_slice %mul3A_104 {offsets = [0, 0], sizes = [1000, 1], strides = [1, 1]} : vector<1000x2xf32> to vector<1000x1xf32>
    %mul3A_108 = vector.broadcast %slice3A : vector<1000x1xf32> to vector<1000x32xf32>
    %mul3A_109 = vector.broadcast %get3A_107 : vector<1x32xf32> to vector<1000x32xf32>
    %mul3A_110 = arith.mulf %mul3A_108, %mul3A_109 : vector<1000x32xf32>
    %slice3A_111 = vector.extract_strided_slice %mul3A_104 {offsets = [0, 1], sizes = [1000, 1], strides = [1, 1]} : vector<1000x2xf32> to vector<1000x1xf32>
    %mul3A_112 = vector.broadcast %slice3A_111 : vector<1000x1xf32> to vector<1000x32xf32>
    %mul3A_113 = vector.broadcast %get3A_107 : vector<1x32xf32> to vector<1000x32xf32>
    %mul3A_114 = arith.mulf %mul3A_112, %mul3A_113 : vector<1000x32xf32>
    %sin3A = math.sin %mul3A_110 : vector<1000x32xf32>
    %cos3A = math.cos %mul3A_110 : vector<1000x32xf32>
    %sin3A_115 = math.sin %mul3A_114 : vector<1000x32xf32>
    %cos3A_116 = math.cos %mul3A_114 : vector<1000x32xf32>
    %concatenate3A = tpu.concatenate %sin3A, %cos3A, %sin3A_115, %cos3A_116 in 1 : vector<1000x32xf32>, vector<1000x32xf32>, vector<1000x32xf32>, vector<1000x32xf32> -> vector<1000x128xf32>
    %get3A_117 = arith.constant 0 : index
    %get3A_118 = arith.constant 0 : index
    %get3A_119 = vector.load %arg12[%get3A_117, %get3A_118] : memref<128x128xf32, #tpu.memory_space<vmem>>, vector<128x128xf32>
    %dot_general3A_120 = arith.constant dense<0.000000e+00> : vector<1000x128xf32>
    %dot_general3A_121 = tpu.matmul %add3A_98, %get3A_119, %dot_general3A_120 {dimension_numbers = #tpu.dot_dimension_numbers<[1], [0], [0], [1], [0, 0, 1, 1], [], []>, transpose_lhs_hint = false} : vector<1000x128xf32>, vector<128x128xf32>, vector<1000x128xf32> -> vector<1000x128xf32>
    %get3A_122 = arith.constant 0 : index
    %get3A_123 = arith.constant 0 : index
    %get3A_124 = vector.load %arg13[%get3A_122, %get3A_123] : memref<128x128xf32, #tpu.memory_space<vmem>>, vector<128x128xf32>
    %dot_general3A_125 = arith.constant dense<0.000000e+00> : vector<1000x128xf32>
    %dot_general3A_126 = tpu.matmul %concatenate3A, %get3A_124, %dot_general3A_125 {dimension_numbers = #tpu.dot_dimension_numbers<[1], [0], [0], [1], [0, 0, 1, 1], [], []>, transpose_lhs_hint = false} : vector<1000x128xf32>, vector<128x128xf32>, vector<1000x128xf32> -> vector<1000x128xf32>
    %add3A_127 = arith.addf %dot_general3A_121, %dot_general3A_126 : vector<1000x128xf32>
    %get3A_128 = arith.constant 0 : index
    %get3A_129 = arith.constant 0 : index
    %get3A_130 = vector.load %arg14[%get3A_128, %get3A_129] : memref<1x128xf32, #tpu.memory_space<vmem>>, vector<1x128xf32>
    %add3A_131 = vector.broadcast %get3A_130 : vector<1x128xf32> to vector<1000x128xf32>
    %add3A_132 = arith.addf %add3A_127, %add3A_131 : vector<1000x128xf32>
    %get3A_133 = arith.constant 0 : index
    %get3A_134 = arith.constant 0 : index
    %get3A_135 = vector.load %arg15[%get3A_133, %get3A_134] : memref<1x128xf32, #tpu.memory_space<vmem>>, vector<1x128xf32>
    %get3A_136 = arith.constant 0 : index
    %get3A_137 = arith.constant 0 : index
    %get3A_138 = vector.load %arg16[%get3A_136, %get3A_137] : memref<1x128xf32, #tpu.memory_space<vmem>>, vector<1x128xf32>
    %reduce_sum3A_139 = arith.constant dense<0.000000e+00> : vector<1000xf32>
    %reduce_sum3A_140 = vector.multi_reduction <add>, %add3A_132, %reduce_sum3A_139 [1] : vector<1000x128xf32> to vector<1000xf32>
    %broadcast_in_dim3A_141 = vector.shape_cast %reduce_sum3A_140 : vector<1000xf32> to vector<1000x1xf32>
    %div3A_142 = arith.constant 1.280000e+02 : f32
    %div3A_143 = vector.broadcast %div3A_142 : f32 to vector<1000x1xf32>
    %div3A_144 = arith.divf %broadcast_in_dim3A_141, %div3A_143 : vector<1000x1xf32>
    %sub3A_145 = vector.broadcast %div3A_144 : vector<1000x1xf32> to vector<1000x128xf32>
    %sub3A_146 = arith.subf %add3A_132, %sub3A_145 : vector<1000x128xf32>
    %sub3A_147 = vector.broadcast %div3A_144 : vector<1000x1xf32> to vector<1000x128xf32>
    %sub3A_148 = arith.subf %add3A_132, %sub3A_147 : vector<1000x128xf32>
    %mul3A_149 = arith.mulf %sub3A_146, %sub3A_148 : vector<1000x128xf32>
    %reduce_sum3A_150 = arith.constant dense<0.000000e+00> : vector<1000xf32>
    %reduce_sum3A_151 = vector.multi_reduction <add>, %mul3A_149, %reduce_sum3A_150 [1] : vector<1000x128xf32> to vector<1000xf32>
    %broadcast_in_dim3A_152 = vector.shape_cast %reduce_sum3A_151 : vector<1000xf32> to vector<1000x1xf32>
    %div3A_153 = arith.constant 1.280000e+02 : f32
    %div3A_154 = vector.broadcast %div3A_153 : f32 to vector<1000x1xf32>
    %div3A_155 = arith.divf %broadcast_in_dim3A_152, %div3A_154 : vector<1000x1xf32>
    %sub3A_156 = vector.broadcast %div3A_144 : vector<1000x1xf32> to vector<1000x128xf32>
    %sub3A_157 = arith.subf %add3A_132, %sub3A_156 : vector<1000x128xf32>
    %add3A_158 = arith.constant 9.99999974E-6 : f32
    %add3A_159 = vector.broadcast %add3A_158 : f32 to vector<1000x1xf32>
    %add3A_160 = arith.addf %div3A_155, %add3A_159 : vector<1000x1xf32>
    %sqrt3A_161 = math.sqrt %add3A_160 : vector<1000x1xf32>
    %div3A_162 = vector.broadcast %sqrt3A_161 : vector<1000x1xf32> to vector<1000x128xf32>
    %div3A_163 = arith.divf %sub3A_157, %div3A_162 : vector<1000x128xf32>
    %mul3A_164 = vector.broadcast %get3A_135 : vector<1x128xf32> to vector<1000x128xf32>
    %mul3A_165 = arith.mulf %div3A_163, %mul3A_164 : vector<1000x128xf32>
    %add3A_166 = vector.broadcast %get3A_138 : vector<1x128xf32> to vector<1000x128xf32>
    %add3A_167 = arith.addf %mul3A_165, %add3A_166 : vector<1000x128xf32>
    %integer_pow3A_168 = arith.mulf %add3A_167, %add3A_167 : vector<1000x128xf32>
    %integer_pow3A_169 = arith.mulf %add3A_167, %integer_pow3A_168 : vector<1000x128xf32>
    %mul3A_170 = arith.constant 4.471500e-02 : f32
    %mul3A_171 = vector.broadcast %mul3A_170 : f32 to vector<1000x128xf32>
    %mul3A_172 = arith.mulf %mul3A_171, %integer_pow3A_169 : vector<1000x128xf32>
    %add3A_173 = arith.addf %add3A_167, %mul3A_172 : vector<1000x128xf32>
    %mul3A_174 = arith.constant 0.797884583 : f32
    %mul3A_175 = vector.broadcast %mul3A_174 : f32 to vector<1000x128xf32>
    %mul3A_176 = arith.mulf %mul3A_175, %add3A_173 : vector<1000x128xf32>
    %tanh3A_177 = math.tanh %mul3A_176 : vector<1000x128xf32>
    %add3A_178 = arith.constant 1.000000e+00 : f32
    %add3A_179 = vector.broadcast %add3A_178 : f32 to vector<1000x128xf32>
    %add3A_180 = arith.addf %add3A_179, %tanh3A_177 : vector<1000x128xf32>
    %mul3A_181 = arith.constant 5.000000e-01 : f32
    %mul3A_182 = vector.broadcast %mul3A_181 : f32 to vector<1000x128xf32>
    %mul3A_183 = arith.mulf %mul3A_182, %add3A_180 : vector<1000x128xf32>
    %mul3A_184 = arith.mulf %add3A_167, %mul3A_183 : vector<1000x128xf32>
    %swap3A = arith.constant 0 : index
    %swap3A_185 = arith.constant 0 : index
    %swap3A_186 = vector.load %arg17[%swap3A, %swap3A_185] : memref<1000x128xf32, #tpu.memory_space<vmem>>, vector<1000x128xf32>
    tpu.vector_store %arg17[%swap3A, %swap3A_185], %mul3A_184 {strides = array<i32>} : memref<1000x128xf32, #tpu.memory_space<vmem>>, vector<1000x128xf32>,
    return
  }
  func.func @transform_0(%arg0: i32) -> (i32, i32) {
    %c0_i32 = arith.constant 0 : i32
    %c0_i32_0 = arith.constant 0 : i32
    return %arg0, %c0_i32 : i32, i32
  }
  func.func @transform_1(%arg0: i32) -> (i32, i32) {
    %c0_i32 = arith.constant 0 : i32
    %c0_i32_0 = arith.constant 0 : i32
    return %arg0, %c0_i32 : i32, i32
  }
  func.func @transform_2(%arg0: i32) -> (i32, i32) {
    %c0_i32 = arith.constant 0 : i32
    %c0_i32_0 = arith.constant 0 : i32
    %c0_i32_1 = arith.constant 0 : i32
    return %c0_i32, %c0_i32_0 : i32, i32
  }
  func.func @transform_3(%arg0: i32) -> (i32, i32) {
    %c0_i32 = arith.constant 0 : i32
    %c0_i32_0 = arith.constant 0 : i32
    %c0_i32_1 = arith.constant 0 : i32
    return %c0_i32, %c0_i32_0 : i32, i32
  }
  func.func @transform_4(%arg0: i32) -> (i32, i32) {
    %c0_i32 = arith.constant 0 : i32
    %c0_i32_0 = arith.constant 0 : i32
    %c0_i32_1 = arith.constant 0 : i32
    return %c0_i32, %c0_i32_0 : i32, i32
  }
  func.func @transform_5(%arg0: i32) -> (i32, i32) {
    %c0_i32 = arith.constant 0 : i32
    %c0_i32_0 = arith.constant 0 : i32
    %c0_i32_1 = arith.constant 0 : i32
    return %c0_i32, %c0_i32_0 : i32, i32
  }
  func.func @transform_6(%arg0: i32) -> (i32, i32) {
    %c0_i32 = arith.constant 0 : i32
    %c0_i32_0 = arith.constant 0 : i32
    %c0_i32_1 = arith.constant 0 : i32
    return %c0_i32, %c0_i32_0 : i32, i32
  }
  func.func @transform_7(%arg0: i32) -> (i32, i32) {
    %c0_i32 = arith.constant 0 : i32
    %c0_i32_0 = arith.constant 0 : i32
    %c0_i32_1 = arith.constant 0 : i32
    return %c0_i32, %c0_i32_0 : i32, i32
  }
  func.func @transform_8(%arg0: i32) -> (i32, i32) {
    %c0_i32 = arith.constant 0 : i32
    %c0_i32_0 = arith.constant 0 : i32
    %c0_i32_1 = arith.constant 0 : i32
    return %c0_i32, %c0_i32_0 : i32, i32
  }
  func.func @transform_9(%arg0: i32) -> (i32, i32) {
    %c0_i32 = arith.constant 0 : i32
    %c0_i32_0 = arith.constant 0 : i32
    %c0_i32_1 = arith.constant 0 : i32
    return %c0_i32, %c0_i32_0 : i32, i32
  }
  func.func @transform_10(%arg0: i32) -> (i32, i32) {
    %c0_i32 = arith.constant 0 : i32
    %c0_i32_0 = arith.constant 0 : i32
    %c0_i32_1 = arith.constant 0 : i32
    return %c0_i32, %c0_i32_0 : i32, i32
  }
  func.func @transform_11(%arg0: i32) -> (i32, i32) {
    %c0_i32 = arith.constant 0 : i32
    %c0_i32_0 = arith.constant 0 : i32
    %c0_i32_1 = arith.constant 0 : i32
    return %c0_i32, %c0_i32_0 : i32, i32
  }
  func.func @transform_12(%arg0: i32) -> (i32, i32) {
    %c0_i32 = arith.constant 0 : i32
    %c0_i32_0 = arith.constant 0 : i32
    %c0_i32_1 = arith.constant 0 : i32
    return %c0_i32, %c0_i32_0 : i32, i32
  }
  func.func @transform_13(%arg0: i32) -> (i32, i32) {
    %c0_i32 = arith.constant 0 : i32
    %c0_i32_0 = arith.constant 0 : i32
    %c0_i32_1 = arith.constant 0 : i32
    return %c0_i32, %c0_i32_0 : i32, i32
  }
  func.func @transform_14(%arg0: i32) -> (i32, i32) {
    %c0_i32 = arith.constant 0 : i32
    %c0_i32_0 = arith.constant 0 : i32
    %c0_i32_1 = arith.constant 0 : i32
    return %c0_i32, %c0_i32_0 : i32, i32
  }
  func.func @transform_15(%arg0: i32) -> (i32, i32) {
    %c0_i32 = arith.constant 0 : i32
    %c0_i32_0 = arith.constant 0 : i32
    %c0_i32_1 = arith.constant 0 : i32
    return %c0_i32, %c0_i32_0 : i32, i32
  }
  func.func @transform_16(%arg0: i32) -> (i32, i32) {
    %c0_i32 = arith.constant 0 : i32
    %c0_i32_0 = arith.constant 0 : i32
    return %arg0, %c0_i32 : i32, i32
  }
}

module attributes {stable_mosaic.version = 14 : i64} {
  func.func @_upd_body(%arg0: i32, %arg1: memref<1000x128xf32, #tpu.memory_space<vmem>>, %arg2: memref<1000x128xf32, #tpu.memory_space<vmem>>, %arg3: memref<2x1000x128xf32, #tpu.memory_space<vmem>>, %arg4: memref<2x1000x128xf32, #tpu.memory_space<vmem>>, %arg5: memref<2x1000x1xf32, #tpu.memory_space<vmem>>, %arg6: memref<2x1000x1xf32, #tpu.memory_space<vmem>>, %arg7: memref<128x128xf32, #tpu.memory_space<vmem>>, %arg8: memref<1x128xf32, #tpu.memory_space<vmem>>, %arg9: memref<1x128xf32, #tpu.memory_space<vmem>>, %arg10: memref<1x128xf32, #tpu.memory_space<vmem>>, %arg11: memref<128x128xf32, #tpu.memory_space<vmem>>, %arg12: memref<1x128xf32, #tpu.memory_space<vmem>>, %arg13: memref<1x128xf32, #tpu.memory_space<vmem>>, %arg14: memref<1x128xf32, #tpu.memory_space<vmem>>, %arg15: memref<1000x128xf32, #tpu.memory_space<vmem>>, %arg16: memref<1000x128xf32, #tpu.memory_space<vmem>>) attributes {dimension_semantics = [#tpu.dimension_semantics<arbitrary>], iteration_bounds = array<i64: 10>, scalar_prefetch = 0 : i64, scratch_operands = 0 : i64, tpu.core_type = #tpu.core_type<tc>, window_params = [{transform_indices = @transform_0, window_bounds = array<i64: 1000, 128>}, {transform_indices = @transform_1, window_bounds = array<i64: 1000, 128>}, {transform_indices = @transform_2, window_bounds = array<i64: 2, 1000, 128>}, {transform_indices = @transform_3, window_bounds = array<i64: 2, 1000, 128>}, {transform_indices = @transform_4, window_bounds = array<i64: 2, 1000, 1>}, {transform_indices = @transform_5, window_bounds = array<i64: 2, 1000, 1>}, {pipeline_mode = #tpu.pipeline_mode<synchronous>, transform_indices = @transform_6, window_bounds = array<i64: 128, 128>}, {pipeline_mode = #tpu.pipeline_mode<synchronous>, transform_indices = @transform_7, window_bounds = array<i64: 1, 128>}, {pipeline_mode = #tpu.pipeline_mode<synchronous>, transform_indices = @transform_8, window_bounds = array<i64: 1, 128>}, {pipeline_mode = #tpu.pipeline_mode<synchronous>, transform_indices = @transform_9, window_bounds = array<i64: 1, 128>}, {pipeline_mode = #tpu.pipeline_mode<synchronous>, transform_indices = @transform_10, window_bounds = array<i64: 128, 128>}, {pipeline_mode = #tpu.pipeline_mode<synchronous>, transform_indices = @transform_11, window_bounds = array<i64: 1, 128>}, {pipeline_mode = #tpu.pipeline_mode<synchronous>, transform_indices = @transform_12, window_bounds = array<i64: 1, 128>}, {pipeline_mode = #tpu.pipeline_mode<synchronous>, transform_indices = @transform_13, window_bounds = array<i64: 1, 128>}, {transform_indices = @transform_14, window_bounds = array<i64: 1000, 128>}, {transform_indices = @transform_15, window_bounds = array<i64: 1000, 128>}]} {
    %get3A = arith.constant 0 : index
    %get3A_0 = arith.constant 0 : index
    %get3A_1 = vector.load %arg1[%get3A, %get3A_0] : memref<1000x128xf32, #tpu.memory_space<vmem>>, vector<1000x128xf32>
    %get3A_2 = arith.constant 0 : index
    %get3A_3 = arith.constant 0 : index
    %get3A_4 = arith.constant 0 : index
    %get3A_5 = vector.load %arg3[%get3A_2, %get3A_3, %get3A_4] : memref<2x1000x128xf32, #tpu.memory_space<vmem>>, vector<1x1000x128xf32>
    %get3A_6 = vector.shape_cast %get3A_5 : vector<1x1000x128xf32> to vector<1000x128xf32>
    %get3A_7 = arith.constant 1 : index
    %get3A_8 = arith.constant 0 : index
    %get3A_9 = arith.constant 0 : index
    %get3A_10 = vector.load %arg3[%get3A_7, %get3A_8, %get3A_9] : memref<2x1000x128xf32, #tpu.memory_space<vmem>>, vector<1x1000x128xf32>
    %get3A_11 = vector.shape_cast %get3A_10 : vector<1x1000x128xf32> to vector<1000x128xf32>
    %add3A = arith.addf %get3A_6, %get3A_11 : vector<1000x128xf32>
    %get3A_12 = arith.constant 0 : index
    %get3A_13 = arith.constant 0 : index
    %get3A_14 = arith.constant 0 : index
    %get3A_15 = vector.load %arg5[%get3A_12, %get3A_13, %get3A_14] : memref<2x1000x1xf32, #tpu.memory_space<vmem>>, vector<1x1000x1xf32>
    %get3A_16 = vector.shape_cast %get3A_15 : vector<1x1000x1xf32> to vector<1000x1xf32>
    %get3A_17 = arith.constant 1 : index
    %get3A_18 = arith.constant 0 : index
    %get3A_19 = arith.constant 0 : index
    %get3A_20 = vector.load %arg5[%get3A_17, %get3A_18, %get3A_19] : memref<2x1000x1xf32, #tpu.memory_space<vmem>>, vector<1x1000x1xf32>
    %get3A_21 = vector.shape_cast %get3A_20 : vector<1x1000x1xf32> to vector<1000x1xf32>
    %add3A_22 = arith.addf %get3A_16, %get3A_21 : vector<1000x1xf32>
    %get3A_23 = arith.constant 0 : index
    %get3A_24 = arith.constant 0 : index
    %get3A_25 = vector.load %arg7[%get3A_23, %get3A_24] : memref<128x128xf32, #tpu.memory_space<vmem>>, vector<128x128xf32>
    %dot_general3A = arith.constant dense<0.000000e+00> : vector<1000x128xf32>
    %dot_general3A_26 = tpu.matmul %add3A, %get3A_25, %dot_general3A {dimension_numbers = #tpu.dot_dimension_numbers<[1], [0], [0], [1], [0, 0, 1, 1], [], []>, transpose_lhs_hint = false} : vector<1000x128xf32>, vector<128x128xf32>, vector<1000x128xf32> -> vector<1000x128xf32>
    %get3A_27 = arith.constant 0 : index
    %get3A_28 = arith.constant 0 : index
    %get3A_29 = vector.load %arg8[%get3A_27, %get3A_28] : memref<1x128xf32, #tpu.memory_space<vmem>>, vector<1x128xf32>
    %mul3A = vector.broadcast %add3A_22 : vector<1000x1xf32> to vector<1000x128xf32>
    %mul3A_30 = vector.broadcast %get3A_29 : vector<1x128xf32> to vector<1000x128xf32>
    %mul3A_31 = arith.mulf %mul3A, %mul3A_30 : vector<1000x128xf32>
    %add3A_32 = arith.addf %dot_general3A_26, %mul3A_31 : vector<1000x128xf32>
    %max3A = arith.constant 1.000000e+00 : f32
    %max3A_33 = vector.broadcast %max3A : f32 to vector<1000x1xf32>
    %max3A_34 = arith.maximumf %add3A_22, %max3A_33 : vector<1000x1xf32>
    %div3A = vector.broadcast %max3A_34 : vector<1000x1xf32> to vector<1000x128xf32>
    %div3A_35 = arith.divf %add3A_32, %div3A : vector<1000x128xf32>
    %integer_pow3A = arith.mulf %div3A_35, %div3A_35 : vector<1000x128xf32>
    %integer_pow3A_36 = arith.mulf %div3A_35, %integer_pow3A : vector<1000x128xf32>
    %mul3A_37 = arith.constant 4.471500e-02 : f32
    %mul3A_38 = vector.broadcast %mul3A_37 : f32 to vector<1000x128xf32>
    %mul3A_39 = arith.mulf %mul3A_38, %integer_pow3A_36 : vector<1000x128xf32>
    %add3A_40 = arith.addf %div3A_35, %mul3A_39 : vector<1000x128xf32>
    %mul3A_41 = arith.constant 0.797884583 : f32
    %mul3A_42 = vector.broadcast %mul3A_41 : f32 to vector<1000x128xf32>
    %mul3A_43 = arith.mulf %mul3A_42, %add3A_40 : vector<1000x128xf32>
    %tanh3A = math.tanh %mul3A_43 : vector<1000x128xf32>
    %add3A_44 = arith.constant 1.000000e+00 : f32
    %add3A_45 = vector.broadcast %add3A_44 : f32 to vector<1000x128xf32>
    %add3A_46 = arith.addf %add3A_45, %tanh3A : vector<1000x128xf32>
    %mul3A_47 = arith.constant 5.000000e-01 : f32
    %mul3A_48 = vector.broadcast %mul3A_47 : f32 to vector<1000x128xf32>
    %mul3A_49 = arith.mulf %mul3A_48, %add3A_46 : vector<1000x128xf32>
    %mul3A_50 = arith.mulf %div3A_35, %mul3A_49 : vector<1000x128xf32>
    %add3A_51 = arith.addf %get3A_1, %mul3A_50 : vector<1000x128xf32>
    %get3A_52 = arith.constant 0 : index
    %get3A_53 = arith.constant 0 : index
    %get3A_54 = vector.load %arg9[%get3A_52, %get3A_53] : memref<1x128xf32, #tpu.memory_space<vmem>>, vector<1x128xf32>
    %get3A_55 = arith.constant 0 : index
    %get3A_56 = arith.constant 0 : index
    %get3A_57 = vector.load %arg10[%get3A_55, %get3A_56] : memref<1x128xf32, #tpu.memory_space<vmem>>, vector<1x128xf32>
    %reduce_sum3A = arith.constant dense<0.000000e+00> : vector<1000xf32>
    %reduce_sum3A_58 = vector.multi_reduction <add>, %add3A_51, %reduce_sum3A [1] : vector<1000x128xf32> to vector<1000xf32>
    %broadcast_in_dim3A = vector.shape_cast %reduce_sum3A_58 : vector<1000xf32> to vector<1000x1xf32>
    %div3A_59 = arith.constant 1.280000e+02 : f32
    %div3A_60 = vector.broadcast %div3A_59 : f32 to vector<1000x1xf32>
    %div3A_61 = arith.divf %broadcast_in_dim3A, %div3A_60 : vector<1000x1xf32>
    %sub3A = vector.broadcast %div3A_61 : vector<1000x1xf32> to vector<1000x128xf32>
    %sub3A_62 = arith.subf %add3A_51, %sub3A : vector<1000x128xf32>
    %sub3A_63 = vector.broadcast %div3A_61 : vector<1000x1xf32> to vector<1000x128xf32>
    %sub3A_64 = arith.subf %add3A_51, %sub3A_63 : vector<1000x128xf32>
    %mul3A_65 = arith.mulf %sub3A_62, %sub3A_64 : vector<1000x128xf32>
    %reduce_sum3A_66 = arith.constant dense<0.000000e+00> : vector<1000xf32>
    %reduce_sum3A_67 = vector.multi_reduction <add>, %mul3A_65, %reduce_sum3A_66 [1] : vector<1000x128xf32> to vector<1000xf32>
    %broadcast_in_dim3A_68 = vector.shape_cast %reduce_sum3A_67 : vector<1000xf32> to vector<1000x1xf32>
    %div3A_69 = arith.constant 1.280000e+02 : f32
    %div3A_70 = vector.broadcast %div3A_69 : f32 to vector<1000x1xf32>
    %div3A_71 = arith.divf %broadcast_in_dim3A_68, %div3A_70 : vector<1000x1xf32>
    %sub3A_72 = vector.broadcast %div3A_61 : vector<1000x1xf32> to vector<1000x128xf32>
    %sub3A_73 = arith.subf %add3A_51, %sub3A_72 : vector<1000x128xf32>
    %add3A_74 = arith.constant 9.99999974E-6 : f32
    %add3A_75 = vector.broadcast %add3A_74 : f32 to vector<1000x1xf32>
    %add3A_76 = arith.addf %div3A_71, %add3A_75 : vector<1000x1xf32>
    %sqrt3A = math.sqrt %add3A_76 : vector<1000x1xf32>
    %div3A_77 = vector.broadcast %sqrt3A : vector<1000x1xf32> to vector<1000x128xf32>
    %div3A_78 = arith.divf %sub3A_73, %div3A_77 : vector<1000x128xf32>
    %mul3A_79 = vector.broadcast %get3A_54 : vector<1x128xf32> to vector<1000x128xf32>
    %mul3A_80 = arith.mulf %div3A_78, %mul3A_79 : vector<1000x128xf32>
    %add3A_81 = vector.broadcast %get3A_57 : vector<1x128xf32> to vector<1000x128xf32>
    %add3A_82 = arith.addf %mul3A_80, %add3A_81 : vector<1000x128xf32>
    %swap3A = arith.constant 0 : index
    %swap3A_83 = arith.constant 0 : index
    %swap3A_84 = vector.load %arg15[%swap3A, %swap3A_83] : memref<1000x128xf32, #tpu.memory_space<vmem>>, vector<1000x128xf32>
    tpu.vector_store %arg15[%swap3A, %swap3A_83], %add3A_82 {strides = array<i32>} : memref<1000x128xf32, #tpu.memory_space<vmem>>, vector<1000x128xf32>,
    %get3A_85 = arith.constant 0 : index
    %get3A_86 = arith.constant 0 : index
    %get3A_87 = vector.load %arg2[%get3A_85, %get3A_86] : memref<1000x128xf32, #tpu.memory_space<vmem>>, vector<1000x128xf32>
    %get3A_88 = arith.constant 0 : index
    %get3A_89 = arith.constant 0 : index
    %get3A_90 = arith.constant 0 : index
    %get3A_91 = vector.load %arg4[%get3A_88, %get3A_89, %get3A_90] : memref<2x1000x128xf32, #tpu.memory_space<vmem>>, vector<1x1000x128xf32>
    %get3A_92 = vector.shape_cast %get3A_91 : vector<1x1000x128xf32> to vector<1000x128xf32>
    %get3A_93 = arith.constant 1 : index
    %get3A_94 = arith.constant 0 : index
    %get3A_95 = arith.constant 0 : index
    %get3A_96 = vector.load %arg4[%get3A_93, %get3A_94, %get3A_95] : memref<2x1000x128xf32, #tpu.memory_space<vmem>>, vector<1x1000x128xf32>
    %get3A_97 = vector.shape_cast %get3A_96 : vector<1x1000x128xf32> to vector<1000x128xf32>
    %add3A_98 = arith.addf %get3A_92, %get3A_97 : vector<1000x128xf32>
    %get3A_99 = arith.constant 0 : index
    %get3A_100 = arith.constant 0 : index
    %get3A_101 = arith.constant 0 : index
    %get3A_102 = vector.load %arg6[%get3A_99, %get3A_100, %get3A_101] : memref<2x1000x1xf32, #tpu.memory_space<vmem>>, vector<1x1000x1xf32>
    %get3A_103 = vector.shape_cast %get3A_102 : vector<1x1000x1xf32> to vector<1000x1xf32>
    %get3A_104 = arith.constant 1 : index
    %get3A_105 = arith.constant 0 : index
    %get3A_106 = arith.constant 0 : index
    %get3A_107 = vector.load %arg6[%get3A_104, %get3A_105, %get3A_106] : memref<2x1000x1xf32, #tpu.memory_space<vmem>>, vector<1x1000x1xf32>
    %get3A_108 = vector.shape_cast %get3A_107 : vector<1x1000x1xf32> to vector<1000x1xf32>
    %add3A_109 = arith.addf %get3A_103, %get3A_108 : vector<1000x1xf32>
    %get3A_110 = arith.constant 0 : index
    %get3A_111 = arith.constant 0 : index
    %get3A_112 = vector.load %arg11[%get3A_110, %get3A_111] : memref<128x128xf32, #tpu.memory_space<vmem>>, vector<128x128xf32>
    %dot_general3A_113 = arith.constant dense<0.000000e+00> : vector<1000x128xf32>
    %dot_general3A_114 = tpu.matmul %add3A_98, %get3A_112, %dot_general3A_113 {dimension_numbers = #tpu.dot_dimension_numbers<[1], [0], [0], [1], [0, 0, 1, 1], [], []>, transpose_lhs_hint = false} : vector<1000x128xf32>, vector<128x128xf32>, vector<1000x128xf32> -> vector<1000x128xf32>
    %get3A_115 = arith.constant 0 : index
    %get3A_116 = arith.constant 0 : index
    %get3A_117 = vector.load %arg12[%get3A_115, %get3A_116] : memref<1x128xf32, #tpu.memory_space<vmem>>, vector<1x128xf32>
    %mul3A_118 = vector.broadcast %add3A_109 : vector<1000x1xf32> to vector<1000x128xf32>
    %mul3A_119 = vector.broadcast %get3A_117 : vector<1x128xf32> to vector<1000x128xf32>
    %mul3A_120 = arith.mulf %mul3A_118, %mul3A_119 : vector<1000x128xf32>
    %add3A_121 = arith.addf %dot_general3A_114, %mul3A_120 : vector<1000x128xf32>
    %max3A_122 = arith.constant 1.000000e+00 : f32
    %max3A_123 = vector.broadcast %max3A_122 : f32 to vector<1000x1xf32>
    %max3A_124 = arith.maximumf %add3A_109, %max3A_123 : vector<1000x1xf32>
    %div3A_125 = vector.broadcast %max3A_124 : vector<1000x1xf32> to vector<1000x128xf32>
    %div3A_126 = arith.divf %add3A_121, %div3A_125 : vector<1000x128xf32>
    %integer_pow3A_127 = arith.mulf %div3A_126, %div3A_126 : vector<1000x128xf32>
    %integer_pow3A_128 = arith.mulf %div3A_126, %integer_pow3A_127 : vector<1000x128xf32>
    %mul3A_129 = arith.constant 4.471500e-02 : f32
    %mul3A_130 = vector.broadcast %mul3A_129 : f32 to vector<1000x128xf32>
    %mul3A_131 = arith.mulf %mul3A_130, %integer_pow3A_128 : vector<1000x128xf32>
    %add3A_132 = arith.addf %div3A_126, %mul3A_131 : vector<1000x128xf32>
    %mul3A_133 = arith.constant 0.797884583 : f32
    %mul3A_134 = vector.broadcast %mul3A_133 : f32 to vector<1000x128xf32>
    %mul3A_135 = arith.mulf %mul3A_134, %add3A_132 : vector<1000x128xf32>
    %tanh3A_136 = math.tanh %mul3A_135 : vector<1000x128xf32>
    %add3A_137 = arith.constant 1.000000e+00 : f32
    %add3A_138 = vector.broadcast %add3A_137 : f32 to vector<1000x128xf32>
    %add3A_139 = arith.addf %add3A_138, %tanh3A_136 : vector<1000x128xf32>
    %mul3A_140 = arith.constant 5.000000e-01 : f32
    %mul3A_141 = vector.broadcast %mul3A_140 : f32 to vector<1000x128xf32>
    %mul3A_142 = arith.mulf %mul3A_141, %add3A_139 : vector<1000x128xf32>
    %mul3A_143 = arith.mulf %div3A_126, %mul3A_142 : vector<1000x128xf32>
    %add3A_144 = arith.addf %get3A_87, %mul3A_143 : vector<1000x128xf32>
    %get3A_145 = arith.constant 0 : index
    %get3A_146 = arith.constant 0 : index
    %get3A_147 = vector.load %arg13[%get3A_145, %get3A_146] : memref<1x128xf32, #tpu.memory_space<vmem>>, vector<1x128xf32>
    %get3A_148 = arith.constant 0 : index
    %get3A_149 = arith.constant 0 : index
    %get3A_150 = vector.load %arg14[%get3A_148, %get3A_149] : memref<1x128xf32, #tpu.memory_space<vmem>>, vector<1x128xf32>
    %reduce_sum3A_151 = arith.constant dense<0.000000e+00> : vector<1000xf32>
    %reduce_sum3A_152 = vector.multi_reduction <add>, %add3A_144, %reduce_sum3A_151 [1] : vector<1000x128xf32> to vector<1000xf32>
    %broadcast_in_dim3A_153 = vector.shape_cast %reduce_sum3A_152 : vector<1000xf32> to vector<1000x1xf32>
    %div3A_154 = arith.constant 1.280000e+02 : f32
    %div3A_155 = vector.broadcast %div3A_154 : f32 to vector<1000x1xf32>
    %div3A_156 = arith.divf %broadcast_in_dim3A_153, %div3A_155 : vector<1000x1xf32>
    %sub3A_157 = vector.broadcast %div3A_156 : vector<1000x1xf32> to vector<1000x128xf32>
    %sub3A_158 = arith.subf %add3A_144, %sub3A_157 : vector<1000x128xf32>
    %sub3A_159 = vector.broadcast %div3A_156 : vector<1000x1xf32> to vector<1000x128xf32>
    %sub3A_160 = arith.subf %add3A_144, %sub3A_159 : vector<1000x128xf32>
    %mul3A_161 = arith.mulf %sub3A_158, %sub3A_160 : vector<1000x128xf32>
    %reduce_sum3A_162 = arith.constant dense<0.000000e+00> : vector<1000xf32>
    %reduce_sum3A_163 = vector.multi_reduction <add>, %mul3A_161, %reduce_sum3A_162 [1] : vector<1000x128xf32> to vector<1000xf32>
    %broadcast_in_dim3A_164 = vector.shape_cast %reduce_sum3A_163 : vector<1000xf32> to vector<1000x1xf32>
    %div3A_165 = arith.constant 1.280000e+02 : f32
    %div3A_166 = vector.broadcast %div3A_165 : f32 to vector<1000x1xf32>
    %div3A_167 = arith.divf %broadcast_in_dim3A_164, %div3A_166 : vector<1000x1xf32>
    %sub3A_168 = vector.broadcast %div3A_156 : vector<1000x1xf32> to vector<1000x128xf32>
    %sub3A_169 = arith.subf %add3A_144, %sub3A_168 : vector<1000x128xf32>
    %add3A_170 = arith.constant 9.99999974E-6 : f32
    %add3A_171 = vector.broadcast %add3A_170 : f32 to vector<1000x1xf32>
    %add3A_172 = arith.addf %div3A_167, %add3A_171 : vector<1000x1xf32>
    %sqrt3A_173 = math.sqrt %add3A_172 : vector<1000x1xf32>
    %div3A_174 = vector.broadcast %sqrt3A_173 : vector<1000x1xf32> to vector<1000x128xf32>
    %div3A_175 = arith.divf %sub3A_169, %div3A_174 : vector<1000x128xf32>
    %mul3A_176 = vector.broadcast %get3A_147 : vector<1x128xf32> to vector<1000x128xf32>
    %mul3A_177 = arith.mulf %div3A_175, %mul3A_176 : vector<1000x128xf32>
    %add3A_178 = vector.broadcast %get3A_150 : vector<1x128xf32> to vector<1000x128xf32>
    %add3A_179 = arith.addf %mul3A_177, %add3A_178 : vector<1000x128xf32>
    %swap3A_180 = arith.constant 0 : index
    %swap3A_181 = arith.constant 0 : index
    %swap3A_182 = vector.load %arg16[%swap3A_180, %swap3A_181] : memref<1000x128xf32, #tpu.memory_space<vmem>>, vector<1000x128xf32>
    tpu.vector_store %arg16[%swap3A_180, %swap3A_181], %add3A_179 {strides = array<i32>} : memref<1000x128xf32, #tpu.memory_space<vmem>>, vector<1000x128xf32>,
    return
  }
  func.func @transform_0(%arg0: i32) -> (i32, i32) {
    %c0_i32 = arith.constant 0 : i32
    %c0_i32_0 = arith.constant 0 : i32
    return %arg0, %c0_i32 : i32, i32
  }
  func.func @transform_1(%arg0: i32) -> (i32, i32) {
    %c0_i32 = arith.constant 0 : i32
    %c0_i32_0 = arith.constant 0 : i32
    return %arg0, %c0_i32 : i32, i32
  }
  func.func @transform_2(%arg0: i32) -> (i32, i32, i32) {
    %c0_i32 = arith.constant 0 : i32
    %c0_i32_0 = arith.constant 0 : i32
    %c0_i32_1 = arith.constant 0 : i32
    return %c0_i32, %arg0, %c0_i32_0 : i32, i32, i32
  }
  func.func @transform_3(%arg0: i32) -> (i32, i32, i32) {
    %c0_i32 = arith.constant 0 : i32
    %c0_i32_0 = arith.constant 0 : i32
    %c0_i32_1 = arith.constant 0 : i32
    return %c0_i32, %arg0, %c0_i32_0 : i32, i32, i32
  }
  func.func @transform_4(%arg0: i32) -> (i32, i32, i32) {
    %c0_i32 = arith.constant 0 : i32
    %c0_i32_0 = arith.constant 0 : i32
    %c0_i32_1 = arith.constant 0 : i32
    return %c0_i32, %arg0, %c0_i32_0 : i32, i32, i32
  }
  func.func @transform_5(%arg0: i32) -> (i32, i32, i32) {
    %c0_i32 = arith.constant 0 : i32
    %c0_i32_0 = arith.constant 0 : i32
    %c0_i32_1 = arith.constant 0 : i32
    return %c0_i32, %arg0, %c0_i32_0 : i32, i32, i32
  }
  func.func @transform_6(%arg0: i32) -> (i32, i32) {
    %c0_i32 = arith.constant 0 : i32
    %c0_i32_0 = arith.constant 0 : i32
    %c0_i32_1 = arith.constant 0 : i32
    return %c0_i32, %c0_i32_0 : i32, i32
  }
  func.func @transform_7(%arg0: i32) -> (i32, i32) {
    %c0_i32 = arith.constant 0 : i32
    %c0_i32_0 = arith.constant 0 : i32
    %c0_i32_1 = arith.constant 0 : i32
    return %c0_i32, %c0_i32_0 : i32, i32
  }
  func.func @transform_8(%arg0: i32) -> (i32, i32) {
    %c0_i32 = arith.constant 0 : i32
    %c0_i32_0 = arith.constant 0 : i32
    %c0_i32_1 = arith.constant 0 : i32
    return %c0_i32, %c0_i32_0 : i32, i32
  }
  func.func @transform_9(%arg0: i32) -> (i32, i32) {
    %c0_i32 = arith.constant 0 : i32
    %c0_i32_0 = arith.constant 0 : i32
    %c0_i32_1 = arith.constant 0 : i32
    return %c0_i32, %c0_i32_0 : i32, i32
  }
  func.func @transform_10(%arg0: i32) -> (i32, i32) {
    %c0_i32 = arith.constant 0 : i32
    %c0_i32_0 = arith.constant 0 : i32
    %c0_i32_1 = arith.constant 0 : i32
    return %c0_i32, %c0_i32_0 : i32, i32
  }
  func.func @transform_11(%arg0: i32) -> (i32, i32) {
    %c0_i32 = arith.constant 0 : i32
    %c0_i32_0 = arith.constant 0 : i32
    %c0_i32_1 = arith.constant 0 : i32
    return %c0_i32, %c0_i32_0 : i32, i32
  }
  func.func @transform_12(%arg0: i32) -> (i32, i32) {
    %c0_i32 = arith.constant 0 : i32
    %c0_i32_0 = arith.constant 0 : i32
    %c0_i32_1 = arith.constant 0 : i32
    return %c0_i32, %c0_i32_0 : i32, i32
  }
  func.func @transform_13(%arg0: i32) -> (i32, i32) {
    %c0_i32 = arith.constant 0 : i32
    %c0_i32_0 = arith.constant 0 : i32
    %c0_i32_1 = arith.constant 0 : i32
    return %c0_i32, %c0_i32_0 : i32, i32
  }
  func.func @transform_14(%arg0: i32) -> (i32, i32) {
    %c0_i32 = arith.constant 0 : i32
    %c0_i32_0 = arith.constant 0 : i32
    return %arg0, %c0_i32 : i32, i32
  }
  func.func @transform_15(%arg0: i32) -> (i32, i32) {
    %c0_i32 = arith.constant 0 : i32
    %c0_i32_0 = arith.constant 0 : i32
    return %arg0, %c0_i32 : i32, i32
  }
}

module attributes {stable_mosaic.version = 14 : i64} {
  func.func @_fin_body(%arg0: i32, %arg1: memref<1000x128xf32, #tpu.memory_space<vmem>>, %arg2: memref<1000x128xf32, #tpu.memory_space<vmem>>, %arg3: memref<128x128xf32, #tpu.memory_space<vmem>>, %arg4: memref<128x128xf32, #tpu.memory_space<vmem>>, %arg5: memref<1x128xf32, #tpu.memory_space<vmem>>, %arg6: memref<1x128xf32, #tpu.memory_space<vmem>>, %arg7: memref<1x128xf32, #tpu.memory_space<vmem>>, %arg8: memref<128x128xf32, #tpu.memory_space<vmem>>, %arg9: memref<1x128xf32, #tpu.memory_space<vmem>>, %arg10: memref<1000x128xf32, #tpu.memory_space<vmem>>) attributes {dimension_semantics = [#tpu.dimension_semantics<arbitrary>], iteration_bounds = array<i64: 10>, scalar_prefetch = 0 : i64, scratch_operands = 0 : i64, tpu.core_type = #tpu.core_type<tc>, window_params = [{transform_indices = @transform_0, window_bounds = array<i64: 1000, 128>}, {transform_indices = @transform_1, window_bounds = array<i64: 1000, 128>}, {pipeline_mode = #tpu.pipeline_mode<synchronous>, transform_indices = @transform_2, window_bounds = array<i64: 128, 128>}, {pipeline_mode = #tpu.pipeline_mode<synchronous>, transform_indices = @transform_3, window_bounds = array<i64: 128, 128>}, {pipeline_mode = #tpu.pipeline_mode<synchronous>, transform_indices = @transform_4, window_bounds = array<i64: 1, 128>}, {pipeline_mode = #tpu.pipeline_mode<synchronous>, transform_indices = @transform_5, window_bounds = array<i64: 1, 128>}, {pipeline_mode = #tpu.pipeline_mode<synchronous>, transform_indices = @transform_6, window_bounds = array<i64: 1, 128>}, {pipeline_mode = #tpu.pipeline_mode<synchronous>, transform_indices = @transform_7, window_bounds = array<i64: 128, 128>}, {pipeline_mode = #tpu.pipeline_mode<synchronous>, transform_indices = @transform_8, window_bounds = array<i64: 1, 128>}, {transform_indices = @transform_9, window_bounds = array<i64: 1000, 128>}]} {
    %get3A = arith.constant 0 : index
    %get3A_0 = arith.constant 0 : index
    %get3A_1 = vector.load %arg1[%get3A, %get3A_0] : memref<1000x128xf32, #tpu.memory_space<vmem>>, vector<1000x128xf32>
    %get3A_2 = arith.constant 0 : index
    %get3A_3 = arith.constant 0 : index
    %get3A_4 = vector.load %arg2[%get3A_2, %get3A_3] : memref<1000x128xf32, #tpu.memory_space<vmem>>, vector<1000x128xf32>
    %get3A_5 = arith.constant 0 : index
    %get3A_6 = arith.constant 0 : index
    %get3A_7 = vector.load %arg3[%get3A_5, %get3A_6] : memref<128x128xf32, #tpu.memory_space<vmem>>, vector<128x128xf32>
    %dot_general3A = arith.constant dense<0.000000e+00> : vector<1000x128xf32>
    %dot_general3A_8 = tpu.matmul %get3A_1, %get3A_7, %dot_general3A {dimension_numbers = #tpu.dot_dimension_numbers<[1], [0], [0], [1], [0, 0, 1, 1], [], []>, transpose_lhs_hint = false} : vector<1000x128xf32>, vector<128x128xf32>, vector<1000x128xf32> -> vector<1000x128xf32>
    %get3A_9 = arith.constant 0 : index
    %get3A_10 = arith.constant 0 : index
    %get3A_11 = vector.load %arg4[%get3A_9, %get3A_10] : memref<128x128xf32, #tpu.memory_space<vmem>>, vector<128x128xf32>
    %dot_general3A_12 = arith.constant dense<0.000000e+00> : vector<1000x128xf32>
    %dot_general3A_13 = tpu.matmul %get3A_4, %get3A_11, %dot_general3A_12 {dimension_numbers = #tpu.dot_dimension_numbers<[1], [0], [0], [1], [0, 0, 1, 1], [], []>, transpose_lhs_hint = false} : vector<1000x128xf32>, vector<128x128xf32>, vector<1000x128xf32> -> vector<1000x128xf32>
    %add3A = arith.addf %dot_general3A_8, %dot_general3A_13 : vector<1000x128xf32>
    %get3A_14 = arith.constant 0 : index
    %get3A_15 = arith.constant 0 : index
    %get3A_16 = vector.load %arg5[%get3A_14, %get3A_15] : memref<1x128xf32, #tpu.memory_space<vmem>>, vector<1x128xf32>
    %add3A_17 = vector.broadcast %get3A_16 : vector<1x128xf32> to vector<1000x128xf32>
    %add3A_18 = arith.addf %add3A, %add3A_17 : vector<1000x128xf32>
    %logistic3A = arith.negf %add3A_18 : vector<1000x128xf32>
    %logistic3A_19 = math.exp %logistic3A : vector<1000x128xf32>
    %logistic3A_20 = arith.constant 1.000000e+00 : f32
    %logistic3A_21 = vector.broadcast %logistic3A_20 : f32 to vector<1000x128xf32>
    %logistic3A_22 = arith.addf %logistic3A_21, %logistic3A_19 : vector<1000x128xf32>
    %logistic3A_23 = arith.divf %logistic3A_21, %logistic3A_22 : vector<1000x128xf32>
    %mul3A = arith.mulf %logistic3A_23, %get3A_1 : vector<1000x128xf32>
    %sub3A = arith.constant 1.000000e+00 : f32
    %sub3A_24 = vector.broadcast %sub3A : f32 to vector<1000x128xf32>
    %sub3A_25 = arith.subf %sub3A_24, %logistic3A_23 : vector<1000x128xf32>
    %mul3A_26 = arith.mulf %sub3A_25, %get3A_4 : vector<1000x128xf32>
    %add3A_27 = arith.addf %mul3A, %mul3A_26 : vector<1000x128xf32>
    %get3A_28 = arith.constant 0 : index
    %get3A_29 = arith.constant 0 : index
    %get3A_30 = vector.load %arg6[%get3A_28, %get3A_29] : memref<1x128xf32, #tpu.memory_space<vmem>>, vector<1x128xf32>
    %get3A_31 = arith.constant 0 : index
    %get3A_32 = arith.constant 0 : index
    %get3A_33 = vector.load %arg7[%get3A_31, %get3A_32] : memref<1x128xf32, #tpu.memory_space<vmem>>, vector<1x128xf32>
    %reduce_sum3A = arith.constant dense<0.000000e+00> : vector<1000xf32>
    %reduce_sum3A_34 = vector.multi_reduction <add>, %add3A_27, %reduce_sum3A [1] : vector<1000x128xf32> to vector<1000xf32>
    %broadcast_in_dim3A = vector.shape_cast %reduce_sum3A_34 : vector<1000xf32> to vector<1000x1xf32>
    %div3A = arith.constant 1.280000e+02 : f32
    %div3A_35 = vector.broadcast %div3A : f32 to vector<1000x1xf32>
    %div3A_36 = arith.divf %broadcast_in_dim3A, %div3A_35 : vector<1000x1xf32>
    %sub3A_37 = vector.broadcast %div3A_36 : vector<1000x1xf32> to vector<1000x128xf32>
    %sub3A_38 = arith.subf %add3A_27, %sub3A_37 : vector<1000x128xf32>
    %sub3A_39 = vector.broadcast %div3A_36 : vector<1000x1xf32> to vector<1000x128xf32>
    %sub3A_40 = arith.subf %add3A_27, %sub3A_39 : vector<1000x128xf32>
    %mul3A_41 = arith.mulf %sub3A_38, %sub3A_40 : vector<1000x128xf32>
    %reduce_sum3A_42 = arith.constant dense<0.000000e+00> : vector<1000xf32>
    %reduce_sum3A_43 = vector.multi_reduction <add>, %mul3A_41, %reduce_sum3A_42 [1] : vector<1000x128xf32> to vector<1000xf32>
    %broadcast_in_dim3A_44 = vector.shape_cast %reduce_sum3A_43 : vector<1000xf32> to vector<1000x1xf32>
    %div3A_45 = arith.constant 1.280000e+02 : f32
    %div3A_46 = vector.broadcast %div3A_45 : f32 to vector<1000x1xf32>
    %div3A_47 = arith.divf %broadcast_in_dim3A_44, %div3A_46 : vector<1000x1xf32>
    %sub3A_48 = vector.broadcast %div3A_36 : vector<1000x1xf32> to vector<1000x128xf32>
    %sub3A_49 = arith.subf %add3A_27, %sub3A_48 : vector<1000x128xf32>
    %add3A_50 = arith.constant 9.99999974E-6 : f32
    %add3A_51 = vector.broadcast %add3A_50 : f32 to vector<1000x1xf32>
    %add3A_52 = arith.addf %div3A_47, %add3A_51 : vector<1000x1xf32>
    %sqrt3A = math.sqrt %add3A_52 : vector<1000x1xf32>
    %div3A_53 = vector.broadcast %sqrt3A : vector<1000x1xf32> to vector<1000x128xf32>
    %div3A_54 = arith.divf %sub3A_49, %div3A_53 : vector<1000x128xf32>
    %mul3A_55 = vector.broadcast %get3A_30 : vector<1x128xf32> to vector<1000x128xf32>
    %mul3A_56 = arith.mulf %div3A_54, %mul3A_55 : vector<1000x128xf32>
    %add3A_57 = vector.broadcast %get3A_33 : vector<1x128xf32> to vector<1000x128xf32>
    %add3A_58 = arith.addf %mul3A_56, %add3A_57 : vector<1000x128xf32>
    %get3A_59 = arith.constant 0 : index
    %get3A_60 = arith.constant 0 : index
    %get3A_61 = vector.load %arg8[%get3A_59, %get3A_60] : memref<128x128xf32, #tpu.memory_space<vmem>>, vector<128x128xf32>
    %dot_general3A_62 = arith.constant dense<0.000000e+00> : vector<1000x128xf32>
    %dot_general3A_63 = tpu.matmul %add3A_58, %get3A_61, %dot_general3A_62 {dimension_numbers = #tpu.dot_dimension_numbers<[1], [0], [0], [1], [0, 0, 1, 1], [], []>, transpose_lhs_hint = false} : vector<1000x128xf32>, vector<128x128xf32>, vector<1000x128xf32> -> vector<1000x128xf32>
    %get3A_64 = arith.constant 0 : index
    %get3A_65 = arith.constant 0 : index
    %get3A_66 = vector.load %arg9[%get3A_64, %get3A_65] : memref<1x128xf32, #tpu.memory_space<vmem>>, vector<1x128xf32>
    %add3A_67 = vector.broadcast %get3A_66 : vector<1x128xf32> to vector<1000x128xf32>
    %add3A_68 = arith.addf %dot_general3A_63, %add3A_67 : vector<1000x128xf32>
    %swap3A = arith.constant 0 : index
    %swap3A_69 = arith.constant 0 : index
    %swap3A_70 = vector.load %arg10[%swap3A, %swap3A_69] : memref<1000x128xf32, #tpu.memory_space<vmem>>, vector<1000x128xf32>
    tpu.vector_store %arg10[%swap3A, %swap3A_69], %add3A_68 {strides = array<i32>} : memref<1000x128xf32, #tpu.memory_space<vmem>>, vector<1000x128xf32>,
    return
  }
  func.func @transform_0(%arg0: i32) -> (i32, i32) {
    %c0_i32 = arith.constant 0 : i32
    %c0_i32_0 = arith.constant 0 : i32
    return %arg0, %c0_i32 : i32, i32
  }
  func.func @transform_1(%arg0: i32) -> (i32, i32) {
    %c0_i32 = arith.constant 0 : i32
    %c0_i32_0 = arith.constant 0 : i32
    return %arg0, %c0_i32 : i32, i32
  }
  func.func @transform_2(%arg0: i32) -> (i32, i32) {
    %c0_i32 = arith.constant 0 : i32
    %c0_i32_0 = arith.constant 0 : i32
    %c0_i32_1 = arith.constant 0 : i32
    return %c0_i32, %c0_i32_0 : i32, i32
  }
  func.func @transform_3(%arg0: i32) -> (i32, i32) {
    %c0_i32 = arith.constant 0 : i32
    %c0_i32_0 = arith.constant 0 : i32
    %c0_i32_1 = arith.constant 0 : i32
    return %c0_i32, %c0_i32_0 : i32, i32
  }
  func.func @transform_4(%arg0: i32) -> (i32, i32) {
    %c0_i32 = arith.constant 0 : i32
    %c0_i32_0 = arith.constant 0 : i32
    %c0_i32_1 = arith.constant 0 : i32
    return %c0_i32, %c0_i32_0 : i32, i32
  }
  func.func @transform_5(%arg0: i32) -> (i32, i32) {
    %c0_i32 = arith.constant 0 : i32
    %c0_i32_0 = arith.constant 0 : i32
    %c0_i32_1 = arith.constant 0 : i32
    return %c0_i32, %c0_i32_0 : i32, i32
  }
  func.func @transform_6(%arg0: i32) -> (i32, i32) {
    %c0_i32 = arith.constant 0 : i32
    %c0_i32_0 = arith.constant 0 : i32
    %c0_i32_1 = arith.constant 0 : i32
    return %c0_i32, %c0_i32_0 : i32, i32
  }
  func.func @transform_7(%arg0: i32) -> (i32, i32) {
    %c0_i32 = arith.constant 0 : i32
    %c0_i32_0 = arith.constant 0 : i32
    %c0_i32_1 = arith.constant 0 : i32
    return %c0_i32, %c0_i32_0 : i32, i32
  }
  func.func @transform_8(%arg0: i32) -> (i32, i32) {
    %c0_i32 = arith.constant 0 : i32
    %c0_i32_0 = arith.constant 0 : i32
    %c0_i32_1 = arith.constant 0 : i32
    return %c0_i32, %c0_i32_0 : i32, i32
  }
  func.func @transform_9(%arg0: i32) -> (i32, i32) {
    %c0_i32 = arith.constant 0 : i32
    %c0_i32_0 = arith.constant 0 : i32
    return %arg0, %c0_i32 : i32, i32
  }
}

</mosaic_0001>

<sc_bundles>
// kernel: kernel.16.cloned.1.call-start
scs
__scs_entry_jumppad:
0x0: {  	(pc) =	sbr.rel $0x88, $3  }
0x1: {  	(tag) =	ssettag $0x0;
	lr =	simm.s32 $0x1  }
0x2: {  	[smem:$0x3F6B] =	sst lr;
	_ =	strace $0xD0000000  }
0x3: {  	_ = 	snop  }
0x4: {  	_ = 	snop  }
0x5: {  	_ = 	snop  }
0x6: {  	_ = 	snop  }
0x7: {  	_ = 	snop  }
__scs_overlays_trampoline_lowered:
0x8: {  	[smem:$0x3F7A] =	sst s0  }
0x9: {  	[smem:$0x3F7B] =	sst s1  }
0xa: {  	[smem:$0x3F7C] =	sst s2  }
0xb: {  	[smem:$0x3F7D] =	sst s3  }
0xc: {  	[smem:$0x3F7E] =	sst s4  }
0xd: {  	[smem:$0x3F7F] =	sst s5  }
0xe: {  	[smem:$0x3F80] =	sst s6  }
0xf: {  	[smem:$0x3F81] =	sst s7  }
0x10: {  	[smem:$0x3F82] =	sst s8  }
0x11: {  	[smem:$0x3F83] =	sst s9;
	s0 =	simm.s32 @!p0 $0x0  }
0x12: {  	s1 =	sld [smem:$0x3F69];
	s0 =	simm.s32 @p0 $0x1  }
0x13: {  	[smem:$0x3F84] =	sst s0;
	s0 =	simm.s32 @!p1 $0x0  }
0x14: {  	s2 =	sld [smem:$0x3F68];
	s0 =	simm.s32 @p1 $0x1  }
0x15: {  	[smem:$0x3F85] =	sst s0;
	s0 =	simm.s32 @!p2 $0x0  }
0x16: {  	s3 =	sld [smem:$0x3FDB];
	s0 =	simm.s32 @p2 $0x1  }
0x17: {  	s4 =	simm.s32 $0x1BF5;
	[smem:$0x3F87] =	sst s0  }
0x18: {  	s0 =	sld [smem:$0x3F6A];
	_ =	swait.ge [sflag:s4], $0x0  }
0x19: {  	s7 =	sld [smem:$0x3F6B]  }
0x1a: {  	s8 =	sadd.s32 $0xFFFFE003, lr  }
0x1b: {  	s9 =	sadd.s32 $0xFFFFFEF7, lr;
	s5 =	simm.s32 $0xFFFFFFFF;
	p2 =	slt.u32 s8, $0xFFFFF086  }
0x1c: {  	p1 =	slt.u32 s9, $0xF7A;
	s5 =	simm.s32 @!p2 $0x0  }
0x1d: {  	s5 =	simm.s32 @p1 $0x1;
	p0 =	seq.s32 s7, s2  }
0x1e: {  	s7 =	smul.u32 @!p0 $0xF7A, s2;
	p2 =	seq.s32 @!p0 s5, $0x0  }
0x1f: {  	s9 =	smul.u32 $0xF7A, s1;
	s8 =	simm.s32 @!p0 $0x1BF5;
	p2 =	por !p2, p0  }
0x20: {  	[sflag:s8] =	ssyncset.s32 @!p0 $0xFFFFF086;
	s6 =	sadd.s32 @!p0 s3, s7;
	s7 =	simm.s32 @!p0 $0x108  }
0x21: {  	s3 =	sadd.s32 s3, s9;
	s6 =	sadd.s32 @!p0 $0x88, s6;
	s7 =	simm.s32 @p2 $0x1082  }
0x22: {  	[simem:s7], [sflag:s8] =	dma.local @!p0 [hbm:s6], $0xF7A  }
0x23: {  	s9 =	sor.u32 $0xD0000000, s2;
	s6 =	simm.s32 $0x108;
	_ =	swait.ge @!p0 [sflag:s8], $0x0  }
0x24: {  	s3 =	sadd.s32 $0x88, s3;
	s6 =	simm.s32 @!p1 $0x1082;
	[sflag:s4] =	ssyncset.s32 $0xFFFFF086  }
0x25: {  	[simem:s6], [sflag:s4] =	dma.local [hbm:s3], $0xF7A  }
0x26: {  	[smem:$0x3F6B] =	sst s1;
	(tag) =	ssettag s2;
	_ =	strace s9  }
0x27: {  	s1 =	sld [smem:$0x3F7B]  }
0x28: {  	s2 =	sld [smem:$0x3F7C]  }
0x29: {  	s4 =	sld [smem:$0x3F7E]  }
0x2a: {  	p0 =	seq.s32 s5, $0x0;
	s5 =	sld [smem:$0x3F7F]  }
0x2b: {  	s6 =	sld [smem:$0x3F80]  }
0x2c: {  	s7 =	sld [smem:$0x3F81]  }
0x2d: {  	s3 =	simm.s32 $0x108;
	s8 =	sld [smem:$0x3F82]  }
0x2e: {  	s3 =	simm.s32 @!p0 $0x1082;
	s9 =	sld [smem:$0x3F83]  }
0x2f: {  	lr =	sadd.s32 s0, s3;
	s0 =	sld [smem:$0x3F7A]  }
0x30: {  	s3 =	sld [smem:$0x3F7D]  }
0x31: {  	[smem:$0x3F86] =	sst s10  }
0x32: {  	s10 =	sld [smem:$0x3F84];
	_ =	sdelay $0x3  }
0x33: {  	p0 =	seq.s32 s10, $0x1;
	s10 =	sld [smem:$0x3F86];
	_ =	sdelay $0x3  }
0x34: {  	[smem:$0x3F86] =	sst s10  }
0x35: {  	s10 =	sld [smem:$0x3F85];
	_ =	sdelay $0x3  }
0x36: {  	p1 =	seq.s32 s10, $0x1;
	s10 =	sld [smem:$0x3F86];
	_ =	sdelay $0x3  }
0x37: {  	[smem:$0x3F86] =	sst s10  }
0x38: {  	s10 =	sld [smem:$0x3F87]  }
0x39: {  	_ = 	snop;
	(pc) =	sbr.ind lr, $3  }
0x3a: {  	_ = 	snop  }
0x3b: {  	_ = 	snop  }
0x3c: {  	p2 =	seq.s32 s10, $0x1;
	s10 =	sld [smem:$0x3F86]  }
0x3d: {  	_ =	shalt  }
0x3e: {  	_ =	shalt  }
0x3f: {  	_ =	shalt  }
0x40: {  	_ =	shalt  }
0x41: {  	_ =	shalt  }
0x42: {  	_ =	shalt  }
0x43: {  	_ =	shalt  }
0x44: {  	_ =	shalt  }
0x45: {  	_ =	shalt  }
0x46: {  	_ =	shalt  }
0x47: {  	_ =	shalt  }
0x48: {  	_ =	shalt  }
0x49: {  	_ =	shalt  }
0x4a: {  	_ =	shalt  }
0x4b: {  	_ =	shalt  }
0x4c: {  	_ =	shalt  }
0x4d: {  	_ =	shalt  }
0x4e: {  	_ =	shalt  }
0x4f: {  	_ =	shalt  }
0x50: {  	_ =	shalt  }
0x51: {  	_ =	shalt  }
0x52: {  	_ =	shalt  }
0x53: {  	_ =	shalt  }
0x54: {  	_ =	shalt  }
0x55: {  	_ =	shalt  }
0x56: {  	_ =	shalt  }
0x57: {  	_ =	shalt  }
0x58: {  	_ =	shalt  }
0x59: {  	_ =	shalt  }
0x5a: {  	_ =	shalt  }
0x5b: {  	_ =	shalt  }
0x5c: {  	_ =	shalt  }
0x5d: {  	_ =	shalt  }
0x5e: {  	_ =	shalt  }
0x5f: {  	_ =	shalt  }
0x60: {  	_ =	shalt  }
0x61: {  	_ =	shalt  }
0x62: {  	_ =	shalt  }
0x63: {  	_ =	shalt  }
0x64: {  	_ =	shalt  }
0x65: {  	_ =	shalt  }
0x66: {  	_ =	shalt  }
0x67: {  	_ =	shalt  }
0x68: {  	_ =	shalt  }
0x69: {  	_ =	shalt  }
0x6a: {  	_ =	shalt  }
0x6b: {  	_ =	shalt  }
0x6c: {  	_ =	shalt  }
0x6d: {  	_ =	shalt  }
0x6e: {  	_ =	shalt  }
0x6f: {  	_ =	shalt  }
0x70: {  	_ =	shalt  }
0x71: {  	_ =	shalt  }
0x72: {  	_ =	shalt  }
0x73: {  	_ =	shalt  }
0x74: {  	_ =	shalt  }
0x75: {  	_ =	shalt  }
0x76: {  	_ =	shalt  }
0x77: {  	_ =	shalt  }
0x78: {  	_ =	shalt  }
0x79: {  	_ =	shalt  }
0x7a: {  	_ =	shalt  }
0x7b: {  	_ =	shalt  }
0x7c: {  	_ =	shalt  }
0x7d: {  	_ =	shalt  }
0x7e: {  	_ =	shalt  }
0x7f: {  	_ =	shalt  }
0x80: {  	_ =	shalt  }
0x81: {  	_ =	shalt  }
0x82: {  	_ =	shalt  }
0x83: {  	_ =	shalt  }
0x84: {  	_ =	shalt  }
0x85: {  	_ =	shalt  }
0x86: {  	_ =	shalt  }
0x87: {  	_ =	shalt  }
.Lfunc_end0:
.L_simem_size_0:
called_computation_lowered:
.L_overlay_start_0:
0x88: {  	s2 =	sld [smem:$0x3FD9]  }
0x89: {  	s3 =	sld [smem:$0x3FFE];
	_ =	sdelay $0x1  }
0x8a: {  	s1 =	srdreg.scid  }
0x8b: {  	s0 =	sand.u32 $0x1, s1  }
0x8c: {  	s16 =	sshll.u32 s0, $0xA;
	s2 =	sadd.s32 s3, s2  }
0x8d: {  	s2 =	sadd.s32 s2, s16  }
0x8e: {  	[smem:$0x3F92] =	sst s2  }
0x8f: {  	_ = 	snop  }
0x90: {  	(tm) =	ssettm $0x1  }
0x91: {  	s17 =	sld [smem:$0x3FFB];
	_ =	sdelay $0x3  }
0x92: {  	_ =	strace s17  }
0x93: {  	s2 =	sld [smem:$0x3FFC];
	_ =	sdelay $0x3  }
0x94: {  	_ =	strace s2  }
0x95: {  	s2 =	sld [smem:$0x3FFD];
	_ =	sdelay $0x3  }
0x96: {  	_ =	strace s2  }
0x97: {  	_ =	strace $0x8FFFFFFF  }
0x98: {  	s18 =	sld [smem:$0x3FDB];
	_ =	sdelay $0x1  }
0x99: {  	s19 =	simm.s32 $_scs_section_size  }
0x9a: {  	s4 =	simm.s32 $_size__tile_overlayer_lowered;
	s5 =	simm.s32 $_tile_overlayer_lowered  }
0x9b: {  	s22 =	simm.s32 $0x1BFF;
	s21 =	sshll.u32 s5, $0x1;
	s2 =	sadd.s32 s19, s18  }
0x9c: {  	s6 =	simm.s32 $0x0;
	s20 =	sshll.u32 s4, $0x1;
	s4 =	sadd.s32 s21, s2  }
0x9d: {  	[timem:s6], [sflag:s22] =	dma.local [hbm:s4], s20  }
0x9e: {  	_ =	swait.ge [sflag:s22], s20  }
0x9f: {  	s3 =	ssub.s32 $0x0, s20;
	[sflag:s22] =	ssyncset.done $0x0  }
0xa0: {  	[sflag:s22] =	ssyncadd.s32 s3;
	_ =	sdelay $0x1  }
0xa1: {  	s23 =	simm.s32 $0x1B8B  }
0xa2: {  	_ =	swait.ge [sflag:s23], $0x1  }
0xa3: {  	[sflag:s23] =	ssyncset.done $0x0  }
0xa4: {  	s25 =	simm.s32 $0x1B8E;
	s24 =	sld [smem:$0x3FFE];
	[sflag:s23] =	ssyncadd.s32 $0xFFFFFFFF  }
0xa5: {  	s26 =	simm.s32 $execute0_lowered;
	[smem:$0x3FD2] =	sst s25  }
0xa6: {  	s4 =	sshll.u32 s26, $0x1;
	_ =	strace $0x80000046;
	[dreg:$0x1] =	wrdreg $0xFFFFFFFF  }
0xa7: {  	s28 =	simm.s32 $_size_execute0_lowered;
	s2 =	sadd.s32 s2, s4;
	[dreg:$0x0] =	wrdreg $0x0  }
0xa8: {  	s4 =	sshll.u32 s28, $0x1;
	[dreg:$0x2] =	wrdreg s2  }
0xa9: {  	[dreg:$0x3] =	wrdreg s4  }
0xaa: {  	[dreg:$0x4] =	wrdreg $0xC0  }
0xab: {  	_ =	task [dreg:s6], $0x5FFFF  }
0xac: {  	[dreg:$0x1] =	wrdreg $0xFFFFFFFF  }
0xad: {  	[dreg:$0x0] =	wrdreg $0x60  }
0xae: {  	[dreg:$0x2] =	wrdreg s24  }
0xaf: {  	[dreg:$0x3] =	wrdreg $0x4E000  }
0xb0: {  	[dreg:$0x4] =	wrdreg $0x18F000  }
0xb1: {  	[dreg:$0x5] =	wrdreg $0x9  }
0xb2: {  	_ =	task.clear_ibuf [dreg:s6], $0x6FFFF;
	_ =	strace $0x90000046  }
0xb3: {  	s29 =	simm.s32 $0x9;
	_ =	strace $0x80000048  }
0xb4: {  	_ =	swait.ge [sflag:s29], $0x1  }
0xb5: {  	[sflag:s29] =	ssyncadd.s32 $0xFFFFFFFF  }
0xb6: {  	_ =	strace $0x90000048  }
0xb7: {  	_ =	sfence  }
0xb8: {  	s30 =	sld [smem:$0x0];
	_ =	sdelay $0x2  }
0xb9: {  	s31 =	sshll.u32 s1, $0xD;
	s1 =	sshrl.u32 s1, $0x2  }
0xba: {  	s3 =	sand.u32 $0x4000, s31;
	s1 =	sadd.s32 s1, s30  }
0xbb: {  	s0 =	sor.u32 s3, s0;
	s1 =	sshll.u32 s1, $0x11  }
0xbc: {  	s0 =	sor.u32 s1, s0  }
0xbd: {  	s0 =	sadd.s32 $0x8F2B, s0  }
0xbe: {  	[sflag:s0] =	ssyncadd.remote.s32 $0x1  }
0xbf: {  	_ =	sfence.sel $0xFFFF  }
0xc0: {  	[dreg:$0x0] =	wrdreg $0xFFFFFFFF;
	(pc) =	sbr.abs _section_cstart, $3  }
0xc1: {  	[dreg:$0x1] =	wrdreg $0xFFFFFFFF  }
0xc2: {  	_ =	task.clear_ibuf [dreg:s6], $0x2FFFF;
	_ =	strace $0x9FFFFFFF  }
0xc3: {  	(tm) =	ssettm $0x7FFFFFFF  }
tec
execute0_lowered:
.L_overlay_start_1:
0x0: {  	(tag) =	ssettag $0x1  }
0x1: {  	s9 =	rddreg [dreg:$0x0]  }
0x2: {  	s2 =	rddreg [dreg:$0x1]  }
0x3: {  	s0 =	srdreg.scid;
	s3 =	rddreg [dreg:$0x2]  }
0x4: {  	s1 =	rddreg [dreg:$0x3];
	s10 =	sand.u32 $0x1, s0  }
0x5: {  	s0 =	stileid.u32;
	s5 =	smul.u32 $0x27300, s10  }
0x6: {  	s4 =	simm.s32 $0x0;
	s19 =	simm.s32 $0x100;
	s6 =	smul.u32 $0x2730, s0  }
0x7: {  	s20 =	simm.s32 $0x98;
	s21 =	simm.s32 $0x200;
	s7 =	smul.u32 $0x140000, s10  }
0x8: {  	s22 =	simm.s32 $0x1;
	s23 =	simm.s32 $0x20;
	s8 =	smul.u32 $0x14000, s0  }
0x9: {  	s24 =	simm.s32 $0x10;
	[smem:$0x7FF] =	sst s4;
	s12 =	smul.u32 $0x500, s0  }
0xa: {  	s25 =	simm.s32 $0x0;
	_ =	strace $0x80000047;
	s28 =	smul.u32 $0x50000, s0  }
0xb: {  	s13 =	sshll.u32 s10, $0x7;
	s10 =	ssub.s32 $0x2, s10;
	s16 =	smul.u32 $0xA00, s0  }
0xc: {  	s30 =	sshll.u32 s0, $0x6;
	s15 =	sshrl.u32 s10, $0x1;
	s6 =	sadd.s32 s6, s5  }
0xd: {  	s5 =	sadd.s32 $0x1F600, s9;
	s8 =	sadd.s32 s8, s7;
	s7 =	sadd.s32 $0x49000, s9  }
0xe: {  	s12 =	sor.u32 s13, s12;
	s15 =	ssub.s32 s10, s15;
	s29 =	sshrl.u32 s28, $0x2  }
0xf: {  	s31 =	sshrl.u32 s16, $0x2;
	s16 =	simm.s32 $0x2;
	s6 =	sshrl.u32 s6, $0x3  }
0x10: {  	s11 =	sshrl.u32 s8, $0x3;
	s8 =	sadd.s32 $0x49200, s9;
	s12 =	sshrl.u32 s12, $0x3  }
0x11: {  	s17 =	sadd.s32 s29, s2;
	s18 =	sadd.s32 s31, s3;
	s14 =	sadd.s32 s6, s9  }
0x12: {  	s6 =	sadd.s32 $0x46800, s9;
	s11 =	sadd.s32 s11, s9;
	s12 =	sadd.s32 s12, s9  }
0x13: {  	s9 =	sor.u32 $0x1C02, s30;
	s10 =	sadd.s32 $0x49E00, s11;
	s11 =	sadd.s32 $0x49400, s12  }
0x14: {  	s12 =	smax.u32 s15, $0x1;
	s13 =	sadd.s32 $0x15800, s14;
	s14 =	sadd.s32 $0xBA00, s14  }
0x15: {  	s15 =	sshrl.u32 s17, $0x3;
	s17 =	sshrl.u32 s18, $0x3;
	s18 =	simm.s32 $0x18E00  }
.LBB2_1:
0x16: {  	[spmem:s15], [sflag:s9] =	dma.local [hbm:s6], $0x2800  }
0x17: {  	_ =	swait.ge [sflag:s16], $0x2800  }
0x18: {  	[sflag:s16] =	ssyncset.done $0x0  }
0x19: {  	[sflag:s16] =	ssyncadd.s32 $0xFFFFD800  }
0x1a: {  	[spmem:s17], [sflag:s9] =	dma.local [hbm:s7], $0x50  }
0x1b: {  	_ =	swait.ge [sflag:s16], $0x50  }
0x1c: {  	[sflag:s16] =	ssyncset.done $0x0  }
0x1d: {  	[sflag:s16] =	ssyncadd.s32 $0xFFFFFFB0  }
0x1e: {  	[tilespmem:s18], [sflag:$0x2] =	stream.linear.gather [hbm4b:s8+s4], $0x100, $0x38;
	[tilespmem:$0x19180] =	vst v63  }
0x1f: {  	_ =	swait.ge [sflag:s16], $0x100  }
0x20: {  	[sflag:s16] =	ssyncset.done $0x0  }
0x21: {  	[sflag:s16] =	ssyncadd.s32 $0xFFFFFF00  }
0x22: {  	s26 =	sadd.s32 $0x0, s14;
	[bflag:$0x0] =	sbarrier.arrive $0xFFFF  }
0x23: {  	[tilespmem:s4], [sflag:$0x2] =	stream.linear.gather [hbm4b:s26+s4], $0x98, $0x38;
	[tilespmem:$0x19180] =	vst v63  }
0x24: {  	_ =	swait.ge [sflag:s16], $0x98  }
0x25: {  	[sflag:s16] =	ssyncset.done $0x0  }
0x26: {  	s31 =	sadd.s32 $0x0, s13;
	[sflag:s16] =	ssyncadd.s32 $0xFFFFFF68  }
0x27: {  	[tilespmem:s19], [sflag:$0x2] =	stream.linear.gather [hbm4b:s31+s4], $0x98, $0x38;
	[tilespmem:$0x19180] =	vst v63  }
0x28: {  	_ =	swait.ge [sflag:s16], $0x98  }
0x29: {  	[sflag:s16] =	ssyncset.done $0x0  }
0x2a: {  	[sflag:s16] =	ssyncadd.s32 $0xFFFFFF68  }
0x2b: {  	[tilespmem:s21], [sflag:$0x1] =	stream.indirect.gather [hbm4b:s5+s20], $0x80, s4, s20, $0xb8;
	[tilespmem:$0x19180] =	vst v63  }
0x2c: {  	_ =	swait.ge [sflag:s22], $0x4C00  }
0x2d: {  	[sflag:s22] =	ssyncset.done $0x0  }
0x2e: {  	[sflag:s22] =	ssyncadd.s32 $0xFFFFB400  }
0x2f: {  	[spmem:s2] =	stream.indirect.scatter.add.f32 [tilespmem:s21], [sflag:$0x2], $0x80, s19, s20, $0xb8;
	[tilespmem:$0x19180] =	vst v63  }
0x30: {  	_ =	swait.ge [sflag:s16], $0x4C00  }
0x31: {  	[sflag:s16] =	ssyncset.done $0x0  }
0x32: {  	[sflag:s16] =	ssyncadd.s32 $0xFFFFB400  }
0x33: {  	[spmem:s3] =	stream.indirect.scatter.add.f32 [tilespmem:s18], [sflag:$0x2], $0x1, s19, s20, $0xb8;
	[tilespmem:$0x19180] =	vst v63  }
0x34: {  	_ =	swait.ge [sflag:s16], $0x98  }
0x35: {  	s28 =	simm.s32 $0x26;
	s26 =	simm.s32 $0x13;
	[sflag:s16] =	ssyncset.done $0x0  }
.LBB2_2:
0x36: {  	s29 =	sadd.s32 s26, s14  }
0x37: {  	[sflag:s16] =	ssyncadd.s32 $0xFFFFFF68;
	s30 =	smov.u32 s28;
	s31 =	sadd.s32 $0x13, s28  }
0x38: {  	[tilespmem:s4], [sflag:$0x2] =	stream.linear.gather [hbm4b:s29+s4], $0x98, $0x38;
	[tilespmem:$0x19180] =	vst v63  }
0x39: {  	p0 =	sne.s32 s28, $0x4D3;
	_ =	swait.ge [sflag:s16], $0x98  }
0x3a: {  	[sflag:s16] =	ssyncset.done $0x0  }
0x3b: {  	s28 =	sadd.s32 s26, s13;
	s26 =	smov.u32 s30;
	[sflag:s16] =	ssyncadd.s32 $0xFFFFFF68  }
0x3c: {  	[tilespmem:s19], [sflag:$0x2] =	stream.linear.gather [hbm4b:s28+s4], $0x98, $0x38;
	[tilespmem:$0x19180] =	vst v63  }
0x3d: {  	_ =	swait.ge [sflag:s16], $0x98  }
0x3e: {  	[sflag:s16] =	ssyncset.done $0x0  }
0x3f: {  	[sflag:s16] =	ssyncadd.s32 $0xFFFFFF68  }
0x40: {  	[tilespmem:s21], [sflag:$0x1] =	stream.indirect.gather [hbm4b:s5+s20], $0x80, s4, s20, $0xb8;
	[tilespmem:$0x19180] =	vst v63  }
0x41: {  	_ =	swait.ge [sflag:s22], $0x4C00  }
0x42: {  	[sflag:s22] =	ssyncset.done $0x0  }
0x43: {  	[sflag:s22] =	ssyncadd.s32 $0xFFFFB400  }
0x44: {  	[spmem:s2] =	stream.indirect.scatter.add.f32 [tilespmem:s21], [sflag:$0x2], $0x80, s19, s20, $0xb8;
	[tilespmem:$0x19180] =	vst v63  }
0x45: {  	_ =	swait.ge [sflag:s16], $0x4C00  }
.Ltmp0:
0x46: {  	[sflag:s16] =	ssyncset.done $0x0;
	(pc) =	sbr.rel @p0 .LBB2_2-.Ltmp0, $4  }
0x47: {  	[sflag:s16] =	ssyncadd.s32 $0xFFFFB400  }
0x48: {  	[spmem:s3] =	stream.indirect.scatter.add.f32 [tilespmem:s18], [sflag:$0x2], $0x1, s19, s20, $0xb8;
	[tilespmem:$0x19180] =	vst v63  }
0x49: {  	_ =	swait.ge [sflag:s16], $0x98  }
0x4a: {  	s28 =	smov.u32 s31;
	[sflag:s16] =	ssyncset.done $0x0  }
0x4b: {  	s28 =	sadd.s32 s26, s14;
	[sflag:s16] =	ssyncadd.s32 $0xFFFFFF68  }
0x4c: {  	[tilespmem:s4], [sflag:$0x2] =	stream.linear.gather [hbm4b:s28+s4], $0x98, $0x38;
	[tilespmem:$0x19180] =	vst v63  }
0x4d: {  	_ =	swait.ge [sflag:s16], $0x98  }
0x4e: {  	[sflag:s16] =	ssyncset.done $0x0  }
0x4f: {  	s31 =	sadd.s32 s26, s13;
	[sflag:s16] =	ssyncadd.s32 $0xFFFFFF68  }
0x50: {  	[tilespmem:s19], [sflag:$0x2] =	stream.linear.gather [hbm4b:s31+s4], $0x98, $0x38;
	[tilespmem:$0x19180] =	vst v63  }
0x51: {  	_ =	swait.ge [sflag:s16], $0x98  }
0x52: {  	[sflag:s16] =	ssyncset.done $0x0  }
0x53: {  	[sflag:s16] =	ssyncadd.s32 $0xFFFFFF68  }
0x54: {  	[tilespmem:s21], [sflag:$0x1] =	stream.indirect.gather [hbm4b:s5+s20], $0x80, s4, s20, $0xb8;
	[tilespmem:$0x19180] =	vst v63  }
0x55: {  	_ =	swait.ge [sflag:s22], $0x4C00  }
0x56: {  	[sflag:s22] =	ssyncset.done $0x0  }
0x57: {  	[sflag:s22] =	ssyncadd.s32 $0xFFFFB400  }
0x58: {  	[spmem:s2] =	stream.indirect.scatter.add.f32 [tilespmem:s21], [sflag:$0x2], $0x80, s19, s20, $0xb8;
	[tilespmem:$0x19180] =	vst v63  }
0x59: {  	_ =	swait.ge [sflag:s16], $0x4C00  }
0x5a: {  	[sflag:s16] =	ssyncset.done $0x0  }
0x5b: {  	[sflag:s16] =	ssyncadd.s32 $0xFFFFB400  }
0x5c: {  	[spmem:s3] =	stream.indirect.scatter.add.f32 [tilespmem:s18], [sflag:$0x2], $0x1, s19, s20, $0xb8;
	[tilespmem:$0x19180] =	vst v63  }
0x5d: {  	_ =	swait.ge [sflag:s16], $0x98  }
0x5e: {  	[sflag:s16] =	ssyncset.done $0x0  }
0x5f: {  	[sflag:s16] =	ssyncadd.s32 $0xFFFFFF68  }
0x60: {  	[bflag:$0x0] =	sbarrier.arrive $0xFFFF  }
0x61: {  	[hbm:s10], [sflag:s9] =	dma.local [spmem:s15], $0x2800  }
0x62: {  	s25 =	sadd.s32 $0x1, s25;
	_ =	swait.ge [sflag:s16], $0x2800  }
0x63: {  	p0 =	sne.s32 s25, s12;
	[sflag:s16] =	ssyncset.done $0x0  }
.Ltmp1:
0x64: {  	[sflag:s16] =	ssyncadd.s32 $0xFFFFD800;
	(pc) =	sbr.rel @p0 .LBB2_1-.Ltmp1, $4  }
0x65: {  	[hbm:s11@s23], [sflag:s9] =	dma.strided [spmem:s17@s24], $0x50, s22, $0x10   }
0x66: {  	_ =	swait.ge [sflag:s16], $0x50  }
0x67: {  	[sflag:s16] =	ssyncset.done $0x0  }
0x68: {  	[sflag:s16] =	ssyncadd.s32 $0xFFFFFFB0  }
0x69: {  	_ =	sfence.sel $0x180000  }
0x6a: {  	[bflag:$0x0] =	sbarrier.arrive $0xFFFF  }
0x6b: {  	p0 =	sne.s32 s0, $0x0;
	_ =	strace $0x90000047  }
0x6c: {  	s0 =	sadd.s32 @!p0 $0x100000, s1;
	[bflag:$0x2] =	sbarrier.arrive $0xFFFF  }
0x6d: {  	[sflag:s0] =	ssyncadd.tile.s32 @!p0 $0x1;
	_ =	shalt  }
.Lfunc_end2:
_tile_overlayer_lowered:
.L_overlay_start_2:
0x6e: {  	(tag) =	ssettag $0x2  }
0x6f: {  	s0 =	rddreg [dreg:$0x0];
	s2 =	stileid.u32  }
0x70: {  	s1 =	rddreg [dreg:$0x1];
	p0 =	sne.s32 s2, $0x0  }
0x71: {  	s3 =	rddreg [dreg:$0x2];
	[bflag:$0x3] =	sbarrier.arrive $0xFFFF;
	s2 =	simm.s32 @!p0 $0x1C02  }
0x72: {  	[timem:s3], [sflag:s2] =	dma.local @!p0 [hbm:s0], s1  }
0x73: {  	s0 =	simm.s32 @!p0 $0x2  }
0x74: {  	_ =	swait.ge @!p0 [sflag:s0], s1  }
0x75: {  	s1 =	ssub.s32 @!p0 $0x0, s1;
	[sflag:s0] =	ssyncset.done @!p0 $0x0  }
0x76: {  	[sflag:s0] =	ssyncadd.s32 @!p0 s1  }
0x77: {  	[bflag:$0x3] =	sbarrier.arrive $0xFFFF  }
0x78: {  	_ =	shalt  }

// kernel: kernel.19.cloned.1.call-start
scs
__scs_entry_jumppad:
0x0: {  	(pc) =	sbr.rel $0x88, $3  }
0x1: {  	(tag) =	ssettag $0x0;
	lr =	simm.s32 $0x1  }
0x2: {  	[smem:$0x3F6B] =	sst lr;
	_ =	strace $0xD0000000  }
0x3: {  	_ = 	snop  }
0x4: {  	_ = 	snop  }
0x5: {  	_ = 	snop  }
0x6: {  	_ = 	snop  }
0x7: {  	_ = 	snop  }
__scs_overlays_trampoline_lowered:
0x8: {  	[smem:$0x3F7A] =	sst s0  }
0x9: {  	[smem:$0x3F7B] =	sst s1  }
0xa: {  	[smem:$0x3F7C] =	sst s2  }
0xb: {  	[smem:$0x3F7D] =	sst s3  }
0xc: {  	[smem:$0x3F7E] =	sst s4  }
0xd: {  	[smem:$0x3F7F] =	sst s5  }
0xe: {  	[smem:$0x3F80] =	sst s6  }
0xf: {  	[smem:$0x3F81] =	sst s7  }
0x10: {  	[smem:$0x3F82] =	sst s8  }
0x11: {  	[smem:$0x3F83] =	sst s9;
	s0 =	simm.s32 @!p0 $0x0  }
0x12: {  	s1 =	sld [smem:$0x3F69];
	s0 =	simm.s32 @p0 $0x1  }
0x13: {  	[smem:$0x3F84] =	sst s0;
	s0 =	simm.s32 @!p1 $0x0  }
0x14: {  	s2 =	sld [smem:$0x3F68];
	s0 =	simm.s32 @p1 $0x1  }
0x15: {  	[smem:$0x3F85] =	sst s0;
	s0 =	simm.s32 @!p2 $0x0  }
0x16: {  	s3 =	sld [smem:$0x3FDB];
	s0 =	simm.s32 @p2 $0x1  }
0x17: {  	s4 =	simm.s32 $0x1BF5;
	[smem:$0x3F87] =	sst s0  }
0x18: {  	s0 =	sld [smem:$0x3F6A];
	_ =	swait.ge [sflag:s4], $0x0  }
0x19: {  	s7 =	sld [smem:$0x3F6B]  }
0x1a: {  	s8 =	sadd.s32 $0xFFFFE003, lr  }
0x1b: {  	s9 =	sadd.s32 $0xFFFFFEF7, lr;
	s5 =	simm.s32 $0xFFFFFFFF;
	p2 =	slt.u32 s8, $0xFFFFF086  }
0x1c: {  	p1 =	slt.u32 s9, $0xF7A;
	s5 =	simm.s32 @!p2 $0x0  }
0x1d: {  	s5 =	simm.s32 @p1 $0x1;
	p0 =	seq.s32 s7, s2  }
0x1e: {  	s7 =	smul.u32 @!p0 $0xF7A, s2;
	p2 =	seq.s32 @!p0 s5, $0x0  }
0x1f: {  	s9 =	smul.u32 $0xF7A, s1;
	s8 =	simm.s32 @!p0 $0x1BF5;
	p2 =	por !p2, p0  }
0x20: {  	[sflag:s8] =	ssyncset.s32 @!p0 $0xFFFFF086;
	s6 =	sadd.s32 @!p0 s3, s7;
	s7 =	simm.s32 @!p0 $0x108  }
0x21: {  	s3 =	sadd.s32 s3, s9;
	s6 =	sadd.s32 @!p0 $0x88, s6;
	s7 =	simm.s32 @p2 $0x1082  }
0x22: {  	[simem:s7], [sflag:s8] =	dma.local @!p0 [hbm:s6], $0xF7A  }
0x23: {  	s9 =	sor.u32 $0xD0000000, s2;
	s6 =	simm.s32 $0x108;
	_ =	swait.ge @!p0 [sflag:s8], $0x0  }
0x24: {  	s3 =	sadd.s32 $0x88, s3;
	s6 =	simm.s32 @!p1 $0x1082;
	[sflag:s4] =	ssyncset.s32 $0xFFFFF086  }
0x25: {  	[simem:s6], [sflag:s4] =	dma.local [hbm:s3], $0xF7A  }
0x26: {  	[smem:$0x3F6B] =	sst s1;
	(tag) =	ssettag s2;
	_ =	strace s9  }
0x27: {  	s1 =	sld [smem:$0x3F7B]  }
0x28: {  	s2 =	sld [smem:$0x3F7C]  }
0x29: {  	s4 =	sld [smem:$0x3F7E]  }
0x2a: {  	p0 =	seq.s32 s5, $0x0;
	s5 =	sld [smem:$0x3F7F]  }
0x2b: {  	s6 =	sld [smem:$0x3F80]  }
0x2c: {  	s7 =	sld [smem:$0x3F81]  }
0x2d: {  	s3 =	simm.s32 $0x108;
	s8 =	sld [smem:$0x3F82]  }
0x2e: {  	s3 =	simm.s32 @!p0 $0x1082;
	s9 =	sld [smem:$0x3F83]  }
0x2f: {  	lr =	sadd.s32 s0, s3;
	s0 =	sld [smem:$0x3F7A]  }
0x30: {  	s3 =	sld [smem:$0x3F7D]  }
0x31: {  	[smem:$0x3F86] =	sst s10  }
0x32: {  	s10 =	sld [smem:$0x3F84];
	_ =	sdelay $0x3  }
0x33: {  	p0 =	seq.s32 s10, $0x1;
	s10 =	sld [smem:$0x3F86];
	_ =	sdelay $0x3  }
0x34: {  	[smem:$0x3F86] =	sst s10  }
0x35: {  	s10 =	sld [smem:$0x3F85];
	_ =	sdelay $0x3  }
0x36: {  	p1 =	seq.s32 s10, $0x1;
	s10 =	sld [smem:$0x3F86];
	_ =	sdelay $0x3  }
0x37: {  	[smem:$0x3F86] =	sst s10  }
0x38: {  	s10 =	sld [smem:$0x3F87]  }
0x39: {  	_ = 	snop;
	(pc) =	sbr.ind lr, $3  }
0x3a: {  	_ = 	snop  }
0x3b: {  	_ = 	snop  }
0x3c: {  	p2 =	seq.s32 s10, $0x1;
	s10 =	sld [smem:$0x3F86]  }
0x3d: {  	_ =	shalt  }
0x3e: {  	_ =	shalt  }
0x3f: {  	_ =	shalt  }
0x40: {  	_ =	shalt  }
0x41: {  	_ =	shalt  }
0x42: {  	_ =	shalt  }
0x43: {  	_ =	shalt  }
0x44: {  	_ =	shalt  }
0x45: {  	_ =	shalt  }
0x46: {  	_ =	shalt  }
0x47: {  	_ =	shalt  }
0x48: {  	_ =	shalt  }
0x49: {  	_ =	shalt  }
0x4a: {  	_ =	shalt  }
0x4b: {  	_ =	shalt  }
0x4c: {  	_ =	shalt  }
0x4d: {  	_ =	shalt  }
0x4e: {  	_ =	shalt  }
0x4f: {  	_ =	shalt  }
0x50: {  	_ =	shalt  }
0x51: {  	_ =	shalt  }
0x52: {  	_ =	shalt  }
0x53: {  	_ =	shalt  }
0x54: {  	_ =	shalt  }
0x55: {  	_ =	shalt  }
0x56: {  	_ =	shalt  }
0x57: {  	_ =	shalt  }
0x58: {  	_ =	shalt  }
0x59: {  	_ =	shalt  }
0x5a: {  	_ =	shalt  }
0x5b: {  	_ =	shalt  }
0x5c: {  	_ =	shalt  }
0x5d: {  	_ =	shalt  }
0x5e: {  	_ =	shalt  }
0x5f: {  	_ =	shalt  }
0x60: {  	_ =	shalt  }
0x61: {  	_ =	shalt  }
0x62: {  	_ =	shalt  }
0x63: {  	_ =	shalt  }
0x64: {  	_ =	shalt  }
0x65: {  	_ =	shalt  }
0x66: {  	_ =	shalt  }
0x67: {  	_ =	shalt  }
0x68: {  	_ =	shalt  }
0x69: {  	_ =	shalt  }
0x6a: {  	_ =	shalt  }
0x6b: {  	_ =	shalt  }
0x6c: {  	_ =	shalt  }
0x6d: {  	_ =	shalt  }
0x6e: {  	_ =	shalt  }
0x6f: {  	_ =	shalt  }
0x70: {  	_ =	shalt  }
0x71: {  	_ =	shalt  }
0x72: {  	_ =	shalt  }
0x73: {  	_ =	shalt  }
0x74: {  	_ =	shalt  }
0x75: {  	_ =	shalt  }
0x76: {  	_ =	shalt  }
0x77: {  	_ =	shalt  }
0x78: {  	_ =	shalt  }
0x79: {  	_ =	shalt  }
0x7a: {  	_ =	shalt  }
0x7b: {  	_ =	shalt  }
0x7c: {  	_ =	shalt  }
0x7d: {  	_ =	shalt  }
0x7e: {  	_ =	shalt  }
0x7f: {  	_ =	shalt  }
0x80: {  	_ =	shalt  }
0x81: {  	_ =	shalt  }
0x82: {  	_ =	shalt  }
0x83: {  	_ =	shalt  }
0x84: {  	_ =	shalt  }
0x85: {  	_ =	shalt  }
0x86: {  	_ =	shalt  }
0x87: {  	_ =	shalt  }
.Lfunc_end0:
.L_simem_size_0:
called_computation.1_lowered:
.L_overlay_start_0:
0x88: {  	s2 =	sld [smem:$0x3FD9]  }
0x89: {  	s3 =	sld [smem:$0x3FFE];
	_ =	sdelay $0x1  }
0x8a: {  	s1 =	srdreg.scid  }
0x8b: {  	s0 =	sand.u32 $0x1, s1  }
0x8c: {  	s17 =	sshll.u32 s0, $0xA;
	s2 =	sadd.s32 s3, s2  }
0x8d: {  	s2 =	sadd.s32 s2, s17  }
0x8e: {  	[smem:$0x3F92] =	sst s2  }
0x8f: {  	_ = 	snop  }
0x90: {  	s18 =	sld [smem:$0x3FD0];
	(tm) =	ssettm $0x1  }
0x91: {  	s19 =	sld [smem:$0x3FFB];
	_ =	sdelay $0x3  }
0x92: {  	_ =	strace s19  }
0x93: {  	s2 =	sld [smem:$0x3FFC];
	_ =	sdelay $0x3  }
0x94: {  	_ =	strace s2  }
0x95: {  	s2 =	sld [smem:$0x3FFD];
	_ =	sdelay $0x3  }
0x96: {  	_ =	strace s2  }
0x97: {  	_ =	strace $0x8FFFFFFF  }
0x98: {  	s20 =	sld [smem:$0x3FDB];
	_ =	sdelay $0x1  }
0x99: {  	s4 =	simm.s32 $_scs_section_size  }
0x9a: {  	s5 =	simm.s32 $_size__tile_overlayer_lowered;
	s6 =	simm.s32 $_tile_overlayer_lowered  }
0x9b: {  	s7 =	simm.s32 $0x1BFF;
	s21 =	sshll.u32 s6, $0x1;
	s4 =	sadd.s32 s4, s20  }
0x9c: {  	s22 =	simm.s32 $0x0;
	s5 =	sshll.u32 s5, $0x1;
	s6 =	sadd.s32 s21, s4  }
0x9d: {  	[timem:s22], [sflag:s7] =	dma.local [hbm:s6], s5  }
0x9e: {  	_ =	swait.ge [sflag:s7], s5  }
0x9f: {  	s5 =	ssub.s32 $0x0, s5;
	[sflag:s7] =	ssyncset.done $0x0  }
0xa0: {  	[sflag:s7] =	ssyncadd.s32 s5;
	_ =	sdelay $0x1  }
0xa1: {  	s23 =	simm.s32 $0x1B8B  }
0xa2: {  	_ =	swait.ge [sflag:s23], $0x1  }
0xa3: {  	[sflag:s23] =	ssyncset.done $0x0  }
0xa4: {  	[sflag:s23] =	ssyncadd.s32 $0xFFFFFFFF  }
0xa5: {  	s5 =	sld [smem:$0x0]  }
0xa6: {  	s6 =	sand.u32 $0xFFFFFFFE, s1  }
0xa7: {  	p0 =	sne.s32 s1, s6  }
0xa8: {  	s6 =	sshll.u32 @p0 s6, $0xE  }
0xa9: {  	s6 =	sadd.s32 @p0 $0x11B8D, s6;
	s7 =	sshll.u32 @p0 s5, $0x11  }
0xaa: {  	s6 =	sor.u32 @p0 s7, s6  }
0xab: {  	[sflag:s6] =	ssyncadd.remote.s32 @p0 $0x1;
	_ =	sdelay $0x1  }
0xac: {  	s6 =	simm.s32 @p0 $0x1B8D  }
0xad: {  	_ =	swait.eq @p0 [sflag:s6], $0x1  }
0xae: {  	[sflag:s6] =	ssyncadd.s32 @p0 $0xFFFFFFFF  }
0xaf: {  	s7 =	sshll.u32 @!p0 s1, $0xE  }
0xb0: {  	s7 =	sor.u32 @!p0 $0x4000, s7;
	s6 =	simm.s32 @!p0 $0x1B8D  }
0xb1: {  	s5 =	sshll.u32 @!p0 s5, $0x11;
	s7 =	sadd.s32 @!p0 $0x11B8D, s7;
	_ =	swait.eq @!p0 [sflag:s6], $0x1  }
0xb2: {  	s5 =	sor.u32 @!p0 s5, s7;
	[sflag:s6] =	ssyncadd.s32 @!p0 $0xFFFFFFFF  }
0xb3: {  	s25 =	simm.s32 $0x1B8E;
	s24 =	sld [smem:$0x3FFE];
	[sflag:s5] =	ssyncadd.remote.s32 @!p0 $0x1  }
0xb4: {  	s26 =	simm.s32 $execute0_lowered;
	[smem:$0x3FD2] =	sst s25  }
0xb5: {  	s6 =	sshll.u32 s26, $0x1;
	_ =	strace $0x80000049;
	[dreg:$0x1] =	wrdreg $0xFFFFFFFF  }
0xb6: {  	s28 =	simm.s32 $_size_execute0_lowered;
	s4 =	sadd.s32 s4, s6;
	[dreg:$0x0] =	wrdreg $0x0  }
0xb7: {  	s6 =	sshll.u32 s28, $0x1;
	[dreg:$0x2] =	wrdreg s4  }
0xb8: {  	[dreg:$0x3] =	wrdreg s6  }
0xb9: {  	[dreg:$0x4] =	wrdreg $0xC0  }
0xba: {  	_ =	task [dreg:s22], $0x5FFFF  }
0xbb: {  	[dreg:$0x1] =	wrdreg $0xFFFFFFFF  }
0xbc: {  	[dreg:$0x0] =	wrdreg $0x60  }
0xbd: {  	[dreg:$0x2] =	wrdreg s24  }
0xbe: {  	[dreg:$0x3] =	wrdreg s18  }
0xbf: {  	[dreg:$0x4] =	wrdreg $0x4E000  }
0xc0: {  	[dreg:$0x5] =	wrdreg $0x18F000  }
0xc1: {  	[dreg:$0x6] =	wrdreg $0xA  }
0xc2: {  	_ =	task.clear_ibuf [dreg:s22], $0x7FFFF;
	_ =	strace $0x90000049  }
0xc3: {  	s29 =	simm.s32 $0xA;
	_ =	strace $0x8000004B  }
0xc4: {  	_ =	swait.ge [sflag:s29], $0x1  }
0xc5: {  	[sflag:s29] =	ssyncadd.s32 $0xFFFFFFFF  }
0xc6: {  	_ =	strace $0x9000004B  }
0xc7: {  	_ =	sfence  }
0xc8: {  	s30 =	sld [smem:$0x0];
	_ =	sdelay $0x2  }
0xc9: {  	s31 =	sshll.u32 s1, $0xD;
	s1 =	sshrl.u32 s1, $0x2  }
0xca: {  	s4 =	sand.u32 $0x4000, s31;
	s1 =	sadd.s32 s1, s30  }
0xcb: {  	s0 =	sor.u32 s4, s0;
	s1 =	sshll.u32 s1, $0x11  }
0xcc: {  	s0 =	sor.u32 s1, s0  }
0xcd: {  	s0 =	sadd.s32 $0x8F2B, s0  }
0xce: {  	[sflag:s0] =	ssyncadd.remote.s32 $0x1  }
0xcf: {  	_ =	sfence.sel $0xFFFF  }
0xd0: {  	[dreg:$0x0] =	wrdreg $0xFFFFFFFF;
	(pc) =	sbr.abs _section_cstart, $3  }
0xd1: {  	[dreg:$0x1] =	wrdreg $0xFFFFFFFF  }
0xd2: {  	_ =	task.clear_ibuf [dreg:s22], $0x2FFFF;
	_ =	strace $0x9FFFFFFF  }
0xd3: {  	(tm) =	ssettm $0x7FFFFFFF  }
tec
execute0_lowered:
.L_overlay_start_1:
0x0: {  	(tag) =	ssettag $0x1  }
0x1: {  	s9 =	rddreg [dreg:$0x0]  }
0x2: {  	s14 =	rddreg [dreg:$0x1]  }
0x3: {  	s2 =	rddreg [dreg:$0x2]  }
0x4: {  	s0 =	srdreg.scid;
	s3 =	rddreg [dreg:$0x3]  }
0x5: {  	s1 =	rddreg [dreg:$0x4];
	s10 =	sand.u32 $0x1, s0  }
0x6: {  	s0 =	stileid.u32;
	s5 =	smul.u32 $0x13980, s10  }
0x7: {  	s4 =	simm.s32 $0x0;
	s19 =	simm.s32 $0x100;
	s6 =	smul.u32 $0x1398, s0  }
0x8: {  	s20 =	simm.s32 $0x98;
	s21 =	simm.s32 $0x200;
	s7 =	smul.u32 $0x140000, s10  }
0x9: {  	s22 =	simm.s32 $0x1;
	s23 =	simm.s32 $0x20;
	s8 =	smul.u32 $0x14000, s0  }
0xa: {  	s24 =	simm.s32 $0x10;
	[smem:$0x7FF] =	sst s4;
	s12 =	smul.u32 $0x500, s0  }
0xb: {  	s25 =	simm.s32 $0x0;
	_ =	strace $0x8000004A;
	s28 =	smul.u32 $0x50000, s0  }
0xc: {  	s16 =	sshll.u32 s10, $0x7;
	s10 =	ssub.s32 $0x2, s10;
	s18 =	smul.u32 $0xA00, s0  }
0xd: {  	s30 =	sshll.u32 s0, $0x6;
	s17 =	sshrl.u32 s10, $0x1;
	s6 =	sadd.s32 s6, s5  }
0xe: {  	s5 =	sadd.s32 $0x1F600, s9;
	s8 =	sadd.s32 s8, s7;
	s7 =	sadd.s32 $0x49000, s9  }
0xf: {  	s12 =	sor.u32 s16, s12;
	s17 =	ssub.s32 s10, s17;
	s29 =	sshrl.u32 s28, $0x2  }
0x10: {  	s31 =	sshrl.u32 s18, $0x2;
	s15 =	sshrl.u32 s6, $0x3;
	s6 =	sadd.s32 $0x46800, s9  }
0x11: {  	s11 =	sshrl.u32 s8, $0x3;
	s8 =	sadd.s32 $0x49200, s9;
	s12 =	sshrl.u32 s12, $0x3  }
0x12: {  	s16 =	sadd.s32 s29, s2;
	s18 =	sadd.s32 s31, s3;
	s13 =	sadd.s32 s15, s9  }
0x13: {  	s11 =	sadd.s32 s11, s9;
	s12 =	sadd.s32 s12, s9;
	s9 =	sor.u32 $0x1C02, s30  }
0x14: {  	s14 =	sadd.s32 s15, s14;
	s15 =	sshrl.u32 s16, $0x3;
	s16 =	simm.s32 $0x2  }
0x15: {  	s10 =	sadd.s32 $0x9F800, s11;
	s11 =	sadd.s32 $0x9EE00, s12;
	s12 =	smax.u32 s17, $0x1  }
0x16: {  	s13 =	sadd.s32 $0x99E00, s13;
	s17 =	sshrl.u32 s18, $0x3;
	s18 =	simm.s32 $0x18E00  }
.LBB2_1:
0x17: {  	[spmem:s15], [sflag:s9] =	dma.local [hbm:s6], $0x2800  }
0x18: {  	_ =	swait.ge [sflag:s16], $0x2800  }
0x19: {  	[sflag:s16] =	ssyncset.done $0x0  }
0x1a: {  	[sflag:s16] =	ssyncadd.s32 $0xFFFFD800  }
0x1b: {  	[spmem:s17], [sflag:s9] =	dma.local [hbm:s7], $0x50  }
0x1c: {  	_ =	swait.ge [sflag:s16], $0x50  }
0x1d: {  	[sflag:s16] =	ssyncset.done $0x0  }
0x1e: {  	[sflag:s16] =	ssyncadd.s32 $0xFFFFFFB0  }
0x1f: {  	[tilespmem:s18], [sflag:$0x2] =	stream.linear.gather [hbm4b:s8+s4], $0x100, $0x38;
	[tilespmem:$0x19180] =	vst v63  }
0x20: {  	_ =	swait.ge [sflag:s16], $0x100  }
0x21: {  	[sflag:s16] =	ssyncset.done $0x0  }
0x22: {  	[sflag:s16] =	ssyncadd.s32 $0xFFFFFF00  }
0x23: {  	s26 =	sadd.s32 $0x0, s14;
	[bflag:$0x0] =	sbarrier.arrive $0xFFFF  }
0x24: {  	[tilespmem:s4], [sflag:$0x2] =	stream.linear.gather [hbm4b:s26+s4], $0x98, $0x38;
	[tilespmem:$0x19180] =	vst v63  }
0x25: {  	_ =	swait.ge [sflag:s16], $0x98  }
0x26: {  	[sflag:s16] =	ssyncset.done $0x0  }
0x27: {  	s31 =	sadd.s32 $0x0, s13;
	[sflag:s16] =	ssyncadd.s32 $0xFFFFFF68  }
0x28: {  	[tilespmem:s19], [sflag:$0x2] =	stream.linear.gather [hbm4b:s31+s4], $0x98, $0x38;
	[tilespmem:$0x19180] =	vst v63  }
0x29: {  	_ =	swait.ge [sflag:s16], $0x98  }
0x2a: {  	[sflag:s16] =	ssyncset.done $0x0  }
0x2b: {  	[sflag:s16] =	ssyncadd.s32 $0xFFFFFF68  }
0x2c: {  	[tilespmem:s21], [sflag:$0x1] =	stream.indirect.gather [hbm4b:s5+s20], $0x80, s4, s20, $0xb8;
	[tilespmem:$0x19180] =	vst v63  }
0x2d: {  	_ =	swait.ge [sflag:s22], $0x4C00  }
0x2e: {  	[sflag:s22] =	ssyncset.done $0x0  }
0x2f: {  	[sflag:s22] =	ssyncadd.s32 $0xFFFFB400  }
0x30: {  	[spmem:s2] =	stream.indirect.scatter.add.f32 [tilespmem:s21], [sflag:$0x2], $0x80, s19, s20, $0xb8;
	[tilespmem:$0x19180] =	vst v63  }
0x31: {  	_ =	swait.ge [sflag:s16], $0x4C00  }
0x32: {  	[sflag:s16] =	ssyncset.done $0x0  }
0x33: {  	[sflag:s16] =	ssyncadd.s32 $0xFFFFB400  }
0x34: {  	[spmem:s3] =	stream.indirect.scatter.add.f32 [tilespmem:s18], [sflag:$0x2], $0x1, s19, s20, $0xb8;
	[tilespmem:$0x19180] =	vst v63  }
0x35: {  	_ =	swait.ge [sflag:s16], $0x98  }
0x36: {  	s28 =	simm.s32 $0x26;
	s26 =	simm.s32 $0x13;
	[sflag:s16] =	ssyncset.done $0x0  }
.LBB2_2:
0x37: {  	s29 =	sadd.s32 s26, s14  }
0x38: {  	[sflag:s16] =	ssyncadd.s32 $0xFFFFFF68;
	s30 =	smov.u32 s28;
	s31 =	sadd.s32 $0x13, s28  }
0x39: {  	[tilespmem:s4], [sflag:$0x2] =	stream.linear.gather [hbm4b:s29+s4], $0x98, $0x38;
	[tilespmem:$0x19180] =	vst v63  }
0x3a: {  	p0 =	sne.s32 s28, $0x260;
	_ =	swait.ge [sflag:s16], $0x98  }
0x3b: {  	[sflag:s16] =	ssyncset.done $0x0  }
0x3c: {  	s28 =	sadd.s32 s26, s13;
	s26 =	smov.u32 s30;
	[sflag:s16] =	ssyncadd.s32 $0xFFFFFF68  }
0x3d: {  	[tilespmem:s19], [sflag:$0x2] =	stream.linear.gather [hbm4b:s28+s4], $0x98, $0x38;
	[tilespmem:$0x19180] =	vst v63  }
0x3e: {  	_ =	swait.ge [sflag:s16], $0x98  }
0x3f: {  	[sflag:s16] =	ssyncset.done $0x0  }
0x40: {  	[sflag:s16] =	ssyncadd.s32 $0xFFFFFF68  }
0x41: {  	[tilespmem:s21], [sflag:$0x1] =	stream.indirect.gather [hbm4b:s5+s20], $0x80, s4, s20, $0xb8;
	[tilespmem:$0x19180] =	vst v63  }
0x42: {  	_ =	swait.ge [sflag:s22], $0x4C00  }
0x43: {  	[sflag:s22] =	ssyncset.done $0x0  }
0x44: {  	[sflag:s22] =	ssyncadd.s32 $0xFFFFB400  }
0x45: {  	[spmem:s2] =	stream.indirect.scatter.add.f32 [tilespmem:s21], [sflag:$0x2], $0x80, s19, s20, $0xb8;
	[tilespmem:$0x19180] =	vst v63  }
0x46: {  	_ =	swait.ge [sflag:s16], $0x4C00  }
.Ltmp0:
0x47: {  	[sflag:s16] =	ssyncset.done $0x0;
	(pc) =	sbr.rel @p0 .LBB2_2-.Ltmp0, $4  }
0x48: {  	[sflag:s16] =	ssyncadd.s32 $0xFFFFB400  }
0x49: {  	[spmem:s3] =	stream.indirect.scatter.add.f32 [tilespmem:s18], [sflag:$0x2], $0x1, s19, s20, $0xb8;
	[tilespmem:$0x19180] =	vst v63  }
0x4a: {  	_ =	swait.ge [sflag:s16], $0x98  }
0x4b: {  	s28 =	smov.u32 s31;
	[sflag:s16] =	ssyncset.done $0x0  }
0x4c: {  	s28 =	sadd.s32 s26, s14;
	[sflag:s16] =	ssyncadd.s32 $0xFFFFFF68  }
0x4d: {  	[tilespmem:s4], [sflag:$0x2] =	stream.linear.gather [hbm4b:s28+s4], $0x98, $0x38;
	[tilespmem:$0x19180] =	vst v63  }
0x4e: {  	_ =	swait.ge [sflag:s16], $0x98  }
0x4f: {  	[sflag:s16] =	ssyncset.done $0x0  }
0x50: {  	s31 =	sadd.s32 s26, s13;
	[sflag:s16] =	ssyncadd.s32 $0xFFFFFF68  }
0x51: {  	[tilespmem:s19], [sflag:$0x2] =	stream.linear.gather [hbm4b:s31+s4], $0x98, $0x38;
	[tilespmem:$0x19180] =	vst v63  }
0x52: {  	_ =	swait.ge [sflag:s16], $0x98  }
0x53: {  	[sflag:s16] =	ssyncset.done $0x0  }
0x54: {  	[sflag:s16] =	ssyncadd.s32 $0xFFFFFF68  }
0x55: {  	[tilespmem:s21], [sflag:$0x1] =	stream.indirect.gather [hbm4b:s5+s20], $0x80, s4, s20, $0xb8;
	[tilespmem:$0x19180] =	vst v63  }
0x56: {  	_ =	swait.ge [sflag:s22], $0x4C00  }
0x57: {  	[sflag:s22] =	ssyncset.done $0x0  }
0x58: {  	[sflag:s22] =	ssyncadd.s32 $0xFFFFB400  }
0x59: {  	[spmem:s2] =	stream.indirect.scatter.add.f32 [tilespmem:s21], [sflag:$0x2], $0x80, s19, s20, $0xb8;
	[tilespmem:$0x19180] =	vst v63  }
0x5a: {  	_ =	swait.ge [sflag:s16], $0x4C00  }
0x5b: {  	[sflag:s16] =	ssyncset.done $0x0  }
0x5c: {  	[sflag:s16] =	ssyncadd.s32 $0xFFFFB400  }
0x5d: {  	[spmem:s3] =	stream.indirect.scatter.add.f32 [tilespmem:s18], [sflag:$0x2], $0x1, s19, s20, $0xb8;
	[tilespmem:$0x19180] =	vst v63  }
0x5e: {  	_ =	swait.ge [sflag:s16], $0x98  }
0x5f: {  	[sflag:s16] =	ssyncset.done $0x0  }
0x60: {  	[sflag:s16] =	ssyncadd.s32 $0xFFFFFF68  }
0x61: {  	[bflag:$0x0] =	sbarrier.arrive $0xFFFF  }
0x62: {  	[hbm:s10], [sflag:s9] =	dma.local [spmem:s15], $0x2800  }
0x63: {  	s25 =	sadd.s32 $0x1, s25;
	_ =	swait.ge [sflag:s16], $0x2800  }
0x64: {  	p0 =	sne.s32 s25, s12;
	[sflag:s16] =	ssyncset.done $0x0  }
.Ltmp1:
0x65: {  	[sflag:s16] =	ssyncadd.s32 $0xFFFFD800;
	(pc) =	sbr.rel @p0 .LBB2_1-.Ltmp1, $4  }
0x66: {  	[hbm:s11@s23], [sflag:s9] =	dma.strided [spmem:s17@s24], $0x50, s22, $0x10   }
0x67: {  	_ =	swait.ge [sflag:s16], $0x50  }
0x68: {  	[sflag:s16] =	ssyncset.done $0x0  }
0x69: {  	[sflag:s16] =	ssyncadd.s32 $0xFFFFFFB0  }
0x6a: {  	_ =	sfence.sel $0x180000  }
0x6b: {  	[bflag:$0x0] =	sbarrier.arrive $0xFFFF  }
0x6c: {  	p0 =	sne.s32 s0, $0x0;
	_ =	strace $0x9000004A  }
0x6d: {  	s0 =	sadd.s32 @!p0 $0x100000, s1;
	[bflag:$0x2] =	sbarrier.arrive $0xFFFF  }
0x6e: {  	[sflag:s0] =	ssyncadd.tile.s32 @!p0 $0x1;
	_ =	shalt  }
.Lfunc_end2:
_tile_overlayer_lowered:
.L_overlay_start_2:
0x6f: {  	(tag) =	ssettag $0x2  }
0x70: {  	s0 =	rddreg [dreg:$0x0];
	s2 =	stileid.u32  }
0x71: {  	s1 =	rddreg [dreg:$0x1];
	p0 =	sne.s32 s2, $0x0  }
0x72: {  	s3 =	rddreg [dreg:$0x2];
	[bflag:$0x3] =	sbarrier.arrive $0xFFFF;
	s2 =	simm.s32 @!p0 $0x1C02  }
0x73: {  	[timem:s3], [sflag:s2] =	dma.local @!p0 [hbm:s0], s1  }
0x74: {  	s0 =	simm.s32 @!p0 $0x2  }
0x75: {  	_ =	swait.ge @!p0 [sflag:s0], s1  }
0x76: {  	s1 =	ssub.s32 @!p0 $0x0, s1;
	[sflag:s0] =	ssyncset.done @!p0 $0x0  }
0x77: {  	[sflag:s0] =	ssyncadd.s32 @!p0 s1  }
0x78: {  	[bflag:$0x3] =	sbarrier.arrive $0xFFFF  }
0x79: {  	_ =	shalt  }

// kernel: kernel.22.cloned.1.call-start
scs
__scs_entry_jumppad:
0x0: {  	(pc) =	sbr.rel $0x88, $3  }
0x1: {  	(tag) =	ssettag $0x0;
	lr =	simm.s32 $0x1  }
0x2: {  	[smem:$0x3F6B] =	sst lr;
	_ =	strace $0xD0000000  }
0x3: {  	_ = 	snop  }
0x4: {  	_ = 	snop  }
0x5: {  	_ = 	snop  }
0x6: {  	_ = 	snop  }
0x7: {  	_ = 	snop  }
__scs_overlays_trampoline_lowered:
0x8: {  	[smem:$0x3F7A] =	sst s0  }
0x9: {  	[smem:$0x3F7B] =	sst s1  }
0xa: {  	[smem:$0x3F7C] =	sst s2  }
0xb: {  	[smem:$0x3F7D] =	sst s3  }
0xc: {  	[smem:$0x3F7E] =	sst s4  }
0xd: {  	[smem:$0x3F7F] =	sst s5  }
0xe: {  	[smem:$0x3F80] =	sst s6  }
0xf: {  	[smem:$0x3F81] =	sst s7  }
0x10: {  	[smem:$0x3F82] =	sst s8  }
0x11: {  	[smem:$0x3F83] =	sst s9;
	s0 =	simm.s32 @!p0 $0x0  }
0x12: {  	s1 =	sld [smem:$0x3F69];
	s0 =	simm.s32 @p0 $0x1  }
0x13: {  	[smem:$0x3F84] =	sst s0;
	s0 =	simm.s32 @!p1 $0x0  }
0x14: {  	s2 =	sld [smem:$0x3F68];
	s0 =	simm.s32 @p1 $0x1  }
0x15: {  	[smem:$0x3F85] =	sst s0;
	s0 =	simm.s32 @!p2 $0x0  }
0x16: {  	s3 =	sld [smem:$0x3FDB];
	s0 =	simm.s32 @p2 $0x1  }
0x17: {  	s4 =	simm.s32 $0x1BF5;
	[smem:$0x3F87] =	sst s0  }
0x18: {  	s0 =	sld [smem:$0x3F6A];
	_ =	swait.ge [sflag:s4], $0x0  }
0x19: {  	s7 =	sld [smem:$0x3F6B]  }
0x1a: {  	s8 =	sadd.s32 $0xFFFFE003, lr  }
0x1b: {  	s9 =	sadd.s32 $0xFFFFFEF7, lr;
	s5 =	simm.s32 $0xFFFFFFFF;
	p2 =	slt.u32 s8, $0xFFFFF086  }
0x1c: {  	p1 =	slt.u32 s9, $0xF7A;
	s5 =	simm.s32 @!p2 $0x0  }
0x1d: {  	s5 =	simm.s32 @p1 $0x1;
	p0 =	seq.s32 s7, s2  }
0x1e: {  	s7 =	smul.u32 @!p0 $0xF7A, s2;
	p2 =	seq.s32 @!p0 s5, $0x0  }
0x1f: {  	s9 =	smul.u32 $0xF7A, s1;
	s8 =	simm.s32 @!p0 $0x1BF5;
	p2 =	por !p2, p0  }
0x20: {  	[sflag:s8] =	ssyncset.s32 @!p0 $0xFFFFF086;
	s6 =	sadd.s32 @!p0 s3, s7;
	s7 =	simm.s32 @!p0 $0x108  }
0x21: {  	s3 =	sadd.s32 s3, s9;
	s6 =	sadd.s32 @!p0 $0x88, s6;
	s7 =	simm.s32 @p2 $0x1082  }
0x22: {  	[simem:s7], [sflag:s8] =	dma.local @!p0 [hbm:s6], $0xF7A  }
0x23: {  	s9 =	sor.u32 $0xD0000000, s2;
	s6 =	simm.s32 $0x108;
	_ =	swait.ge @!p0 [sflag:s8], $0x0  }
0x24: {  	s3 =	sadd.s32 $0x88, s3;
	s6 =	simm.s32 @!p1 $0x1082;
	[sflag:s4] =	ssyncset.s32 $0xFFFFF086  }
0x25: {  	[simem:s6], [sflag:s4] =	dma.local [hbm:s3], $0xF7A  }
0x26: {  	[smem:$0x3F6B] =	sst s1;
	(tag) =	ssettag s2;
	_ =	strace s9  }
0x27: {  	s1 =	sld [smem:$0x3F7B]  }
0x28: {  	s2 =	sld [smem:$0x3F7C]  }
0x29: {  	s4 =	sld [smem:$0x3F7E]  }
0x2a: {  	p0 =	seq.s32 s5, $0x0;
	s5 =	sld [smem:$0x3F7F]  }
0x2b: {  	s6 =	sld [smem:$0x3F80]  }
0x2c: {  	s7 =	sld [smem:$0x3F81]  }
0x2d: {  	s3 =	simm.s32 $0x108;
	s8 =	sld [smem:$0x3F82]  }
0x2e: {  	s3 =	simm.s32 @!p0 $0x1082;
	s9 =	sld [smem:$0x3F83]  }
0x2f: {  	lr =	sadd.s32 s0, s3;
	s0 =	sld [smem:$0x3F7A]  }
0x30: {  	s3 =	sld [smem:$0x3F7D]  }
0x31: {  	[smem:$0x3F86] =	sst s10  }
0x32: {  	s10 =	sld [smem:$0x3F84];
	_ =	sdelay $0x3  }
0x33: {  	p0 =	seq.s32 s10, $0x1;
	s10 =	sld [smem:$0x3F86];
	_ =	sdelay $0x3  }
0x34: {  	[smem:$0x3F86] =	sst s10  }
0x35: {  	s10 =	sld [smem:$0x3F85];
	_ =	sdelay $0x3  }
0x36: {  	p1 =	seq.s32 s10, $0x1;
	s10 =	sld [smem:$0x3F86];
	_ =	sdelay $0x3  }
0x37: {  	[smem:$0x3F86] =	sst s10  }
0x38: {  	s10 =	sld [smem:$0x3F87]  }
0x39: {  	_ = 	snop;
	(pc) =	sbr.ind lr, $3  }
0x3a: {  	_ = 	snop  }
0x3b: {  	_ = 	snop  }
0x3c: {  	p2 =	seq.s32 s10, $0x1;
	s10 =	sld [smem:$0x3F86]  }
0x3d: {  	_ =	shalt  }
0x3e: {  	_ =	shalt  }
0x3f: {  	_ =	shalt  }
0x40: {  	_ =	shalt  }
0x41: {  	_ =	shalt  }
0x42: {  	_ =	shalt  }
0x43: {  	_ =	shalt  }
0x44: {  	_ =	shalt  }
0x45: {  	_ =	shalt  }
0x46: {  	_ =	shalt  }
0x47: {  	_ =	shalt  }
0x48: {  	_ =	shalt  }
0x49: {  	_ =	shalt  }
0x4a: {  	_ =	shalt  }
0x4b: {  	_ =	shalt  }
0x4c: {  	_ =	shalt  }
0x4d: {  	_ =	shalt  }
0x4e: {  	_ =	shalt  }
0x4f: {  	_ =	shalt  }
0x50: {  	_ =	shalt  }
0x51: {  	_ =	shalt  }
0x52: {  	_ =	shalt  }
0x53: {  	_ =	shalt  }
0x54: {  	_ =	shalt  }
0x55: {  	_ =	shalt  }
0x56: {  	_ =	shalt  }
0x57: {  	_ =	shalt  }
0x58: {  	_ =	shalt  }
0x59: {  	_ =	shalt  }
0x5a: {  	_ =	shalt  }
0x5b: {  	_ =	shalt  }
0x5c: {  	_ =	shalt  }
0x5d: {  	_ =	shalt  }
0x5e: {  	_ =	shalt  }
0x5f: {  	_ =	shalt  }
0x60: {  	_ =	shalt  }
0x61: {  	_ =	shalt  }
0x62: {  	_ =	shalt  }
0x63: {  	_ =	shalt  }
0x64: {  	_ =	shalt  }
0x65: {  	_ =	shalt  }
0x66: {  	_ =	shalt  }
0x67: {  	_ =	shalt  }
0x68: {  	_ =	shalt  }
0x69: {  	_ =	shalt  }
0x6a: {  	_ =	shalt  }
0x6b: {  	_ =	shalt  }
0x6c: {  	_ =	shalt  }
0x6d: {  	_ =	shalt  }
0x6e: {  	_ =	shalt  }
0x6f: {  	_ =	shalt  }
0x70: {  	_ =	shalt  }
0x71: {  	_ =	shalt  }
0x72: {  	_ =	shalt  }
0x73: {  	_ =	shalt  }
0x74: {  	_ =	shalt  }
0x75: {  	_ =	shalt  }
0x76: {  	_ =	shalt  }
0x77: {  	_ =	shalt  }
0x78: {  	_ =	shalt  }
0x79: {  	_ =	shalt  }
0x7a: {  	_ =	shalt  }
0x7b: {  	_ =	shalt  }
0x7c: {  	_ =	shalt  }
0x7d: {  	_ =	shalt  }
0x7e: {  	_ =	shalt  }
0x7f: {  	_ =	shalt  }
0x80: {  	_ =	shalt  }
0x81: {  	_ =	shalt  }
0x82: {  	_ =	shalt  }
0x83: {  	_ =	shalt  }
0x84: {  	_ =	shalt  }
0x85: {  	_ =	shalt  }
0x86: {  	_ =	shalt  }
0x87: {  	_ =	shalt  }
.Lfunc_end0:
.L_simem_size_0:
called_computation.2_lowered:
.L_overlay_start_0:
0x88: {  	s2 =	sld [smem:$0x3FD9]  }
0x89: {  	s3 =	sld [smem:$0x3FFE];
	_ =	sdelay $0x1  }
0x8a: {  	s1 =	srdreg.scid  }
0x8b: {  	s0 =	sand.u32 $0x1, s1  }
0x8c: {  	s17 =	sshll.u32 s0, $0xA;
	s2 =	sadd.s32 s3, s2  }
0x8d: {  	s2 =	sadd.s32 s2, s17  }
0x8e: {  	[smem:$0x3F92] =	sst s2  }
0x8f: {  	_ = 	snop  }
0x90: {  	(tm) =	ssettm $0x1  }
0x91: {  	s18 =	sld [smem:$0x3FFB];
	_ =	sdelay $0x3  }
0x92: {  	_ =	strace s18  }
0x93: {  	s2 =	sld [smem:$0x3FFC];
	_ =	sdelay $0x3  }
0x94: {  	_ =	strace s2  }
0x95: {  	s2 =	sld [smem:$0x3FFD];
	_ =	sdelay $0x3  }
0x96: {  	_ =	strace s2  }
0x97: {  	_ =	strace $0x8FFFFFFF  }
0x98: {  	s19 =	sld [smem:$0x3FDB];
	_ =	sdelay $0x1  }
0x99: {  	s20 =	simm.s32 $_scs_section_size  }
0x9a: {  	s4 =	simm.s32 $_size__tile_overlayer_lowered;
	s5 =	simm.s32 $_tile_overlayer_lowered  }
0x9b: {  	s6 =	simm.s32 $0x1BFF;
	s21 =	sshll.u32 s5, $0x1;
	s3 =	sadd.s32 s20, s19  }
0x9c: {  	s22 =	simm.s32 $0x0;
	s4 =	sshll.u32 s4, $0x1;
	s5 =	sadd.s32 s21, s3  }
0x9d: {  	[timem:s22], [sflag:s6] =	dma.local [hbm:s5], s4  }
0x9e: {  	_ =	swait.ge [sflag:s6], s4  }
0x9f: {  	s4 =	ssub.s32 $0x0, s4;
	[sflag:s6] =	ssyncset.done $0x0  }
0xa0: {  	[sflag:s6] =	ssyncadd.s32 s4;
	_ =	sdelay $0x1  }
0xa1: {  	s23 =	simm.s32 $0x1B8B  }
0xa2: {  	_ =	swait.ge [sflag:s23], $0x1  }
0xa3: {  	[sflag:s23] =	ssyncset.done $0x0  }
0xa4: {  	[sflag:s23] =	ssyncadd.s32 $0xFFFFFFFF  }
0xa5: {  	s4 =	sld [smem:$0x0]  }
0xa6: {  	s5 =	sand.u32 $0xFFFFFFFE, s1  }
0xa7: {  	p0 =	sne.s32 s1, s5  }
0xa8: {  	s5 =	sshll.u32 @p0 s5, $0xE  }
0xa9: {  	s5 =	sadd.s32 @p0 $0x11B8D, s5;
	s6 =	sshll.u32 @p0 s4, $0x11  }
0xaa: {  	s5 =	sor.u32 @p0 s6, s5  }
0xab: {  	[sflag:s5] =	ssyncadd.remote.s32 @p0 $0x1;
	_ =	sdelay $0x1  }
0xac: {  	s5 =	simm.s32 @p0 $0x1B8D  }
0xad: {  	_ =	swait.eq @p0 [sflag:s5], $0x1  }
0xae: {  	[sflag:s5] =	ssyncadd.s32 @p0 $0xFFFFFFFF  }
0xaf: {  	s6 =	sshll.u32 @!p0 s1, $0xE  }
0xb0: {  	s6 =	sor.u32 @!p0 $0x4000, s6;
	s5 =	simm.s32 @!p0 $0x1B8D  }
0xb1: {  	s4 =	sshll.u32 @!p0 s4, $0x11;
	s6 =	sadd.s32 @!p0 $0x11B8D, s6;
	_ =	swait.eq @!p0 [sflag:s5], $0x1  }
0xb2: {  	s4 =	sor.u32 @!p0 s4, s6;
	[sflag:s5] =	ssyncadd.s32 @!p0 $0xFFFFFFFF  }
0xb3: {  	s25 =	simm.s32 $0x1B8E;
	s24 =	sld [smem:$0x3FFE];
	[sflag:s4] =	ssyncadd.remote.s32 @!p0 $0x1  }
0xb4: {  	s26 =	simm.s32 $execute0_lowered;
	[smem:$0x3FD2] =	sst s25  }
0xb5: {  	s5 =	sshll.u32 s26, $0x1;
	_ =	strace $0x8000004F;
	[dreg:$0x1] =	wrdreg $0xFFFFFFFF  }
0xb6: {  	s28 =	simm.s32 $_size_execute0_lowered;
	s3 =	sadd.s32 s3, s5;
	[dreg:$0x0] =	wrdreg $0x0  }
0xb7: {  	s5 =	sshll.u32 s28, $0x1;
	[dreg:$0x2] =	wrdreg s3  }
0xb8: {  	[dreg:$0x3] =	wrdreg s5  }
0xb9: {  	[dreg:$0x4] =	wrdreg $0xC0  }
0xba: {  	_ =	task [dreg:s22], $0x5FFFF  }
0xbb: {  	[dreg:$0x1] =	wrdreg $0xFFFFFFFF  }
0xbc: {  	[dreg:$0x0] =	wrdreg $0x60  }
0xbd: {  	[dreg:$0x2] =	wrdreg s24  }
0xbe: {  	[dreg:$0x3] =	wrdreg $0x4E000  }
0xbf: {  	[dreg:$0x4] =	wrdreg $0x9  }
0xc0: {  	_ =	task.clear_ibuf [dreg:s22], $0x5FFFF;
	_ =	strace $0x9000004F  }
0xc1: {  	s29 =	simm.s32 $0x9;
	_ =	strace $0x80000051  }
0xc2: {  	_ =	swait.ge [sflag:s29], $0x1  }
0xc3: {  	[sflag:s29] =	ssyncadd.s32 $0xFFFFFFFF  }
0xc4: {  	_ =	strace $0x90000051  }
0xc5: {  	_ =	sfence  }
0xc6: {  	s30 =	sld [smem:$0x0];
	_ =	sdelay $0x2  }
0xc7: {  	s31 =	sshll.u32 s1, $0xD;
	s1 =	sshrl.u32 s1, $0x2  }
0xc8: {  	s4 =	sand.u32 $0x4000, s31;
	s1 =	sadd.s32 s1, s30  }
0xc9: {  	s0 =	sor.u32 s4, s0;
	s1 =	sshll.u32 s1, $0x11  }
0xca: {  	s0 =	sor.u32 s1, s0  }
0xcb: {  	s0 =	sadd.s32 $0x8F2B, s0  }
0xcc: {  	[sflag:s0] =	ssyncadd.remote.s32 $0x1  }
0xcd: {  	_ =	sfence.sel $0xFFFF  }
0xce: {  	[dreg:$0x0] =	wrdreg $0xFFFFFFFF;
	(pc) =	sbr.abs _section_cstart, $3  }
0xcf: {  	[dreg:$0x1] =	wrdreg $0xFFFFFFFF  }
0xd0: {  	_ =	task.clear_ibuf [dreg:s22], $0x2FFFF;
	_ =	strace $0x9FFFFFFF  }
0xd1: {  	(tm) =	ssettm $0x7FFFFFFF  }
tec
execute0_lowered:
.L_overlay_start_1:
0x0: {  	(tag) =	ssettag $0x1  }
0x1: {  	s6 =	rddreg [dreg:$0x0]  }
0x2: {  	s2 =	rddreg [dreg:$0x1]  }
0x3: {  	s0 =	srdreg.scid;
	s1 =	rddreg [dreg:$0x2]  }
0x4: {  	s3 =	simm.s32 $0x0;
	s13 =	simm.s32 $0x100;
	s7 =	sand.u32 $0x1, s0  }
0x5: {  	s14 =	simm.s32 $0x98;
	s0 =	stileid.u32;
	s4 =	smul.u32 $0x27300, s7  }
0x6: {  	s15 =	simm.s32 $0x200;
	s16 =	simm.s32 $0x1;
	s5 =	smul.u32 $0x2730, s0  }
0x7: {  	s17 =	simm.s32 $0x0;
	[smem:$0x7FF] =	sst s3;
	s8 =	smul.u32 $0x140000, s7  }
0x8: {  	s9 =	smul.u32 $0x14000, s0;
	_ =	strace $0x80000050;
	s7 =	ssub.s32 $0x2, s7  }
0x9: {  	s29 =	smul.u32 $0x50000, s0;
	s31 =	sshll.u32 s0, $0x6;
	s30 =	sshrl.u32 s7, $0x1  }
0xa: {  	s5 =	sadd.s32 s5, s4;
	s4 =	sadd.s32 $0x9EE00, s6;
	s8 =	sadd.s32 s9, s8  }
0xb: {  	s9 =	sshrl.u32 s29, $0x2;
	s11 =	ssub.s32 s7, s30;
	s5 =	sshrl.u32 s5, $0x3  }
0xc: {  	s8 =	sshrl.u32 s8, $0x3;
	s12 =	sadd.s32 s9, s2;
	s10 =	sadd.s32 s5, s6  }
0xd: {  	s5 =	sadd.s32 $0x46800, s6;
	s8 =	sadd.s32 s8, s6;
	s6 =	sor.u32 $0x1C02, s31  }
0xe: {  	s7 =	sadd.s32 $0x18F800, s8;
	s8 =	smax.u32 s11, $0x1;
	s9 =	sadd.s32 $0x15800, s10  }
0xf: {  	s10 =	sadd.s32 $0xBA00, s10;
	s11 =	sshrl.u32 s12, $0x3;
	s12 =	simm.s32 $0x2  }
.LBB2_1:
0x10: {  	[spmem:s11], [sflag:s6] =	dma.local [hbm:s5], $0x2800  }
0x11: {  	_ =	swait.ge [sflag:s12], $0x2800  }
0x12: {  	[sflag:s12] =	ssyncset.done $0x0  }
0x13: {  	[sflag:s12] =	ssyncadd.s32 $0xFFFFD800  }
0x14: {  	s18 =	sadd.s32 $0x0, s10;
	[bflag:$0x0] =	sbarrier.arrive $0xFFFF  }
0x15: {  	[tilespmem:s3], [sflag:$0x2] =	stream.linear.gather [hbm4b:s18+s3], $0x98, $0x38;
	[tilespmem:$0x18E00] =	vst v63  }
0x16: {  	_ =	swait.ge [sflag:s12], $0x98  }
0x17: {  	[sflag:s12] =	ssyncset.done $0x0  }
0x18: {  	s31 =	sadd.s32 $0x0, s9;
	[sflag:s12] =	ssyncadd.s32 $0xFFFFFF68  }
0x19: {  	[tilespmem:s13], [sflag:$0x2] =	stream.linear.gather [hbm4b:s31+s3], $0x98, $0x38;
	[tilespmem:$0x18E00] =	vst v63  }
0x1a: {  	_ =	swait.ge [sflag:s12], $0x98  }
0x1b: {  	[sflag:s12] =	ssyncset.done $0x0  }
0x1c: {  	[sflag:s12] =	ssyncadd.s32 $0xFFFFFF68  }
0x1d: {  	[tilespmem:s15], [sflag:$0x1] =	stream.indirect.gather [hbm4b:s4+s14], $0x80, s3, s14, $0xb8;
	[tilespmem:$0x18E00] =	vst v63  }
0x1e: {  	_ =	swait.ge [sflag:s16], $0x4C00  }
0x1f: {  	[sflag:s16] =	ssyncset.done $0x0  }
0x20: {  	[sflag:s16] =	ssyncadd.s32 $0xFFFFB400  }
0x21: {  	[spmem:s2] =	stream.indirect.scatter.add.f32 [tilespmem:s15], [sflag:$0x2], $0x80, s13, s14, $0xb8;
	[tilespmem:$0x18E00] =	vst v63  }
0x22: {  	_ =	swait.ge [sflag:s12], $0x4C00  }
0x23: {  	s19 =	simm.s32 $0x26;
	s18 =	simm.s32 $0x13;
	[sflag:s12] =	ssyncset.done $0x0  }
.LBB2_2:
0x24: {  	s20 =	sadd.s32 s18, s10  }
0x25: {  	[sflag:s12] =	ssyncadd.s32 $0xFFFFB400;
	s21 =	smov.u32 s19;
	s22 =	sadd.s32 $0x13, s19  }
0x26: {  	[tilespmem:s3], [sflag:$0x2] =	stream.linear.gather [hbm4b:s20+s3], $0x98, $0x38;
	[tilespmem:$0x18E00] =	vst v63  }
0x27: {  	p0 =	sne.s32 s19, $0x4D3;
	_ =	swait.ge [sflag:s12], $0x98  }
0x28: {  	[sflag:s12] =	ssyncset.done $0x0  }
0x29: {  	s19 =	sadd.s32 s18, s9;
	s18 =	smov.u32 s21;
	[sflag:s12] =	ssyncadd.s32 $0xFFFFFF68  }
0x2a: {  	[tilespmem:s13], [sflag:$0x2] =	stream.linear.gather [hbm4b:s19+s3], $0x98, $0x38;
	[tilespmem:$0x18E00] =	vst v63  }
0x2b: {  	_ =	swait.ge [sflag:s12], $0x98  }
0x2c: {  	[sflag:s12] =	ssyncset.done $0x0  }
0x2d: {  	[sflag:s12] =	ssyncadd.s32 $0xFFFFFF68  }
0x2e: {  	[tilespmem:s15], [sflag:$0x1] =	stream.indirect.gather [hbm4b:s4+s14], $0x80, s3, s14, $0xb8;
	[tilespmem:$0x18E00] =	vst v63  }
0x2f: {  	_ =	swait.ge [sflag:s16], $0x4C00  }
.Ltmp0:
0x30: {  	[sflag:s16] =	ssyncset.done $0x0;
	(pc) =	sbr.rel @p0 .LBB2_2-.Ltmp0, $4  }
0x31: {  	[sflag:s16] =	ssyncadd.s32 $0xFFFFB400  }
0x32: {  	[spmem:s2] =	stream.indirect.scatter.add.f32 [tilespmem:s15], [sflag:$0x2], $0x80, s13, s14, $0xb8;
	[tilespmem:$0x18E00] =	vst v63  }
0x33: {  	_ =	swait.ge [sflag:s12], $0x4C00  }
0x34: {  	s19 =	smov.u32 s22;
	[sflag:s12] =	ssyncset.done $0x0  }
0x35: {  	s19 =	sadd.s32 s18, s10;
	[sflag:s12] =	ssyncadd.s32 $0xFFFFB400  }
0x36: {  	[tilespmem:s3], [sflag:$0x2] =	stream.linear.gather [hbm4b:s19+s3], $0x98, $0x38;
	[tilespmem:$0x18E00] =	vst v63  }
0x37: {  	_ =	swait.ge [sflag:s12], $0x98  }
0x38: {  	[sflag:s12] =	ssyncset.done $0x0  }
0x39: {  	s31 =	sadd.s32 s18, s9;
	[sflag:s12] =	ssyncadd.s32 $0xFFFFFF68  }
0x3a: {  	[tilespmem:s13], [sflag:$0x2] =	stream.linear.gather [hbm4b:s31+s3], $0x98, $0x38;
	[tilespmem:$0x18E00] =	vst v63  }
0x3b: {  	_ =	swait.ge [sflag:s12], $0x98  }
0x3c: {  	[sflag:s12] =	ssyncset.done $0x0  }
0x3d: {  	[sflag:s12] =	ssyncadd.s32 $0xFFFFFF68  }
0x3e: {  	[tilespmem:s15], [sflag:$0x1] =	stream.indirect.gather [hbm4b:s4+s14], $0x80, s3, s14, $0xb8;
	[tilespmem:$0x18E00] =	vst v63  }
0x3f: {  	_ =	swait.ge [sflag:s16], $0x4C00  }
0x40: {  	[sflag:s16] =	ssyncset.done $0x0  }
0x41: {  	[sflag:s16] =	ssyncadd.s32 $0xFFFFB400  }
0x42: {  	[spmem:s2] =	stream.indirect.scatter.add.f32 [tilespmem:s15], [sflag:$0x2], $0x80, s13, s14, $0xb8;
	[tilespmem:$0x18E00] =	vst v63  }
0x43: {  	_ =	swait.ge [sflag:s12], $0x4C00  }
0x44: {  	s17 =	sadd.s32 $0x1, s17;
	[sflag:s12] =	ssyncset.done $0x0  }
0x45: {  	p0 =	sne.s32 s17, s8;
	[sflag:s12] =	ssyncadd.s32 $0xFFFFB400  }
.Ltmp1:
0x46: {  	[bflag:$0x0] =	sbarrier.arrive $0xFFFF;
	(pc) =	sbr.rel @p0 .LBB2_1-.Ltmp1, $4  }
0x47: {  	[hbm:s7], [sflag:s6] =	dma.local [spmem:s11], $0x2800  }
0x48: {  	_ =	swait.ge [sflag:s12], $0x2800  }
0x49: {  	[sflag:s12] =	ssyncset.done $0x0  }
0x4a: {  	[sflag:s12] =	ssyncadd.s32 $0xFFFFD800  }
0x4b: {  	_ =	sfence.sel $0x180000  }
0x4c: {  	[bflag:$0x0] =	sbarrier.arrive $0xFFFF  }
0x4d: {  	p0 =	sne.s32 s0, $0x0;
	_ =	strace $0x90000050  }
0x4e: {  	s0 =	sadd.s32 @!p0 $0x100000, s1;
	[bflag:$0x2] =	sbarrier.arrive $0xFFFF  }
0x4f: {  	[sflag:s0] =	ssyncadd.tile.s32 @!p0 $0x1;
	_ =	shalt  }
.Lfunc_end2:
_tile_overlayer_lowered:
.L_overlay_start_2:
0x50: {  	(tag) =	ssettag $0x2  }
0x51: {  	s0 =	rddreg [dreg:$0x0];
	s2 =	stileid.u32  }
0x52: {  	s1 =	rddreg [dreg:$0x1];
	p0 =	sne.s32 s2, $0x0  }
0x53: {  	s3 =	rddreg [dreg:$0x2];
	[bflag:$0x3] =	sbarrier.arrive $0xFFFF;
	s2 =	simm.s32 @!p0 $0x1C02  }
0x54: {  	[timem:s3], [sflag:s2] =	dma.local @!p0 [hbm:s0], s1  }
0x55: {  	s0 =	simm.s32 @!p0 $0x2  }
0x56: {  	_ =	swait.ge @!p0 [sflag:s0], s1  }
0x57: {  	s1 =	ssub.s32 @!p0 $0x0, s1;
	[sflag:s0] =	ssyncset.done @!p0 $0x0  }
0x58: {  	[sflag:s0] =	ssyncadd.s32 @!p0 s1  }
0x59: {  	[bflag:$0x3] =	sbarrier.arrive $0xFFFF  }
0x5a: {  	_ =	shalt  }

// kernel: kernel.25.cloned.1.call-start
scs
__scs_entry_jumppad:
0x0: {  	(pc) =	sbr.rel $0x88, $3  }
0x1: {  	(tag) =	ssettag $0x0;
	lr =	simm.s32 $0x1  }
0x2: {  	[smem:$0x3F6B] =	sst lr;
	_ =	strace $0xD0000000  }
0x3: {  	_ = 	snop  }
0x4: {  	_ = 	snop  }
0x5: {  	_ = 	snop  }
0x6: {  	_ = 	snop  }
0x7: {  	_ = 	snop  }
__scs_overlays_trampoline_lowered:
0x8: {  	[smem:$0x3F7A] =	sst s0  }
0x9: {  	[smem:$0x3F7B] =	sst s1  }
0xa: {  	[smem:$0x3F7C] =	sst s2  }
0xb: {  	[smem:$0x3F7D] =	sst s3  }
0xc: {  	[smem:$0x3F7E] =	sst s4  }
0xd: {  	[smem:$0x3F7F] =	sst s5  }
0xe: {  	[smem:$0x3F80] =	sst s6  }
0xf: {  	[smem:$0x3F81] =	sst s7  }
0x10: {  	[smem:$0x3F82] =	sst s8  }
0x11: {  	[smem:$0x3F83] =	sst s9;
	s0 =	simm.s32 @!p0 $0x0  }
0x12: {  	s1 =	sld [smem:$0x3F69];
	s0 =	simm.s32 @p0 $0x1  }
0x13: {  	[smem:$0x3F84] =	sst s0;
	s0 =	simm.s32 @!p1 $0x0  }
0x14: {  	s2 =	sld [smem:$0x3F68];
	s0 =	simm.s32 @p1 $0x1  }
0x15: {  	[smem:$0x3F85] =	sst s0;
	s0 =	simm.s32 @!p2 $0x0  }
0x16: {  	s3 =	sld [smem:$0x3FDB];
	s0 =	simm.s32 @p2 $0x1  }
0x17: {  	s4 =	simm.s32 $0x1BF5;
	[smem:$0x3F87] =	sst s0  }
0x18: {  	s0 =	sld [smem:$0x3F6A];
	_ =	swait.ge [sflag:s4], $0x0  }
0x19: {  	s7 =	sld [smem:$0x3F6B]  }
0x1a: {  	s8 =	sadd.s32 $0xFFFFE003, lr  }
0x1b: {  	s9 =	sadd.s32 $0xFFFFFEF7, lr;
	s5 =	simm.s32 $0xFFFFFFFF;
	p2 =	slt.u32 s8, $0xFFFFF086  }
0x1c: {  	p1 =	slt.u32 s9, $0xF7A;
	s5 =	simm.s32 @!p2 $0x0  }
0x1d: {  	s5 =	simm.s32 @p1 $0x1;
	p0 =	seq.s32 s7, s2  }
0x1e: {  	s7 =	smul.u32 @!p0 $0xF7A, s2;
	p2 =	seq.s32 @!p0 s5, $0x0  }
0x1f: {  	s9 =	smul.u32 $0xF7A, s1;
	s8 =	simm.s32 @!p0 $0x1BF5;
	p2 =	por !p2, p0  }
0x20: {  	[sflag:s8] =	ssyncset.s32 @!p0 $0xFFFFF086;
	s6 =	sadd.s32 @!p0 s3, s7;
	s7 =	simm.s32 @!p0 $0x108  }
0x21: {  	s3 =	sadd.s32 s3, s9;
	s6 =	sadd.s32 @!p0 $0x88, s6;
	s7 =	simm.s32 @p2 $0x1082  }
0x22: {  	[simem:s7], [sflag:s8] =	dma.local @!p0 [hbm:s6], $0xF7A  }
0x23: {  	s9 =	sor.u32 $0xD0000000, s2;
	s6 =	simm.s32 $0x108;
	_ =	swait.ge @!p0 [sflag:s8], $0x0  }
0x24: {  	s3 =	sadd.s32 $0x88, s3;
	s6 =	simm.s32 @!p1 $0x1082;
	[sflag:s4] =	ssyncset.s32 $0xFFFFF086  }
0x25: {  	[simem:s6], [sflag:s4] =	dma.local [hbm:s3], $0xF7A  }
0x26: {  	[smem:$0x3F6B] =	sst s1;
	(tag) =	ssettag s2;
	_ =	strace s9  }
0x27: {  	s1 =	sld [smem:$0x3F7B]  }
0x28: {  	s2 =	sld [smem:$0x3F7C]  }
0x29: {  	s4 =	sld [smem:$0x3F7E]  }
0x2a: {  	p0 =	seq.s32 s5, $0x0;
	s5 =	sld [smem:$0x3F7F]  }
0x2b: {  	s6 =	sld [smem:$0x3F80]  }
0x2c: {  	s7 =	sld [smem:$0x3F81]  }
0x2d: {  	s3 =	simm.s32 $0x108;
	s8 =	sld [smem:$0x3F82]  }
0x2e: {  	s3 =	simm.s32 @!p0 $0x1082;
	s9 =	sld [smem:$0x3F83]  }
0x2f: {  	lr =	sadd.s32 s0, s3;
	s0 =	sld [smem:$0x3F7A]  }
0x30: {  	s3 =	sld [smem:$0x3F7D]  }
0x31: {  	[smem:$0x3F86] =	sst s10  }
0x32: {  	s10 =	sld [smem:$0x3F84];
	_ =	sdelay $0x3  }
0x33: {  	p0 =	seq.s32 s10, $0x1;
	s10 =	sld [smem:$0x3F86];
	_ =	sdelay $0x3  }
0x34: {  	[smem:$0x3F86] =	sst s10  }
0x35: {  	s10 =	sld [smem:$0x3F85];
	_ =	sdelay $0x3  }
0x36: {  	p1 =	seq.s32 s10, $0x1;
	s10 =	sld [smem:$0x3F86];
	_ =	sdelay $0x3  }
0x37: {  	[smem:$0x3F86] =	sst s10  }
0x38: {  	s10 =	sld [smem:$0x3F87]  }
0x39: {  	_ = 	snop;
	(pc) =	sbr.ind lr, $3  }
0x3a: {  	_ = 	snop  }
0x3b: {  	_ = 	snop  }
0x3c: {  	p2 =	seq.s32 s10, $0x1;
	s10 =	sld [smem:$0x3F86]  }
0x3d: {  	_ =	shalt  }
0x3e: {  	_ =	shalt  }
0x3f: {  	_ =	shalt  }
0x40: {  	_ =	shalt  }
0x41: {  	_ =	shalt  }
0x42: {  	_ =	shalt  }
0x43: {  	_ =	shalt  }
0x44: {  	_ =	shalt  }
0x45: {  	_ =	shalt  }
0x46: {  	_ =	shalt  }
0x47: {  	_ =	shalt  }
0x48: {  	_ =	shalt  }
0x49: {  	_ =	shalt  }
0x4a: {  	_ =	shalt  }
0x4b: {  	_ =	shalt  }
0x4c: {  	_ =	shalt  }
0x4d: {  	_ =	shalt  }
0x4e: {  	_ =	shalt  }
0x4f: {  	_ =	shalt  }
0x50: {  	_ =	shalt  }
0x51: {  	_ =	shalt  }
0x52: {  	_ =	shalt  }
0x53: {  	_ =	shalt  }
0x54: {  	_ =	shalt  }
0x55: {  	_ =	shalt  }
0x56: {  	_ =	shalt  }
0x57: {  	_ =	shalt  }
0x58: {  	_ =	shalt  }
0x59: {  	_ =	shalt  }
0x5a: {  	_ =	shalt  }
0x5b: {  	_ =	shalt  }
0x5c: {  	_ =	shalt  }
0x5d: {  	_ =	shalt  }
0x5e: {  	_ =	shalt  }
0x5f: {  	_ =	shalt  }
0x60: {  	_ =	shalt  }
0x61: {  	_ =	shalt  }
0x62: {  	_ =	shalt  }
0x63: {  	_ =	shalt  }
0x64: {  	_ =	shalt  }
0x65: {  	_ =	shalt  }
0x66: {  	_ =	shalt  }
0x67: {  	_ =	shalt  }
0x68: {  	_ =	shalt  }
0x69: {  	_ =	shalt  }
0x6a: {  	_ =	shalt  }
0x6b: {  	_ =	shalt  }
0x6c: {  	_ =	shalt  }
0x6d: {  	_ =	shalt  }
0x6e: {  	_ =	shalt  }
0x6f: {  	_ =	shalt  }
0x70: {  	_ =	shalt  }
0x71: {  	_ =	shalt  }
0x72: {  	_ =	shalt  }
0x73: {  	_ =	shalt  }
0x74: {  	_ =	shalt  }
0x75: {  	_ =	shalt  }
0x76: {  	_ =	shalt  }
0x77: {  	_ =	shalt  }
0x78: {  	_ =	shalt  }
0x79: {  	_ =	shalt  }
0x7a: {  	_ =	shalt  }
0x7b: {  	_ =	shalt  }
0x7c: {  	_ =	shalt  }
0x7d: {  	_ =	shalt  }
0x7e: {  	_ =	shalt  }
0x7f: {  	_ =	shalt  }
0x80: {  	_ =	shalt  }
0x81: {  	_ =	shalt  }
0x82: {  	_ =	shalt  }
0x83: {  	_ =	shalt  }
0x84: {  	_ =	shalt  }
0x85: {  	_ =	shalt  }
0x86: {  	_ =	shalt  }
0x87: {  	_ =	shalt  }
.Lfunc_end0:
.L_simem_size_0:
called_computation.3_lowered:
.L_overlay_start_0:
0x88: {  	s2 =	sld [smem:$0x3FD9]  }
0x89: {  	s3 =	sld [smem:$0x3FFE];
	_ =	sdelay $0x1  }
0x8a: {  	s1 =	srdreg.scid  }
0x8b: {  	s0 =	sand.u32 $0x1, s1  }
0x8c: {  	s17 =	sshll.u32 s0, $0xA;
	s2 =	sadd.s32 s3, s2  }
0x8d: {  	s2 =	sadd.s32 s2, s17  }
0x8e: {  	[smem:$0x3F92] =	sst s2  }
0x8f: {  	_ = 	snop  }
0x90: {  	s2 =	sld [smem:$0x3FD0];
	(tm) =	ssettm $0x1  }
0x91: {  	s18 =	sld [smem:$0x3FFB];
	_ =	sdelay $0x3  }
0x92: {  	_ =	strace s18  }
0x93: {  	s3 =	sld [smem:$0x3FFC];
	_ =	sdelay $0x3  }
0x94: {  	_ =	strace s3  }
0x95: {  	s3 =	sld [smem:$0x3FFD];
	_ =	sdelay $0x3  }
0x96: {  	_ =	strace s3  }
0x97: {  	_ =	strace $0x8FFFFFFF  }
0x98: {  	s19 =	sld [smem:$0x3FDB];
	_ =	sdelay $0x1  }
0x99: {  	s4 =	simm.s32 $_scs_section_size  }
0x9a: {  	s5 =	simm.s32 $_size__tile_overlayer_lowered;
	s6 =	simm.s32 $_tile_overlayer_lowered  }
0x9b: {  	s22 =	simm.s32 $0x1BFF;
	s21 =	sshll.u32 s6, $0x1;
	s3 =	sadd.s32 s4, s19  }
0x9c: {  	s7 =	simm.s32 $0x0;
	s20 =	sshll.u32 s5, $0x1;
	s5 =	sadd.s32 s21, s3  }
0x9d: {  	[timem:s7], [sflag:s22] =	dma.local [hbm:s5], s20  }
0x9e: {  	_ =	swait.ge [sflag:s22], s20  }
0x9f: {  	s4 =	ssub.s32 $0x0, s20;
	[sflag:s22] =	ssyncset.done $0x0  }
0xa0: {  	[sflag:s22] =	ssyncadd.s32 s4;
	_ =	sdelay $0x1  }
0xa1: {  	s23 =	simm.s32 $0x1B8B  }
0xa2: {  	_ =	swait.ge [sflag:s23], $0x1  }
0xa3: {  	[sflag:s23] =	ssyncset.done $0x0  }
0xa4: {  	s25 =	simm.s32 $0x1B8E;
	s24 =	sld [smem:$0x3FFE];
	[sflag:s23] =	ssyncadd.s32 $0xFFFFFFFF  }
0xa5: {  	s26 =	simm.s32 $execute0_lowered;
	[smem:$0x3FD2] =	sst s25  }
0xa6: {  	s5 =	sshll.u32 s26, $0x1;
	_ =	strace $0x8000004C;
	[dreg:$0x1] =	wrdreg $0xFFFFFFFF  }
0xa7: {  	s28 =	simm.s32 $_size_execute0_lowered;
	s3 =	sadd.s32 s3, s5;
	[dreg:$0x0] =	wrdreg $0x0  }
0xa8: {  	s5 =	sshll.u32 s28, $0x1;
	[dreg:$0x2] =	wrdreg s3  }
0xa9: {  	[dreg:$0x3] =	wrdreg s5  }
0xaa: {  	[dreg:$0x4] =	wrdreg $0xC0  }
0xab: {  	_ =	task [dreg:s7], $0x5FFFF  }
0xac: {  	[dreg:$0x1] =	wrdreg $0xFFFFFFFF  }
0xad: {  	[dreg:$0x0] =	wrdreg $0x60  }
0xae: {  	[dreg:$0x2] =	wrdreg s24  }
0xaf: {  	[dreg:$0x3] =	wrdreg s2  }
0xb0: {  	[dreg:$0x4] =	wrdreg $0x4E000  }
0xb1: {  	[dreg:$0x5] =	wrdreg $0xA  }
0xb2: {  	_ =	task.clear_ibuf [dreg:s7], $0x6FFFF;
	_ =	strace $0x9000004C  }
0xb3: {  	s29 =	simm.s32 $0xA;
	_ =	strace $0x8000004E  }
0xb4: {  	_ =	swait.ge [sflag:s29], $0x1  }
0xb5: {  	[sflag:s29] =	ssyncadd.s32 $0xFFFFFFFF  }
0xb6: {  	_ =	strace $0x9000004E  }
0xb7: {  	_ =	sfence  }
0xb8: {  	s30 =	sld [smem:$0x0];
	_ =	sdelay $0x2  }
0xb9: {  	s31 =	sshll.u32 s1, $0xD;
	s1 =	sshrl.u32 s1, $0x2  }
0xba: {  	s3 =	sand.u32 $0x4000, s31;
	s1 =	sadd.s32 s1, s30  }
0xbb: {  	s0 =	sor.u32 s3, s0;
	s1 =	sshll.u32 s1, $0x11  }
0xbc: {  	s0 =	sor.u32 s1, s0  }
0xbd: {  	s0 =	sadd.s32 $0x8F2B, s0  }
0xbe: {  	[sflag:s0] =	ssyncadd.remote.s32 $0x1  }
0xbf: {  	_ =	sfence.sel $0xFFFF  }
0xc0: {  	[dreg:$0x0] =	wrdreg $0xFFFFFFFF;
	(pc) =	sbr.abs _section_cstart, $3  }
0xc1: {  	[dreg:$0x1] =	wrdreg $0xFFFFFFFF  }
0xc2: {  	_ =	task.clear_ibuf [dreg:s7], $0x2FFFF;
	_ =	strace $0x9FFFFFFF  }
0xc3: {  	(tm) =	ssettm $0x7FFFFFFF  }
tec
execute0_lowered:
.L_overlay_start_1:
0x0: {  	(tag) =	ssettag $0x1  }
0x1: {  	s6 =	rddreg [dreg:$0x0]  }
0x2: {  	s10 =	rddreg [dreg:$0x1]  }
0x3: {  	s0 =	srdreg.scid;
	s2 =	rddreg [dreg:$0x2]  }
0x4: {  	s1 =	rddreg [dreg:$0x3];
	s7 =	sand.u32 $0x1, s0  }
0x5: {  	s0 =	stileid.u32;
	s4 =	smul.u32 $0x13980, s7  }
0x6: {  	s3 =	simm.s32 $0x0;
	s15 =	simm.s32 $0x200;
	s5 =	smul.u32 $0x1398, s0  }
0x7: {  	s16 =	simm.s32 $0x1;
	[smem:$0x7FF] =	sst s3;
	s8 =	smul.u32 $0x140000, s7  }
0x8: {  	s17 =	simm.s32 $0x0;
	s9 =	smul.u32 $0x14000, s0;
	_ =	strace $0x8000004D  }
0x9: {  	s29 =	smul.u32 $0x50000, s0;
	s7 =	ssub.s32 $0x2, s7;
	s31 =	sshll.u32 s0, $0x6  }
0xa: {  	s30 =	sshrl.u32 s7, $0x1;
	s5 =	sadd.s32 s5, s4;
	s4 =	sadd.s32 $0x1F600, s6  }
0xb: {  	s8 =	sadd.s32 s9, s8;
	s9 =	sshrl.u32 s29, $0x2;
	s13 =	ssub.s32 s7, s30  }
0xc: {  	s11 =	sshrl.u32 s5, $0x3;
	s5 =	sadd.s32 $0x46800, s6;
	s8 =	sshrl.u32 s8, $0x3  }
0xd: {  	s14 =	sadd.s32 s9, s2;
	s12 =	sadd.s32 s11, s6;
	s8 =	sadd.s32 s8, s6  }
0xe: {  	s6 =	sor.u32 $0x1C02, s31;
	s10 =	sadd.s32 s11, s10;
	s11 =	sshrl.u32 s14, $0x3  }
0xf: {  	s14 =	simm.s32 $0x98;
	s7 =	sadd.s32 $0x49000, s8;
	s8 =	smax.u32 s13, $0x1  }
0x10: {  	s9 =	sadd.s32 $0x99E00, s12;
	s12 =	simm.s32 $0x2;
	s13 =	simm.s32 $0x100  }
.LBB2_1:
0x11: {  	[spmem:s11], [sflag:s6] =	dma.local [hbm:s5], $0x2800  }
0x12: {  	_ =	swait.ge [sflag:s12], $0x2800  }
0x13: {  	[sflag:s12] =	ssyncset.done $0x0  }
0x14: {  	[sflag:s12] =	ssyncadd.s32 $0xFFFFD800  }
0x15: {  	s18 =	sadd.s32 $0x0, s10;
	[bflag:$0x0] =	sbarrier.arrive $0xFFFF  }
0x16: {  	[tilespmem:s3], [sflag:$0x2] =	stream.linear.gather [hbm4b:s18+s3], $0x98, $0x38;
	[tilespmem:$0x18E00] =	vst v63  }
0x17: {  	_ =	swait.ge [sflag:s12], $0x98  }
0x18: {  	[sflag:s12] =	ssyncset.done $0x0  }
0x19: {  	s31 =	sadd.s32 $0x0, s9;
	[sflag:s12] =	ssyncadd.s32 $0xFFFFFF68  }
0x1a: {  	[tilespmem:s13], [sflag:$0x2] =	stream.linear.gather [hbm4b:s31+s3], $0x98, $0x38;
	[tilespmem:$0x18E00] =	vst v63  }
0x1b: {  	_ =	swait.ge [sflag:s12], $0x98  }
0x1c: {  	[sflag:s12] =	ssyncset.done $0x0  }
0x1d: {  	[sflag:s12] =	ssyncadd.s32 $0xFFFFFF68  }
0x1e: {  	[tilespmem:s15], [sflag:$0x1] =	stream.indirect.gather [hbm4b:s4+s14], $0x80, s3, s14, $0xb8;
	[tilespmem:$0x18E00] =	vst v63  }
0x1f: {  	_ =	swait.ge [sflag:s16], $0x4C00  }
0x20: {  	[sflag:s16] =	ssyncset.done $0x0  }
0x21: {  	[sflag:s16] =	ssyncadd.s32 $0xFFFFB400  }
0x22: {  	[spmem:s2] =	stream.indirect.scatter.add.f32 [tilespmem:s15], [sflag:$0x2], $0x80, s13, s14, $0xb8;
	[tilespmem:$0x18E00] =	vst v63  }
0x23: {  	_ =	swait.ge [sflag:s12], $0x4C00  }
0x24: {  	s19 =	simm.s32 $0x26;
	s18 =	simm.s32 $0x13;
	[sflag:s12] =	ssyncset.done $0x0  }
.LBB2_2:
0x25: {  	s20 =	sadd.s32 s18, s10  }
0x26: {  	[sflag:s12] =	ssyncadd.s32 $0xFFFFB400;
	s21 =	smov.u32 s19;
	s22 =	sadd.s32 $0x13, s19  }
0x27: {  	[tilespmem:s3], [sflag:$0x2] =	stream.linear.gather [hbm4b:s20+s3], $0x98, $0x38;
	[tilespmem:$0x18E00] =	vst v63  }
0x28: {  	p0 =	sne.s32 s19, $0x260;
	_ =	swait.ge [sflag:s12], $0x98  }
0x29: {  	[sflag:s12] =	ssyncset.done $0x0  }
0x2a: {  	s19 =	sadd.s32 s18, s9;
	s18 =	smov.u32 s21;
	[sflag:s12] =	ssyncadd.s32 $0xFFFFFF68  }
0x2b: {  	[tilespmem:s13], [sflag:$0x2] =	stream.linear.gather [hbm4b:s19+s3], $0x98, $0x38;
	[tilespmem:$0x18E00] =	vst v63  }
0x2c: {  	_ =	swait.ge [sflag:s12], $0x98  }
0x2d: {  	[sflag:s12] =	ssyncset.done $0x0  }
0x2e: {  	[sflag:s12] =	ssyncadd.s32 $0xFFFFFF68  }
0x2f: {  	[tilespmem:s15], [sflag:$0x1] =	stream.indirect.gather [hbm4b:s4+s14], $0x80, s3, s14, $0xb8;
	[tilespmem:$0x18E00] =	vst v63  }
0x30: {  	_ =	swait.ge [sflag:s16], $0x4C00  }
.Ltmp0:
0x31: {  	[sflag:s16] =	ssyncset.done $0x0;
	(pc) =	sbr.rel @p0 .LBB2_2-.Ltmp0, $4  }
0x32: {  	[sflag:s16] =	ssyncadd.s32 $0xFFFFB400  }
0x33: {  	[spmem:s2] =	stream.indirect.scatter.add.f32 [tilespmem:s15], [sflag:$0x2], $0x80, s13, s14, $0xb8;
	[tilespmem:$0x18E00] =	vst v63  }
0x34: {  	_ =	swait.ge [sflag:s12], $0x4C00  }
0x35: {  	s19 =	smov.u32 s22;
	[sflag:s12] =	ssyncset.done $0x0  }
0x36: {  	s19 =	sadd.s32 s18, s10;
	[sflag:s12] =	ssyncadd.s32 $0xFFFFB400  }
0x37: {  	[tilespmem:s3], [sflag:$0x2] =	stream.linear.gather [hbm4b:s19+s3], $0x98, $0x38;
	[tilespmem:$0x18E00] =	vst v63  }
0x38: {  	_ =	swait.ge [sflag:s12], $0x98  }
0x39: {  	[sflag:s12] =	ssyncset.done $0x0  }
0x3a: {  	s31 =	sadd.s32 s18, s9;
	[sflag:s12] =	ssyncadd.s32 $0xFFFFFF68  }
0x3b: {  	[tilespmem:s13], [sflag:$0x2] =	stream.linear.gather [hbm4b:s31+s3], $0x98, $0x38;
	[tilespmem:$0x18E00] =	vst v63  }
0x3c: {  	_ =	swait.ge [sflag:s12], $0x98  }
0x3d: {  	[sflag:s12] =	ssyncset.done $0x0  }
0x3e: {  	[sflag:s12] =	ssyncadd.s32 $0xFFFFFF68  }
0x3f: {  	[tilespmem:s15], [sflag:$0x1] =	stream.indirect.gather [hbm4b:s4+s14], $0x80, s3, s14, $0xb8;
	[tilespmem:$0x18E00] =	vst v63  }
0x40: {  	_ =	swait.ge [sflag:s16], $0x4C00  }
0x41: {  	[sflag:s16] =	ssyncset.done $0x0  }
0x42: {  	[sflag:s16] =	ssyncadd.s32 $0xFFFFB400  }
0x43: {  	[spmem:s2] =	stream.indirect.scatter.add.f32 [tilespmem:s15], [sflag:$0x2], $0x80, s13, s14, $0xb8;
	[tilespmem:$0x18E00] =	vst v63  }
0x44: {  	_ =	swait.ge [sflag:s12], $0x4C00  }
0x45: {  	s17 =	sadd.s32 $0x1, s17;
	[sflag:s12] =	ssyncset.done $0x0  }
0x46: {  	p0 =	sne.s32 s17, s8;
	[sflag:s12] =	ssyncadd.s32 $0xFFFFB400  }
.Ltmp1:
0x47: {  	[bflag:$0x0] =	sbarrier.arrive $0xFFFF;
	(pc) =	sbr.rel @p0 .LBB2_1-.Ltmp1, $4  }
0x48: {  	[hbm:s7], [sflag:s6] =	dma.local [spmem:s11], $0x2800  }
0x49: {  	_ =	swait.ge [sflag:s12], $0x2800  }
0x4a: {  	[sflag:s12] =	ssyncset.done $0x0  }
0x4b: {  	[sflag:s12] =	ssyncadd.s32 $0xFFFFD800  }
0x4c: {  	_ =	sfence.sel $0x180000  }
0x4d: {  	[bflag:$0x0] =	sbarrier.arrive $0xFFFF  }
0x4e: {  	p0 =	sne.s32 s0, $0x0;
	_ =	strace $0x9000004D  }
0x4f: {  	s0 =	sadd.s32 @!p0 $0x100000, s1;
	[bflag:$0x2] =	sbarrier.arrive $0xFFFF  }
0x50: {  	[sflag:s0] =	ssyncadd.tile.s32 @!p0 $0x1;
	_ =	shalt  }
.Lfunc_end2:
_tile_overlayer_lowered:
.L_overlay_start_2:
0x51: {  	(tag) =	ssettag $0x2  }
0x52: {  	s0 =	rddreg [dreg:$0x0];
	s2 =	stileid.u32  }
0x53: {  	s1 =	rddreg [dreg:$0x1];
	p0 =	sne.s32 s2, $0x0  }
0x54: {  	s3 =	rddreg [dreg:$0x2];
	[bflag:$0x3] =	sbarrier.arrive $0xFFFF;
	s2 =	simm.s32 @!p0 $0x1C02  }
0x55: {  	[timem:s3], [sflag:s2] =	dma.local @!p0 [hbm:s0], s1  }
0x56: {  	s0 =	simm.s32 @!p0 $0x2  }
0x57: {  	_ =	swait.ge @!p0 [sflag:s0], s1  }
0x58: {  	s1 =	ssub.s32 @!p0 $0x0, s1;
	[sflag:s0] =	ssyncset.done @!p0 $0x0  }
0x59: {  	[sflag:s0] =	ssyncadd.s32 @!p0 s1  }
0x5a: {  	[bflag:$0x3] =	sbarrier.arrive $0xFFFF  }
0x5b: {  	_ =	shalt  }

// kernel: kernel.28.cloned.1.call-start
scs
__scs_entry_jumppad:
0x0: {  	(pc) =	sbr.rel $0x88, $3  }
0x1: {  	(tag) =	ssettag $0x0;
	lr =	simm.s32 $0x1  }
0x2: {  	[smem:$0x3F6B] =	sst lr;
	_ =	strace $0xD0000000  }
0x3: {  	_ = 	snop  }
0x4: {  	_ = 	snop  }
0x5: {  	_ = 	snop  }
0x6: {  	_ = 	snop  }
0x7: {  	_ = 	snop  }
__scs_overlays_trampoline_lowered:
0x8: {  	[smem:$0x3F7A] =	sst s0  }
0x9: {  	[smem:$0x3F7B] =	sst s1  }
0xa: {  	[smem:$0x3F7C] =	sst s2  }
0xb: {  	[smem:$0x3F7D] =	sst s3  }
0xc: {  	[smem:$0x3F7E] =	sst s4  }
0xd: {  	[smem:$0x3F7F] =	sst s5  }
0xe: {  	[smem:$0x3F80] =	sst s6  }
0xf: {  	[smem:$0x3F81] =	sst s7  }
0x10: {  	[smem:$0x3F82] =	sst s8  }
0x11: {  	[smem:$0x3F83] =	sst s9;
	s0 =	simm.s32 @!p0 $0x0  }
0x12: {  	s1 =	sld [smem:$0x3F69];
	s0 =	simm.s32 @p0 $0x1  }
0x13: {  	[smem:$0x3F84] =	sst s0;
	s0 =	simm.s32 @!p1 $0x0  }
0x14: {  	s2 =	sld [smem:$0x3F68];
	s0 =	simm.s32 @p1 $0x1  }
0x15: {  	[smem:$0x3F85] =	sst s0;
	s0 =	simm.s32 @!p2 $0x0  }
0x16: {  	s3 =	sld [smem:$0x3FDB];
	s0 =	simm.s32 @p2 $0x1  }
0x17: {  	s4 =	simm.s32 $0x1BF5;
	[smem:$0x3F87] =	sst s0  }
0x18: {  	s0 =	sld [smem:$0x3F6A];
	_ =	swait.ge [sflag:s4], $0x0  }
0x19: {  	s7 =	sld [smem:$0x3F6B]  }
0x1a: {  	s8 =	sadd.s32 $0xFFFFE003, lr  }
0x1b: {  	s9 =	sadd.s32 $0xFFFFFEF7, lr;
	s5 =	simm.s32 $0xFFFFFFFF;
	p2 =	slt.u32 s8, $0xFFFFF086  }
0x1c: {  	p1 =	slt.u32 s9, $0xF7A;
	s5 =	simm.s32 @!p2 $0x0  }
0x1d: {  	s5 =	simm.s32 @p1 $0x1;
	p0 =	seq.s32 s7, s2  }
0x1e: {  	s7 =	smul.u32 @!p0 $0xF7A, s2;
	p2 =	seq.s32 @!p0 s5, $0x0  }
0x1f: {  	s9 =	smul.u32 $0xF7A, s1;
	s8 =	simm.s32 @!p0 $0x1BF5;
	p2 =	por !p2, p0  }
0x20: {  	[sflag:s8] =	ssyncset.s32 @!p0 $0xFFFFF086;
	s6 =	sadd.s32 @!p0 s3, s7;
	s7 =	simm.s32 @!p0 $0x108  }
0x21: {  	s3 =	sadd.s32 s3, s9;
	s6 =	sadd.s32 @!p0 $0x88, s6;
	s7 =	simm.s32 @p2 $0x1082  }
0x22: {  	[simem:s7], [sflag:s8] =	dma.local @!p0 [hbm:s6], $0xF7A  }
0x23: {  	s9 =	sor.u32 $0xD0000000, s2;
	s6 =	simm.s32 $0x108;
	_ =	swait.ge @!p0 [sflag:s8], $0x0  }
0x24: {  	s3 =	sadd.s32 $0x88, s3;
	s6 =	simm.s32 @!p1 $0x1082;
	[sflag:s4] =	ssyncset.s32 $0xFFFFF086  }
0x25: {  	[simem:s6], [sflag:s4] =	dma.local [hbm:s3], $0xF7A  }
0x26: {  	[smem:$0x3F6B] =	sst s1;
	(tag) =	ssettag s2;
	_ =	strace s9  }
0x27: {  	s1 =	sld [smem:$0x3F7B]  }
0x28: {  	s2 =	sld [smem:$0x3F7C]  }
0x29: {  	s4 =	sld [smem:$0x3F7E]  }
0x2a: {  	p0 =	seq.s32 s5, $0x0;
	s5 =	sld [smem:$0x3F7F]  }
0x2b: {  	s6 =	sld [smem:$0x3F80]  }
0x2c: {  	s7 =	sld [smem:$0x3F81]  }
0x2d: {  	s3 =	simm.s32 $0x108;
	s8 =	sld [smem:$0x3F82]  }
0x2e: {  	s3 =	simm.s32 @!p0 $0x1082;
	s9 =	sld [smem:$0x3F83]  }
0x2f: {  	lr =	sadd.s32 s0, s3;
	s0 =	sld [smem:$0x3F7A]  }
0x30: {  	s3 =	sld [smem:$0x3F7D]  }
0x31: {  	[smem:$0x3F86] =	sst s10  }
0x32: {  	s10 =	sld [smem:$0x3F84];
	_ =	sdelay $0x3  }
0x33: {  	p0 =	seq.s32 s10, $0x1;
	s10 =	sld [smem:$0x3F86];
	_ =	sdelay $0x3  }
0x34: {  	[smem:$0x3F86] =	sst s10  }
0x35: {  	s10 =	sld [smem:$0x3F85];
	_ =	sdelay $0x3  }
0x36: {  	p1 =	seq.s32 s10, $0x1;
	s10 =	sld [smem:$0x3F86];
	_ =	sdelay $0x3  }
0x37: {  	[smem:$0x3F86] =	sst s10  }
0x38: {  	s10 =	sld [smem:$0x3F87]  }
0x39: {  	_ = 	snop;
	(pc) =	sbr.ind lr, $3  }
0x3a: {  	_ = 	snop  }
0x3b: {  	_ = 	snop  }
0x3c: {  	p2 =	seq.s32 s10, $0x1;
	s10 =	sld [smem:$0x3F86]  }
0x3d: {  	_ =	shalt  }
0x3e: {  	_ =	shalt  }
0x3f: {  	_ =	shalt  }
0x40: {  	_ =	shalt  }
0x41: {  	_ =	shalt  }
0x42: {  	_ =	shalt  }
0x43: {  	_ =	shalt  }
0x44: {  	_ =	shalt  }
0x45: {  	_ =	shalt  }
0x46: {  	_ =	shalt  }
0x47: {  	_ =	shalt  }
0x48: {  	_ =	shalt  }
0x49: {  	_ =	shalt  }
0x4a: {  	_ =	shalt  }
0x4b: {  	_ =	shalt  }
0x4c: {  	_ =	shalt  }
0x4d: {  	_ =	shalt  }
0x4e: {  	_ =	shalt  }
0x4f: {  	_ =	shalt  }
0x50: {  	_ =	shalt  }
0x51: {  	_ =	shalt  }
0x52: {  	_ =	shalt  }
0x53: {  	_ =	shalt  }
0x54: {  	_ =	shalt  }
0x55: {  	_ =	shalt  }
0x56: {  	_ =	shalt  }
0x57: {  	_ =	shalt  }
0x58: {  	_ =	shalt  }
0x59: {  	_ =	shalt  }
0x5a: {  	_ =	shalt  }
0x5b: {  	_ =	shalt  }
0x5c: {  	_ =	shalt  }
0x5d: {  	_ =	shalt  }
0x5e: {  	_ =	shalt  }
0x5f: {  	_ =	shalt  }
0x60: {  	_ =	shalt  }
0x61: {  	_ =	shalt  }
0x62: {  	_ =	shalt  }
0x63: {  	_ =	shalt  }
0x64: {  	_ =	shalt  }
0x65: {  	_ =	shalt  }
0x66: {  	_ =	shalt  }
0x67: {  	_ =	shalt  }
0x68: {  	_ =	shalt  }
0x69: {  	_ =	shalt  }
0x6a: {  	_ =	shalt  }
0x6b: {  	_ =	shalt  }
0x6c: {  	_ =	shalt  }
0x6d: {  	_ =	shalt  }
0x6e: {  	_ =	shalt  }
0x6f: {  	_ =	shalt  }
0x70: {  	_ =	shalt  }
0x71: {  	_ =	shalt  }
0x72: {  	_ =	shalt  }
0x73: {  	_ =	shalt  }
0x74: {  	_ =	shalt  }
0x75: {  	_ =	shalt  }
0x76: {  	_ =	shalt  }
0x77: {  	_ =	shalt  }
0x78: {  	_ =	shalt  }
0x79: {  	_ =	shalt  }
0x7a: {  	_ =	shalt  }
0x7b: {  	_ =	shalt  }
0x7c: {  	_ =	shalt  }
0x7d: {  	_ =	shalt  }
0x7e: {  	_ =	shalt  }
0x7f: {  	_ =	shalt  }
0x80: {  	_ =	shalt  }
0x81: {  	_ =	shalt  }
0x82: {  	_ =	shalt  }
0x83: {  	_ =	shalt  }
0x84: {  	_ =	shalt  }
0x85: {  	_ =	shalt  }
0x86: {  	_ =	shalt  }
0x87: {  	_ =	shalt  }
.Lfunc_end0:
.L_simem_size_0:
called_computation.4_lowered:
.L_overlay_start_0:
0x88: {  	s2 =	sld [smem:$0x3FD9]  }
0x89: {  	s3 =	sld [smem:$0x3FFE];
	_ =	sdelay $0x1  }
0x8a: {  	s1 =	srdreg.scid  }
0x8b: {  	s0 =	sand.u32 $0x1, s1  }
0x8c: {  	s17 =	sshll.u32 s0, $0xA;
	s2 =	sadd.s32 s3, s2  }
0x8d: {  	s2 =	sadd.s32 s2, s17  }
0x8e: {  	[smem:$0x3F92] =	sst s2  }
0x8f: {  	_ = 	snop  }
0x90: {  	(tm) =	ssettm $0x1  }
0x91: {  	s18 =	sld [smem:$0x3FFB];
	_ =	sdelay $0x3  }
0x92: {  	_ =	strace s18  }
0x93: {  	s2 =	sld [smem:$0x3FFC];
	_ =	sdelay $0x3  }
0x94: {  	_ =	strace s2  }
0x95: {  	s2 =	sld [smem:$0x3FFD];
	_ =	sdelay $0x3  }
0x96: {  	_ =	strace s2  }
0x97: {  	_ =	strace $0x8FFFFFFF  }
0x98: {  	s19 =	sld [smem:$0x3FDB];
	_ =	sdelay $0x1  }
0x99: {  	s20 =	simm.s32 $_scs_section_size  }
0x9a: {  	s4 =	simm.s32 $_size__tile_overlayer_lowered;
	s5 =	simm.s32 $_tile_overlayer_lowered  }
0x9b: {  	s6 =	simm.s32 $0x1BFF;
	s21 =	sshll.u32 s5, $0x1;
	s3 =	sadd.s32 s20, s19  }
0x9c: {  	s22 =	simm.s32 $0x0;
	s4 =	sshll.u32 s4, $0x1;
	s5 =	sadd.s32 s21, s3  }
0x9d: {  	[timem:s22], [sflag:s6] =	dma.local [hbm:s5], s4  }
0x9e: {  	_ =	swait.ge [sflag:s6], s4  }
0x9f: {  	s4 =	ssub.s32 $0x0, s4;
	[sflag:s6] =	ssyncset.done $0x0  }
0xa0: {  	[sflag:s6] =	ssyncadd.s32 s4;
	_ =	sdelay $0x1  }
0xa1: {  	s23 =	simm.s32 $0x1B8B  }
0xa2: {  	_ =	swait.ge [sflag:s23], $0x1  }
0xa3: {  	[sflag:s23] =	ssyncset.done $0x0  }
0xa4: {  	[sflag:s23] =	ssyncadd.s32 $0xFFFFFFFF  }
0xa5: {  	s4 =	sld [smem:$0x0]  }
0xa6: {  	s5 =	sand.u32 $0xFFFFFFFE, s1  }
0xa7: {  	p0 =	sne.s32 s1, s5  }
0xa8: {  	s5 =	sshll.u32 @p0 s5, $0xE  }
0xa9: {  	s5 =	sadd.s32 @p0 $0x11B8D, s5;
	s6 =	sshll.u32 @p0 s4, $0x11  }
0xaa: {  	s5 =	sor.u32 @p0 s6, s5  }
0xab: {  	[sflag:s5] =	ssyncadd.remote.s32 @p0 $0x1;
	_ =	sdelay $0x1  }
0xac: {  	s5 =	simm.s32 @p0 $0x1B8D  }
0xad: {  	_ =	swait.eq @p0 [sflag:s5], $0x1  }
0xae: {  	[sflag:s5] =	ssyncadd.s32 @p0 $0xFFFFFFFF  }
0xaf: {  	s6 =	sshll.u32 @!p0 s1, $0xE  }
0xb0: {  	s6 =	sor.u32 @!p0 $0x4000, s6;
	s5 =	simm.s32 @!p0 $0x1B8D  }
0xb1: {  	s4 =	sshll.u32 @!p0 s4, $0x11;
	s6 =	sadd.s32 @!p0 $0x11B8D, s6;
	_ =	swait.eq @!p0 [sflag:s5], $0x1  }
0xb2: {  	s4 =	sor.u32 @!p0 s4, s6;
	[sflag:s5] =	ssyncadd.s32 @!p0 $0xFFFFFFFF  }
0xb3: {  	s25 =	simm.s32 $0x1B8E;
	s24 =	sld [smem:$0x3FFE];
	[sflag:s4] =	ssyncadd.remote.s32 @!p0 $0x1  }
0xb4: {  	s26 =	simm.s32 $execute0_lowered;
	[smem:$0x3FD2] =	sst s25  }
0xb5: {  	s5 =	sshll.u32 s26, $0x1;
	_ =	strace $0x80000055;
	[dreg:$0x1] =	wrdreg $0xFFFFFFFF  }
0xb6: {  	s28 =	simm.s32 $_size_execute0_lowered;
	s3 =	sadd.s32 s3, s5;
	[dreg:$0x0] =	wrdreg $0x0  }
0xb7: {  	s5 =	sshll.u32 s28, $0x1;
	[dreg:$0x2] =	wrdreg s3  }
0xb8: {  	[dreg:$0x3] =	wrdreg s5  }
0xb9: {  	[dreg:$0x4] =	wrdreg $0xC0  }
0xba: {  	_ =	task [dreg:s22], $0x5FFFF  }
0xbb: {  	[dreg:$0x1] =	wrdreg $0xFFFFFFFF  }
0xbc: {  	[dreg:$0x0] =	wrdreg $0x60  }
0xbd: {  	[dreg:$0x2] =	wrdreg s24  }
0xbe: {  	[dreg:$0x3] =	wrdreg $0x4E000  }
0xbf: {  	[dreg:$0x4] =	wrdreg $0x9  }
0xc0: {  	_ =	task.clear_ibuf [dreg:s22], $0x5FFFF;
	_ =	strace $0x90000055  }
0xc1: {  	s29 =	simm.s32 $0x9;
	_ =	strace $0x80000057  }
0xc2: {  	_ =	swait.ge [sflag:s29], $0x1  }
0xc3: {  	[sflag:s29] =	ssyncadd.s32 $0xFFFFFFFF  }
0xc4: {  	_ =	strace $0x90000057  }
0xc5: {  	_ =	sfence  }
0xc6: {  	s30 =	sld [smem:$0x0];
	_ =	sdelay $0x2  }
0xc7: {  	s31 =	sshll.u32 s1, $0xD;
	s1 =	sshrl.u32 s1, $0x2  }
0xc8: {  	s4 =	sand.u32 $0x4000, s31;
	s1 =	sadd.s32 s1, s30  }
0xc9: {  	s0 =	sor.u32 s4, s0;
	s1 =	sshll.u32 s1, $0x11  }
0xca: {  	s0 =	sor.u32 s1, s0  }
0xcb: {  	s0 =	sadd.s32 $0x8F2B, s0  }
0xcc: {  	[sflag:s0] =	ssyncadd.remote.s32 $0x1  }
0xcd: {  	_ =	sfence.sel $0xFFFF  }
0xce: {  	[dreg:$0x0] =	wrdreg $0xFFFFFFFF;
	(pc) =	sbr.abs _section_cstart, $3  }
0xcf: {  	[dreg:$0x1] =	wrdreg $0xFFFFFFFF  }
0xd0: {  	_ =	task.clear_ibuf [dreg:s22], $0x2FFFF;
	_ =	strace $0x9FFFFFFF  }
0xd1: {  	(tm) =	ssettm $0x7FFFFFFF  }
tec
execute0_lowered:
.L_overlay_start_1:
0x0: {  	(tag) =	ssettag $0x1  }
0x1: {  	s6 =	rddreg [dreg:$0x0]  }
0x2: {  	s2 =	rddreg [dreg:$0x1]  }
0x3: {  	s0 =	srdreg.scid;
	s1 =	rddreg [dreg:$0x2]  }
0x4: {  	s3 =	simm.s32 $0x0;
	s13 =	simm.s32 $0x100;
	s7 =	sand.u32 $0x1, s0  }
0x5: {  	s14 =	simm.s32 $0x98;
	s0 =	stileid.u32;
	s4 =	smul.u32 $0x27300, s7  }
0x6: {  	s15 =	simm.s32 $0x200;
	s16 =	simm.s32 $0x1;
	s5 =	smul.u32 $0x2730, s0  }
0x7: {  	s17 =	simm.s32 $0x0;
	[smem:$0x7FF] =	sst s3;
	s8 =	smul.u32 $0x140000, s7  }
0x8: {  	s9 =	smul.u32 $0x14000, s0;
	_ =	strace $0x80000056;
	s7 =	ssub.s32 $0x2, s7  }
0x9: {  	s29 =	smul.u32 $0x50000, s0;
	s31 =	sshll.u32 s0, $0x6;
	s30 =	sshrl.u32 s7, $0x1  }
0xa: {  	s5 =	sadd.s32 s5, s4;
	s4 =	sadd.s32 $0x9EE00, s6;
	s8 =	sadd.s32 s9, s8  }
0xb: {  	s9 =	sshrl.u32 s29, $0x2;
	s11 =	ssub.s32 s7, s30;
	s5 =	sshrl.u32 s5, $0x3  }
0xc: {  	s8 =	sshrl.u32 s8, $0x3;
	s12 =	sadd.s32 s9, s2;
	s10 =	sadd.s32 s5, s6  }
0xd: {  	s5 =	sadd.s32 $0x46800, s6;
	s8 =	sadd.s32 s8, s6;
	s6 =	sor.u32 $0x1C02, s31  }
0xe: {  	s7 =	sadd.s32 $0x18F800, s8;
	s8 =	smax.u32 s11, $0x1;
	s9 =	sadd.s32 $0x15800, s10  }
0xf: {  	s10 =	sadd.s32 $0xBA00, s10;
	s11 =	sshrl.u32 s12, $0x3;
	s12 =	simm.s32 $0x2  }
.LBB2_1:
0x10: {  	[spmem:s11], [sflag:s6] =	dma.local [hbm:s5], $0x2800  }
0x11: {  	_ =	swait.ge [sflag:s12], $0x2800  }
0x12: {  	[sflag:s12] =	ssyncset.done $0x0  }
0x13: {  	[sflag:s12] =	ssyncadd.s32 $0xFFFFD800  }
0x14: {  	s18 =	sadd.s32 $0x0, s10;
	[bflag:$0x0] =	sbarrier.arrive $0xFFFF  }
0x15: {  	[tilespmem:s3], [sflag:$0x2] =	stream.linear.gather [hbm4b:s18+s3], $0x98, $0x38;
	[tilespmem:$0x18E00] =	vst v63  }
0x16: {  	_ =	swait.ge [sflag:s12], $0x98  }
0x17: {  	[sflag:s12] =	ssyncset.done $0x0  }
0x18: {  	s31 =	sadd.s32 $0x0, s9;
	[sflag:s12] =	ssyncadd.s32 $0xFFFFFF68  }
0x19: {  	[tilespmem:s13], [sflag:$0x2] =	stream.linear.gather [hbm4b:s31+s3], $0x98, $0x38;
	[tilespmem:$0x18E00] =	vst v63  }
0x1a: {  	_ =	swait.ge [sflag:s12], $0x98  }
0x1b: {  	[sflag:s12] =	ssyncset.done $0x0  }
0x1c: {  	[sflag:s12] =	ssyncadd.s32 $0xFFFFFF68  }
0x1d: {  	[tilespmem:s15], [sflag:$0x1] =	stream.indirect.gather [hbm4b:s4+s14], $0x80, s3, s14, $0xb8;
	[tilespmem:$0x18E00] =	vst v63  }
0x1e: {  	_ =	swait.ge [sflag:s16], $0x4C00  }
0x1f: {  	[sflag:s16] =	ssyncset.done $0x0  }
0x20: {  	[sflag:s16] =	ssyncadd.s32 $0xFFFFB400  }
0x21: {  	[spmem:s2] =	stream.indirect.scatter.add.f32 [tilespmem:s15], [sflag:$0x2], $0x80, s13, s14, $0xb8;
	[tilespmem:$0x18E00] =	vst v63  }
0x22: {  	_ =	swait.ge [sflag:s12], $0x4C00  }
0x23: {  	s19 =	simm.s32 $0x26;
	s18 =	simm.s32 $0x13;
	[sflag:s12] =	ssyncset.done $0x0  }
.LBB2_2:
0x24: {  	s20 =	sadd.s32 s18, s10  }
0x25: {  	[sflag:s12] =	ssyncadd.s32 $0xFFFFB400;
	s21 =	smov.u32 s19;
	s22 =	sadd.s32 $0x13, s19  }
0x26: {  	[tilespmem:s3], [sflag:$0x2] =	stream.linear.gather [hbm4b:s20+s3], $0x98, $0x38;
	[tilespmem:$0x18E00] =	vst v63  }
0x27: {  	p0 =	sne.s32 s19, $0x4D3;
	_ =	swait.ge [sflag:s12], $0x98  }
0x28: {  	[sflag:s12] =	ssyncset.done $0x0  }
0x29: {  	s19 =	sadd.s32 s18, s9;
	s18 =	smov.u32 s21;
	[sflag:s12] =	ssyncadd.s32 $0xFFFFFF68  }
0x2a: {  	[tilespmem:s13], [sflag:$0x2] =	stream.linear.gather [hbm4b:s19+s3], $0x98, $0x38;
	[tilespmem:$0x18E00] =	vst v63  }
0x2b: {  	_ =	swait.ge [sflag:s12], $0x98  }
0x2c: {  	[sflag:s12] =	ssyncset.done $0x0  }
0x2d: {  	[sflag:s12] =	ssyncadd.s32 $0xFFFFFF68  }
0x2e: {  	[tilespmem:s15], [sflag:$0x1] =	stream.indirect.gather [hbm4b:s4+s14], $0x80, s3, s14, $0xb8;
	[tilespmem:$0x18E00] =	vst v63  }
0x2f: {  	_ =	swait.ge [sflag:s16], $0x4C00  }
.Ltmp0:
0x30: {  	[sflag:s16] =	ssyncset.done $0x0;
	(pc) =	sbr.rel @p0 .LBB2_2-.Ltmp0, $4  }
0x31: {  	[sflag:s16] =	ssyncadd.s32 $0xFFFFB400  }
0x32: {  	[spmem:s2] =	stream.indirect.scatter.add.f32 [tilespmem:s15], [sflag:$0x2], $0x80, s13, s14, $0xb8;
	[tilespmem:$0x18E00] =	vst v63  }
0x33: {  	_ =	swait.ge [sflag:s12], $0x4C00  }
0x34: {  	s19 =	smov.u32 s22;
	[sflag:s12] =	ssyncset.done $0x0  }
0x35: {  	s19 =	sadd.s32 s18, s10;
	[sflag:s12] =	ssyncadd.s32 $0xFFFFB400  }
0x36: {  	[tilespmem:s3], [sflag:$0x2] =	stream.linear.gather [hbm4b:s19+s3], $0x98, $0x38;
	[tilespmem:$0x18E00] =	vst v63  }
0x37: {  	_ =	swait.ge [sflag:s12], $0x98  }
0x38: {  	[sflag:s12] =	ssyncset.done $0x0  }
0x39: {  	s31 =	sadd.s32 s18, s9;
	[sflag:s12] =	ssyncadd.s32 $0xFFFFFF68  }
0x3a: {  	[tilespmem:s13], [sflag:$0x2] =	stream.linear.gather [hbm4b:s31+s3], $0x98, $0x38;
	[tilespmem:$0x18E00] =	vst v63  }
0x3b: {  	_ =	swait.ge [sflag:s12], $0x98  }
0x3c: {  	[sflag:s12] =	ssyncset.done $0x0  }
0x3d: {  	[sflag:s12] =	ssyncadd.s32 $0xFFFFFF68  }
0x3e: {  	[tilespmem:s15], [sflag:$0x1] =	stream.indirect.gather [hbm4b:s4+s14], $0x80, s3, s14, $0xb8;
	[tilespmem:$0x18E00] =	vst v63  }
0x3f: {  	_ =	swait.ge [sflag:s16], $0x4C00  }
0x40: {  	[sflag:s16] =	ssyncset.done $0x0  }
0x41: {  	[sflag:s16] =	ssyncadd.s32 $0xFFFFB400  }
0x42: {  	[spmem:s2] =	stream.indirect.scatter.add.f32 [tilespmem:s15], [sflag:$0x2], $0x80, s13, s14, $0xb8;
	[tilespmem:$0x18E00] =	vst v63  }
0x43: {  	_ =	swait.ge [sflag:s12], $0x4C00  }
0x44: {  	s17 =	sadd.s32 $0x1, s17;
	[sflag:s12] =	ssyncset.done $0x0  }
0x45: {  	p0 =	sne.s32 s17, s8;
	[sflag:s12] =	ssyncadd.s32 $0xFFFFB400  }
.Ltmp1:
0x46: {  	[bflag:$0x0] =	sbarrier.arrive $0xFFFF;
	(pc) =	sbr.rel @p0 .LBB2_1-.Ltmp1, $4  }
0x47: {  	[hbm:s7], [sflag:s6] =	dma.local [spmem:s11], $0x2800  }
0x48: {  	_ =	swait.ge [sflag:s12], $0x2800  }
0x49: {  	[sflag:s12] =	ssyncset.done $0x0  }
0x4a: {  	[sflag:s12] =	ssyncadd.s32 $0xFFFFD800  }
0x4b: {  	_ =	sfence.sel $0x180000  }
0x4c: {  	[bflag:$0x0] =	sbarrier.arrive $0xFFFF  }
0x4d: {  	p0 =	sne.s32 s0, $0x0;
	_ =	strace $0x90000056  }
0x4e: {  	s0 =	sadd.s32 @!p0 $0x100000, s1;
	[bflag:$0x2] =	sbarrier.arrive $0xFFFF  }
0x4f: {  	[sflag:s0] =	ssyncadd.tile.s32 @!p0 $0x1;
	_ =	shalt  }
.Lfunc_end2:
_tile_overlayer_lowered:
.L_overlay_start_2:
0x50: {  	(tag) =	ssettag $0x2  }
0x51: {  	s0 =	rddreg [dreg:$0x0];
	s2 =	stileid.u32  }
0x52: {  	s1 =	rddreg [dreg:$0x1];
	p0 =	sne.s32 s2, $0x0  }
0x53: {  	s3 =	rddreg [dreg:$0x2];
	[bflag:$0x3] =	sbarrier.arrive $0xFFFF;
	s2 =	simm.s32 @!p0 $0x1C02  }
0x54: {  	[timem:s3], [sflag:s2] =	dma.local @!p0 [hbm:s0], s1  }
0x55: {  	s0 =	simm.s32 @!p0 $0x2  }
0x56: {  	_ =	swait.ge @!p0 [sflag:s0], s1  }
0x57: {  	s1 =	ssub.s32 @!p0 $0x0, s1;
	[sflag:s0] =	ssyncset.done @!p0 $0x0  }
0x58: {  	[sflag:s0] =	ssyncadd.s32 @!p0 s1  }
0x59: {  	[bflag:$0x3] =	sbarrier.arrive $0xFFFF  }
0x5a: {  	_ =	shalt  }

// kernel: kernel.31.cloned.1.call-start
scs
__scs_entry_jumppad:
0x0: {  	(pc) =	sbr.rel $0x88, $3  }
0x1: {  	(tag) =	ssettag $0x0;
	lr =	simm.s32 $0x1  }
0x2: {  	[smem:$0x3F6B] =	sst lr;
	_ =	strace $0xD0000000  }
0x3: {  	_ = 	snop  }
0x4: {  	_ = 	snop  }
0x5: {  	_ = 	snop  }
0x6: {  	_ = 	snop  }
0x7: {  	_ = 	snop  }
__scs_overlays_trampoline_lowered:
0x8: {  	[smem:$0x3F7A] =	sst s0  }
0x9: {  	[smem:$0x3F7B] =	sst s1  }
0xa: {  	[smem:$0x3F7C] =	sst s2  }
0xb: {  	[smem:$0x3F7D] =	sst s3  }
0xc: {  	[smem:$0x3F7E] =	sst s4  }
0xd: {  	[smem:$0x3F7F] =	sst s5  }
0xe: {  	[smem:$0x3F80] =	sst s6  }
0xf: {  	[smem:$0x3F81] =	sst s7  }
0x10: {  	[smem:$0x3F82] =	sst s8  }
0x11: {  	[smem:$0x3F83] =	sst s9;
	s0 =	simm.s32 @!p0 $0x0  }
0x12: {  	s1 =	sld [smem:$0x3F69];
	s0 =	simm.s32 @p0 $0x1  }
0x13: {  	[smem:$0x3F84] =	sst s0;
	s0 =	simm.s32 @!p1 $0x0  }
0x14: {  	s2 =	sld [smem:$0x3F68];
	s0 =	simm.s32 @p1 $0x1  }
0x15: {  	[smem:$0x3F85] =	sst s0;
	s0 =	simm.s32 @!p2 $0x0  }
0x16: {  	s3 =	sld [smem:$0x3FDB];
	s0 =	simm.s32 @p2 $0x1  }
0x17: {  	s4 =	simm.s32 $0x1BF5;
	[smem:$0x3F87] =	sst s0  }
0x18: {  	s0 =	sld [smem:$0x3F6A];
	_ =	swait.ge [sflag:s4], $0x0  }
0x19: {  	s7 =	sld [smem:$0x3F6B]  }
0x1a: {  	s8 =	sadd.s32 $0xFFFFE003, lr  }
0x1b: {  	s9 =	sadd.s32 $0xFFFFFEF7, lr;
	s5 =	simm.s32 $0xFFFFFFFF;
	p2 =	slt.u32 s8, $0xFFFFF086  }
0x1c: {  	p1 =	slt.u32 s9, $0xF7A;
	s5 =	simm.s32 @!p2 $0x0  }
0x1d: {  	s5 =	simm.s32 @p1 $0x1;
	p0 =	seq.s32 s7, s2  }
0x1e: {  	s7 =	smul.u32 @!p0 $0xF7A, s2;
	p2 =	seq.s32 @!p0 s5, $0x0  }
0x1f: {  	s9 =	smul.u32 $0xF7A, s1;
	s8 =	simm.s32 @!p0 $0x1BF5;
	p2 =	por !p2, p0  }
0x20: {  	[sflag:s8] =	ssyncset.s32 @!p0 $0xFFFFF086;
	s6 =	sadd.s32 @!p0 s3, s7;
	s7 =	simm.s32 @!p0 $0x108  }
0x21: {  	s3 =	sadd.s32 s3, s9;
	s6 =	sadd.s32 @!p0 $0x88, s6;
	s7 =	simm.s32 @p2 $0x1082  }
0x22: {  	[simem:s7], [sflag:s8] =	dma.local @!p0 [hbm:s6], $0xF7A  }
0x23: {  	s9 =	sor.u32 $0xD0000000, s2;
	s6 =	simm.s32 $0x108;
	_ =	swait.ge @!p0 [sflag:s8], $0x0  }
0x24: {  	s3 =	sadd.s32 $0x88, s3;
	s6 =	simm.s32 @!p1 $0x1082;
	[sflag:s4] =	ssyncset.s32 $0xFFFFF086  }
0x25: {  	[simem:s6], [sflag:s4] =	dma.local [hbm:s3], $0xF7A  }
0x26: {  	[smem:$0x3F6B] =	sst s1;
	(tag) =	ssettag s2;
	_ =	strace s9  }
0x27: {  	s1 =	sld [smem:$0x3F7B]  }
0x28: {  	s2 =	sld [smem:$0x3F7C]  }
0x29: {  	s4 =	sld [smem:$0x3F7E]  }
0x2a: {  	p0 =	seq.s32 s5, $0x0;
	s5 =	sld [smem:$0x3F7F]  }
0x2b: {  	s6 =	sld [smem:$0x3F80]  }
0x2c: {  	s7 =	sld [smem:$0x3F81]  }
0x2d: {  	s3 =	simm.s32 $0x108;
	s8 =	sld [smem:$0x3F82]  }
0x2e: {  	s3 =	simm.s32 @!p0 $0x1082;
	s9 =	sld [smem:$0x3F83]  }
0x2f: {  	lr =	sadd.s32 s0, s3;
	s0 =	sld [smem:$0x3F7A]  }
0x30: {  	s3 =	sld [smem:$0x3F7D]  }
0x31: {  	[smem:$0x3F86] =	sst s10  }
0x32: {  	s10 =	sld [smem:$0x3F84];
	_ =	sdelay $0x3  }
0x33: {  	p0 =	seq.s32 s10, $0x1;
	s10 =	sld [smem:$0x3F86];
	_ =	sdelay $0x3  }
0x34: {  	[smem:$0x3F86] =	sst s10  }
0x35: {  	s10 =	sld [smem:$0x3F85];
	_ =	sdelay $0x3  }
0x36: {  	p1 =	seq.s32 s10, $0x1;
	s10 =	sld [smem:$0x3F86];
	_ =	sdelay $0x3  }
0x37: {  	[smem:$0x3F86] =	sst s10  }
0x38: {  	s10 =	sld [smem:$0x3F87]  }
0x39: {  	_ = 	snop;
	(pc) =	sbr.ind lr, $3  }
0x3a: {  	_ = 	snop  }
0x3b: {  	_ = 	snop  }
0x3c: {  	p2 =	seq.s32 s10, $0x1;
	s10 =	sld [smem:$0x3F86]  }
0x3d: {  	_ =	shalt  }
0x3e: {  	_ =	shalt  }
0x3f: {  	_ =	shalt  }
0x40: {  	_ =	shalt  }
0x41: {  	_ =	shalt  }
0x42: {  	_ =	shalt  }
0x43: {  	_ =	shalt  }
0x44: {  	_ =	shalt  }
0x45: {  	_ =	shalt  }
0x46: {  	_ =	shalt  }
0x47: {  	_ =	shalt  }
0x48: {  	_ =	shalt  }
0x49: {  	_ =	shalt  }
0x4a: {  	_ =	shalt  }
0x4b: {  	_ =	shalt  }
0x4c: {  	_ =	shalt  }
0x4d: {  	_ =	shalt  }
0x4e: {  	_ =	shalt  }
0x4f: {  	_ =	shalt  }
0x50: {  	_ =	shalt  }
0x51: {  	_ =	shalt  }
0x52: {  	_ =	shalt  }
0x53: {  	_ =	shalt  }
0x54: {  	_ =	shalt  }
0x55: {  	_ =	shalt  }
0x56: {  	_ =	shalt  }
0x57: {  	_ =	shalt  }
0x58: {  	_ =	shalt  }
0x59: {  	_ =	shalt  }
0x5a: {  	_ =	shalt  }
0x5b: {  	_ =	shalt  }
0x5c: {  	_ =	shalt  }
0x5d: {  	_ =	shalt  }
0x5e: {  	_ =	shalt  }
0x5f: {  	_ =	shalt  }
0x60: {  	_ =	shalt  }
0x61: {  	_ =	shalt  }
0x62: {  	_ =	shalt  }
0x63: {  	_ =	shalt  }
0x64: {  	_ =	shalt  }
0x65: {  	_ =	shalt  }
0x66: {  	_ =	shalt  }
0x67: {  	_ =	shalt  }
0x68: {  	_ =	shalt  }
0x69: {  	_ =	shalt  }
0x6a: {  	_ =	shalt  }
0x6b: {  	_ =	shalt  }
0x6c: {  	_ =	shalt  }
0x6d: {  	_ =	shalt  }
0x6e: {  	_ =	shalt  }
0x6f: {  	_ =	shalt  }
0x70: {  	_ =	shalt  }
0x71: {  	_ =	shalt  }
0x72: {  	_ =	shalt  }
0x73: {  	_ =	shalt  }
0x74: {  	_ =	shalt  }
0x75: {  	_ =	shalt  }
0x76: {  	_ =	shalt  }
0x77: {  	_ =	shalt  }
0x78: {  	_ =	shalt  }
0x79: {  	_ =	shalt  }
0x7a: {  	_ =	shalt  }
0x7b: {  	_ =	shalt  }
0x7c: {  	_ =	shalt  }
0x7d: {  	_ =	shalt  }
0x7e: {  	_ =	shalt  }
0x7f: {  	_ =	shalt  }
0x80: {  	_ =	shalt  }
0x81: {  	_ =	shalt  }
0x82: {  	_ =	shalt  }
0x83: {  	_ =	shalt  }
0x84: {  	_ =	shalt  }
0x85: {  	_ =	shalt  }
0x86: {  	_ =	shalt  }
0x87: {  	_ =	shalt  }
.Lfunc_end0:
.L_simem_size_0:
called_computation.5_lowered:
.L_overlay_start_0:
0x88: {  	s2 =	sld [smem:$0x3FD9]  }
0x89: {  	s3 =	sld [smem:$0x3FFE];
	_ =	sdelay $0x1  }
0x8a: {  	s1 =	srdreg.scid  }
0x8b: {  	s0 =	sand.u32 $0x1, s1  }
0x8c: {  	s17 =	sshll.u32 s0, $0xA;
	s2 =	sadd.s32 s3, s2  }
0x8d: {  	s2 =	sadd.s32 s2, s17  }
0x8e: {  	[smem:$0x3F92] =	sst s2  }
0x8f: {  	_ = 	snop  }
0x90: {  	s2 =	sld [smem:$0x3FD0];
	(tm) =	ssettm $0x1  }
0x91: {  	s18 =	sld [smem:$0x3FFB];
	_ =	sdelay $0x3  }
0x92: {  	_ =	strace s18  }
0x93: {  	s3 =	sld [smem:$0x3FFC];
	_ =	sdelay $0x3  }
0x94: {  	_ =	strace s3  }
0x95: {  	s3 =	sld [smem:$0x3FFD];
	_ =	sdelay $0x3  }
0x96: {  	_ =	strace s3  }
0x97: {  	_ =	strace $0x8FFFFFFF  }
0x98: {  	s19 =	sld [smem:$0x3FDB];
	_ =	sdelay $0x1  }
0x99: {  	s4 =	simm.s32 $_scs_section_size  }
0x9a: {  	s5 =	simm.s32 $_size__tile_overlayer_lowered;
	s6 =	simm.s32 $_tile_overlayer_lowered  }
0x9b: {  	s22 =	simm.s32 $0x1BFF;
	s21 =	sshll.u32 s6, $0x1;
	s3 =	sadd.s32 s4, s19  }
0x9c: {  	s7 =	simm.s32 $0x0;
	s20 =	sshll.u32 s5, $0x1;
	s5 =	sadd.s32 s21, s3  }
0x9d: {  	[timem:s7], [sflag:s22] =	dma.local [hbm:s5], s20  }
0x9e: {  	_ =	swait.ge [sflag:s22], s20  }
0x9f: {  	s4 =	ssub.s32 $0x0, s20;
	[sflag:s22] =	ssyncset.done $0x0  }
0xa0: {  	[sflag:s22] =	ssyncadd.s32 s4;
	_ =	sdelay $0x1  }
0xa1: {  	s23 =	simm.s32 $0x1B8B  }
0xa2: {  	_ =	swait.ge [sflag:s23], $0x1  }
0xa3: {  	[sflag:s23] =	ssyncset.done $0x0  }
0xa4: {  	s25 =	simm.s32 $0x1B8E;
	s24 =	sld [smem:$0x3FFE];
	[sflag:s23] =	ssyncadd.s32 $0xFFFFFFFF  }
0xa5: {  	s26 =	simm.s32 $execute0_lowered;
	[smem:$0x3FD2] =	sst s25  }
0xa6: {  	s5 =	sshll.u32 s26, $0x1;
	_ =	strace $0x80000052;
	[dreg:$0x1] =	wrdreg $0xFFFFFFFF  }
0xa7: {  	s28 =	simm.s32 $_size_execute0_lowered;
	s3 =	sadd.s32 s3, s5;
	[dreg:$0x0] =	wrdreg $0x0  }
0xa8: {  	s5 =	sshll.u32 s28, $0x1;
	[dreg:$0x2] =	wrdreg s3  }
0xa9: {  	[dreg:$0x3] =	wrdreg s5  }
0xaa: {  	[dreg:$0x4] =	wrdreg $0xC0  }
0xab: {  	_ =	task [dreg:s7], $0x5FFFF  }
0xac: {  	[dreg:$0x1] =	wrdreg $0xFFFFFFFF  }
0xad: {  	[dreg:$0x0] =	wrdreg $0x60  }
0xae: {  	[dreg:$0x2] =	wrdreg s24  }
0xaf: {  	[dreg:$0x3] =	wrdreg s2  }
0xb0: {  	[dreg:$0x4] =	wrdreg $0x4E000  }
0xb1: {  	[dreg:$0x5] =	wrdreg $0xA  }
0xb2: {  	_ =	task.clear_ibuf [dreg:s7], $0x6FFFF;
	_ =	strace $0x90000052  }
0xb3: {  	s29 =	simm.s32 $0xA;
	_ =	strace $0x80000054  }
0xb4: {  	_ =	swait.ge [sflag:s29], $0x1  }
0xb5: {  	[sflag:s29] =	ssyncadd.s32 $0xFFFFFFFF  }
0xb6: {  	_ =	strace $0x90000054  }
0xb7: {  	_ =	sfence  }
0xb8: {  	s30 =	sld [smem:$0x0];
	_ =	sdelay $0x2  }
0xb9: {  	s31 =	sshll.u32 s1, $0xD;
	s1 =	sshrl.u32 s1, $0x2  }
0xba: {  	s3 =	sand.u32 $0x4000, s31;
	s1 =	sadd.s32 s1, s30  }
0xbb: {  	s0 =	sor.u32 s3, s0;
	s1 =	sshll.u32 s1, $0x11  }
0xbc: {  	s0 =	sor.u32 s1, s0  }
0xbd: {  	s0 =	sadd.s32 $0x8F2B, s0  }
0xbe: {  	[sflag:s0] =	ssyncadd.remote.s32 $0x1  }
0xbf: {  	_ =	sfence.sel $0xFFFF  }
0xc0: {  	[dreg:$0x0] =	wrdreg $0xFFFFFFFF;
	(pc) =	sbr.abs _section_cstart, $3  }
0xc1: {  	[dreg:$0x1] =	wrdreg $0xFFFFFFFF  }
0xc2: {  	_ =	task.clear_ibuf [dreg:s7], $0x2FFFF;
	_ =	strace $0x9FFFFFFF  }
0xc3: {  	(tm) =	ssettm $0x7FFFFFFF  }
tec
execute0_lowered:
.L_overlay_start_1:
0x0: {  	(tag) =	ssettag $0x1  }
0x1: {  	s6 =	rddreg [dreg:$0x0]  }
0x2: {  	s10 =	rddreg [dreg:$0x1]  }
0x3: {  	s0 =	srdreg.scid;
	s2 =	rddreg [dreg:$0x2]  }
0x4: {  	s1 =	rddreg [dreg:$0x3];
	s7 =	sand.u32 $0x1, s0  }
0x5: {  	s0 =	stileid.u32;
	s4 =	smul.u32 $0x13980, s7  }
0x6: {  	s3 =	simm.s32 $0x0;
	s15 =	simm.s32 $0x200;
	s5 =	smul.u32 $0x1398, s0  }
0x7: {  	s16 =	simm.s32 $0x1;
	[smem:$0x7FF] =	sst s3;
	s8 =	smul.u32 $0x140000, s7  }
0x8: {  	s17 =	simm.s32 $0x0;
	s9 =	smul.u32 $0x14000, s0;
	_ =	strace $0x80000053  }
0x9: {  	s29 =	smul.u32 $0x50000, s0;
	s7 =	ssub.s32 $0x2, s7;
	s31 =	sshll.u32 s0, $0x6  }
0xa: {  	s30 =	sshrl.u32 s7, $0x1;
	s5 =	sadd.s32 s5, s4;
	s4 =	sadd.s32 $0x1F600, s6  }
0xb: {  	s8 =	sadd.s32 s9, s8;
	s9 =	sshrl.u32 s29, $0x2;
	s13 =	ssub.s32 s7, s30  }
0xc: {  	s11 =	sshrl.u32 s5, $0x3;
	s5 =	sadd.s32 $0x46800, s6;
	s8 =	sshrl.u32 s8, $0x3  }
0xd: {  	s14 =	sadd.s32 s9, s2;
	s12 =	sadd.s32 s11, s6;
	s8 =	sadd.s32 s8, s6  }
0xe: {  	s6 =	sor.u32 $0x1C02, s31;
	s10 =	sadd.s32 s11, s10;
	s11 =	sshrl.u32 s14, $0x3  }
0xf: {  	s14 =	simm.s32 $0x98;
	s7 =	sadd.s32 $0x49000, s8;
	s8 =	smax.u32 s13, $0x1  }
0x10: {  	s9 =	sadd.s32 $0x99E00, s12;
	s12 =	simm.s32 $0x2;
	s13 =	simm.s32 $0x100  }
.LBB2_1:
0x11: {  	[spmem:s11], [sflag:s6] =	dma.local [hbm:s5], $0x2800  }
0x12: {  	_ =	swait.ge [sflag:s12], $0x2800  }
0x13: {  	[sflag:s12] =	ssyncset.done $0x0  }
0x14: {  	[sflag:s12] =	ssyncadd.s32 $0xFFFFD800  }
0x15: {  	s18 =	sadd.s32 $0x0, s10;
	[bflag:$0x0] =	sbarrier.arrive $0xFFFF  }
0x16: {  	[tilespmem:s3], [sflag:$0x2] =	stream.linear.gather [hbm4b:s18+s3], $0x98, $0x38;
	[tilespmem:$0x18E00] =	vst v63  }
0x17: {  	_ =	swait.ge [sflag:s12], $0x98  }
0x18: {  	[sflag:s12] =	ssyncset.done $0x0  }
0x19: {  	s31 =	sadd.s32 $0x0, s9;
	[sflag:s12] =	ssyncadd.s32 $0xFFFFFF68  }
0x1a: {  	[tilespmem:s13], [sflag:$0x2] =	stream.linear.gather [hbm4b:s31+s3], $0x98, $0x38;
	[tilespmem:$0x18E00] =	vst v63  }
0x1b: {  	_ =	swait.ge [sflag:s12], $0x98  }
0x1c: {  	[sflag:s12] =	ssyncset.done $0x0  }
0x1d: {  	[sflag:s12] =	ssyncadd.s32 $0xFFFFFF68  }
0x1e: {  	[tilespmem:s15], [sflag:$0x1] =	stream.indirect.gather [hbm4b:s4+s14], $0x80, s3, s14, $0xb8;
	[tilespmem:$0x18E00] =	vst v63  }
0x1f: {  	_ =	swait.ge [sflag:s16], $0x4C00  }
0x20: {  	[sflag:s16] =	ssyncset.done $0x0  }
0x21: {  	[sflag:s16] =	ssyncadd.s32 $0xFFFFB400  }
0x22: {  	[spmem:s2] =	stream.indirect.scatter.add.f32 [tilespmem:s15], [sflag:$0x2], $0x80, s13, s14, $0xb8;
	[tilespmem:$0x18E00] =	vst v63  }
0x23: {  	_ =	swait.ge [sflag:s12], $0x4C00  }
0x24: {  	s19 =	simm.s32 $0x26;
	s18 =	simm.s32 $0x13;
	[sflag:s12] =	ssyncset.done $0x0  }
.LBB2_2:
0x25: {  	s20 =	sadd.s32 s18, s10  }
0x26: {  	[sflag:s12] =	ssyncadd.s32 $0xFFFFB400;
	s21 =	smov.u32 s19;
	s22 =	sadd.s32 $0x13, s19  }
0x27: {  	[tilespmem:s3], [sflag:$0x2] =	stream.linear.gather [hbm4b:s20+s3], $0x98, $0x38;
	[tilespmem:$0x18E00] =	vst v63  }
0x28: {  	p0 =	sne.s32 s19, $0x260;
	_ =	swait.ge [sflag:s12], $0x98  }
0x29: {  	[sflag:s12] =	ssyncset.done $0x0  }
0x2a: {  	s19 =	sadd.s32 s18, s9;
	s18 =	smov.u32 s21;
	[sflag:s12] =	ssyncadd.s32 $0xFFFFFF68  }
0x2b: {  	[tilespmem:s13], [sflag:$0x2] =	stream.linear.gather [hbm4b:s19+s3], $0x98, $0x38;
	[tilespmem:$0x18E00] =	vst v63  }
0x2c: {  	_ =	swait.ge [sflag:s12], $0x98  }
0x2d: {  	[sflag:s12] =	ssyncset.done $0x0  }
0x2e: {  	[sflag:s12] =	ssyncadd.s32 $0xFFFFFF68  }
0x2f: {  	[tilespmem:s15], [sflag:$0x1] =	stream.indirect.gather [hbm4b:s4+s14], $0x80, s3, s14, $0xb8;
	[tilespmem:$0x18E00] =	vst v63  }
0x30: {  	_ =	swait.ge [sflag:s16], $0x4C00  }
.Ltmp0:
0x31: {  	[sflag:s16] =	ssyncset.done $0x0;
	(pc) =	sbr.rel @p0 .LBB2_2-.Ltmp0, $4  }
0x32: {  	[sflag:s16] =	ssyncadd.s32 $0xFFFFB400  }
0x33: {  	[spmem:s2] =	stream.indirect.scatter.add.f32 [tilespmem:s15], [sflag:$0x2], $0x80, s13, s14, $0xb8;
	[tilespmem:$0x18E00] =	vst v63  }
0x34: {  	_ =	swait.ge [sflag:s12], $0x4C00  }
0x35: {  	s19 =	smov.u32 s22;
	[sflag:s12] =	ssyncset.done $0x0  }
0x36: {  	s19 =	sadd.s32 s18, s10;
	[sflag:s12] =	ssyncadd.s32 $0xFFFFB400  }
0x37: {  	[tilespmem:s3], [sflag:$0x2] =	stream.linear.gather [hbm4b:s19+s3], $0x98, $0x38;
	[tilespmem:$0x18E00] =	vst v63  }
0x38: {  	_ =	swait.ge [sflag:s12], $0x98  }
0x39: {  	[sflag:s12] =	ssyncset.done $0x0  }
0x3a: {  	s31 =	sadd.s32 s18, s9;
	[sflag:s12] =	ssyncadd.s32 $0xFFFFFF68  }
0x3b: {  	[tilespmem:s13], [sflag:$0x2] =	stream.linear.gather [hbm4b:s31+s3], $0x98, $0x38;
	[tilespmem:$0x18E00] =	vst v63  }
0x3c: {  	_ =	swait.ge [sflag:s12], $0x98  }
0x3d: {  	[sflag:s12] =	ssyncset.done $0x0  }
0x3e: {  	[sflag:s12] =	ssyncadd.s32 $0xFFFFFF68  }
0x3f: {  	[tilespmem:s15], [sflag:$0x1] =	stream.indirect.gather [hbm4b:s4+s14], $0x80, s3, s14, $0xb8;
	[tilespmem:$0x18E00] =	vst v63  }
0x40: {  	_ =	swait.ge [sflag:s16], $0x4C00  }
0x41: {  	[sflag:s16] =	ssyncset.done $0x0  }
0x42: {  	[sflag:s16] =	ssyncadd.s32 $0xFFFFB400  }
0x43: {  	[spmem:s2] =	stream.indirect.scatter.add.f32 [tilespmem:s15], [sflag:$0x2], $0x80, s13, s14, $0xb8;
	[tilespmem:$0x18E00] =	vst v63  }
0x44: {  	_ =	swait.ge [sflag:s12], $0x4C00  }
0x45: {  	s17 =	sadd.s32 $0x1, s17;
	[sflag:s12] =	ssyncset.done $0x0  }
0x46: {  	p0 =	sne.s32 s17, s8;
	[sflag:s12] =	ssyncadd.s32 $0xFFFFB400  }
.Ltmp1:
0x47: {  	[bflag:$0x0] =	sbarrier.arrive $0xFFFF;
	(pc) =	sbr.rel @p0 .LBB2_1-.Ltmp1, $4  }
0x48: {  	[hbm:s7], [sflag:s6] =	dma.local [spmem:s11], $0x2800  }
0x49: {  	_ =	swait.ge [sflag:s12], $0x2800  }
0x4a: {  	[sflag:s12] =	ssyncset.done $0x0  }
0x4b: {  	[sflag:s12] =	ssyncadd.s32 $0xFFFFD800  }
0x4c: {  	_ =	sfence.sel $0x180000  }
0x4d: {  	[bflag:$0x0] =	sbarrier.arrive $0xFFFF  }
0x4e: {  	p0 =	sne.s32 s0, $0x0;
	_ =	strace $0x90000053  }
0x4f: {  	s0 =	sadd.s32 @!p0 $0x100000, s1;
	[bflag:$0x2] =	sbarrier.arrive $0xFFFF  }
0x50: {  	[sflag:s0] =	ssyncadd.tile.s32 @!p0 $0x1;
	_ =	shalt  }
.Lfunc_end2:
_tile_overlayer_lowered:
.L_overlay_start_2:
0x51: {  	(tag) =	ssettag $0x2  }
0x52: {  	s0 =	rddreg [dreg:$0x0];
	s2 =	stileid.u32  }
0x53: {  	s1 =	rddreg [dreg:$0x1];
	p0 =	sne.s32 s2, $0x0  }
0x54: {  	s3 =	rddreg [dreg:$0x2];
	[bflag:$0x3] =	sbarrier.arrive $0xFFFF;
	s2 =	simm.s32 @!p0 $0x1C02  }
0x55: {  	[timem:s3], [sflag:s2] =	dma.local @!p0 [hbm:s0], s1  }
0x56: {  	s0 =	simm.s32 @!p0 $0x2  }
0x57: {  	_ =	swait.ge @!p0 [sflag:s0], s1  }
0x58: {  	s1 =	ssub.s32 @!p0 $0x0, s1;
	[sflag:s0] =	ssyncset.done @!p0 $0x0  }
0x59: {  	[sflag:s0] =	ssyncadd.s32 @!p0 s1  }
0x5a: {  	[bflag:$0x3] =	sbarrier.arrive $0xFFFF  }
0x5b: {  	_ =	shalt  }

// kernel: kernel.34.cloned.1.call-start
scs
__scs_entry_jumppad:
0x0: {  	(pc) =	sbr.rel $0x88, $3  }
0x1: {  	(tag) =	ssettag $0x0;
	lr =	simm.s32 $0x1  }
0x2: {  	[smem:$0x3F6B] =	sst lr;
	_ =	strace $0xD0000000  }
0x3: {  	_ = 	snop  }
0x4: {  	_ = 	snop  }
0x5: {  	_ = 	snop  }
0x6: {  	_ = 	snop  }
0x7: {  	_ = 	snop  }
__scs_overlays_trampoline_lowered:
0x8: {  	[smem:$0x3F7A] =	sst s0  }
0x9: {  	[smem:$0x3F7B] =	sst s1  }
0xa: {  	[smem:$0x3F7C] =	sst s2  }
0xb: {  	[smem:$0x3F7D] =	sst s3  }
0xc: {  	[smem:$0x3F7E] =	sst s4  }
0xd: {  	[smem:$0x3F7F] =	sst s5  }
0xe: {  	[smem:$0x3F80] =	sst s6  }
0xf: {  	[smem:$0x3F81] =	sst s7  }
0x10: {  	[smem:$0x3F82] =	sst s8  }
0x11: {  	[smem:$0x3F83] =	sst s9;
	s0 =	simm.s32 @!p0 $0x0  }
0x12: {  	s1 =	sld [smem:$0x3F69];
	s0 =	simm.s32 @p0 $0x1  }
0x13: {  	[smem:$0x3F84] =	sst s0;
	s0 =	simm.s32 @!p1 $0x0  }
0x14: {  	s2 =	sld [smem:$0x3F68];
	s0 =	simm.s32 @p1 $0x1  }
0x15: {  	[smem:$0x3F85] =	sst s0;
	s0 =	simm.s32 @!p2 $0x0  }
0x16: {  	s3 =	sld [smem:$0x3FDB];
	s0 =	simm.s32 @p2 $0x1  }
0x17: {  	s4 =	simm.s32 $0x1BF5;
	[smem:$0x3F87] =	sst s0  }
0x18: {  	s0 =	sld [smem:$0x3F6A];
	_ =	swait.ge [sflag:s4], $0x0  }
0x19: {  	s7 =	sld [smem:$0x3F6B]  }
0x1a: {  	s8 =	sadd.s32 $0xFFFFE003, lr  }
0x1b: {  	s9 =	sadd.s32 $0xFFFFFEF7, lr;
	s5 =	simm.s32 $0xFFFFFFFF;
	p2 =	slt.u32 s8, $0xFFFFF086  }
0x1c: {  	p1 =	slt.u32 s9, $0xF7A;
	s5 =	simm.s32 @!p2 $0x0  }
0x1d: {  	s5 =	simm.s32 @p1 $0x1;
	p0 =	seq.s32 s7, s2  }
0x1e: {  	s7 =	smul.u32 @!p0 $0xF7A, s2;
	p2 =	seq.s32 @!p0 s5, $0x0  }
0x1f: {  	s9 =	smul.u32 $0xF7A, s1;
	s8 =	simm.s32 @!p0 $0x1BF5;
	p2 =	por !p2, p0  }
0x20: {  	[sflag:s8] =	ssyncset.s32 @!p0 $0xFFFFF086;
	s6 =	sadd.s32 @!p0 s3, s7;
	s7 =	simm.s32 @!p0 $0x108  }
0x21: {  	s3 =	sadd.s32 s3, s9;
	s6 =	sadd.s32 @!p0 $0x88, s6;
	s7 =	simm.s32 @p2 $0x1082  }
0x22: {  	[simem:s7], [sflag:s8] =	dma.local @!p0 [hbm:s6], $0xF7A  }
0x23: {  	s9 =	sor.u32 $0xD0000000, s2;
	s6 =	simm.s32 $0x108;
	_ =	swait.ge @!p0 [sflag:s8], $0x0  }
0x24: {  	s3 =	sadd.s32 $0x88, s3;
	s6 =	simm.s32 @!p1 $0x1082;
	[sflag:s4] =	ssyncset.s32 $0xFFFFF086  }
0x25: {  	[simem:s6], [sflag:s4] =	dma.local [hbm:s3], $0xF7A  }
0x26: {  	[smem:$0x3F6B] =	sst s1;
	(tag) =	ssettag s2;
	_ =	strace s9  }
0x27: {  	s1 =	sld [smem:$0x3F7B]  }
0x28: {  	s2 =	sld [smem:$0x3F7C]  }
0x29: {  	s4 =	sld [smem:$0x3F7E]  }
0x2a: {  	p0 =	seq.s32 s5, $0x0;
	s5 =	sld [smem:$0x3F7F]  }
0x2b: {  	s6 =	sld [smem:$0x3F80]  }
0x2c: {  	s7 =	sld [smem:$0x3F81]  }
0x2d: {  	s3 =	simm.s32 $0x108;
	s8 =	sld [smem:$0x3F82]  }
0x2e: {  	s3 =	simm.s32 @!p0 $0x1082;
	s9 =	sld [smem:$0x3F83]  }
0x2f: {  	lr =	sadd.s32 s0, s3;
	s0 =	sld [smem:$0x3F7A]  }
0x30: {  	s3 =	sld [smem:$0x3F7D]  }
0x31: {  	[smem:$0x3F86] =	sst s10  }
0x32: {  	s10 =	sld [smem:$0x3F84];
	_ =	sdelay $0x3  }
0x33: {  	p0 =	seq.s32 s10, $0x1;
	s10 =	sld [smem:$0x3F86];
	_ =	sdelay $0x3  }
0x34: {  	[smem:$0x3F86] =	sst s10  }
0x35: {  	s10 =	sld [smem:$0x3F85];
	_ =	sdelay $0x3  }
0x36: {  	p1 =	seq.s32 s10, $0x1;
	s10 =	sld [smem:$0x3F86];
	_ =	sdelay $0x3  }
0x37: {  	[smem:$0x3F86] =	sst s10  }
0x38: {  	s10 =	sld [smem:$0x3F87]  }
0x39: {  	_ = 	snop;
	(pc) =	sbr.ind lr, $3  }
0x3a: {  	_ = 	snop  }
0x3b: {  	_ = 	snop  }
0x3c: {  	p2 =	seq.s32 s10, $0x1;
	s10 =	sld [smem:$0x3F86]  }
0x3d: {  	_ =	shalt  }
0x3e: {  	_ =	shalt  }
0x3f: {  	_ =	shalt  }
0x40: {  	_ =	shalt  }
0x41: {  	_ =	shalt  }
0x42: {  	_ =	shalt  }
0x43: {  	_ =	shalt  }
0x44: {  	_ =	shalt  }
0x45: {  	_ =	shalt  }
0x46: {  	_ =	shalt  }
0x47: {  	_ =	shalt  }
0x48: {  	_ =	shalt  }
0x49: {  	_ =	shalt  }
0x4a: {  	_ =	shalt  }
0x4b: {  	_ =	shalt  }
0x4c: {  	_ =	shalt  }
0x4d: {  	_ =	shalt  }
0x4e: {  	_ =	shalt  }
0x4f: {  	_ =	shalt  }
0x50: {  	_ =	shalt  }
0x51: {  	_ =	shalt  }
0x52: {  	_ =	shalt  }
0x53: {  	_ =	shalt  }
0x54: {  	_ =	shalt  }
0x55: {  	_ =	shalt  }
0x56: {  	_ =	shalt  }
0x57: {  	_ =	shalt  }
0x58: {  	_ =	shalt  }
0x59: {  	_ =	shalt  }
0x5a: {  	_ =	shalt  }
0x5b: {  	_ =	shalt  }
0x5c: {  	_ =	shalt  }
0x5d: {  	_ =	shalt  }
0x5e: {  	_ =	shalt  }
0x5f: {  	_ =	shalt  }
0x60: {  	_ =	shalt  }
0x61: {  	_ =	shalt  }
0x62: {  	_ =	shalt  }
0x63: {  	_ =	shalt  }
0x64: {  	_ =	shalt  }
0x65: {  	_ =	shalt  }
0x66: {  	_ =	shalt  }
0x67: {  	_ =	shalt  }
0x68: {  	_ =	shalt  }
0x69: {  	_ =	shalt  }
0x6a: {  	_ =	shalt  }
0x6b: {  	_ =	shalt  }
0x6c: {  	_ =	shalt  }
0x6d: {  	_ =	shalt  }
0x6e: {  	_ =	shalt  }
0x6f: {  	_ =	shalt  }
0x70: {  	_ =	shalt  }
0x71: {  	_ =	shalt  }
0x72: {  	_ =	shalt  }
0x73: {  	_ =	shalt  }
0x74: {  	_ =	shalt  }
0x75: {  	_ =	shalt  }
0x76: {  	_ =	shalt  }
0x77: {  	_ =	shalt  }
0x78: {  	_ =	shalt  }
0x79: {  	_ =	shalt  }
0x7a: {  	_ =	shalt  }
0x7b: {  	_ =	shalt  }
0x7c: {  	_ =	shalt  }
0x7d: {  	_ =	shalt  }
0x7e: {  	_ =	shalt  }
0x7f: {  	_ =	shalt  }
0x80: {  	_ =	shalt  }
0x81: {  	_ =	shalt  }
0x82: {  	_ =	shalt  }
0x83: {  	_ =	shalt  }
0x84: {  	_ =	shalt  }
0x85: {  	_ =	shalt  }
0x86: {  	_ =	shalt  }
0x87: {  	_ =	shalt  }
.Lfunc_end0:
.L_simem_size_0:
called_computation.6_lowered:
.L_overlay_start_0:
0x88: {  	s2 =	sld [smem:$0x3FD9]  }
0x89: {  	s3 =	sld [smem:$0x3FFE];
	_ =	sdelay $0x1  }
0x8a: {  	s1 =	srdreg.scid  }
0x8b: {  	s0 =	sand.u32 $0x1, s1  }
0x8c: {  	s17 =	sshll.u32 s0, $0xA;
	s2 =	sadd.s32 s3, s2  }
0x8d: {  	s2 =	sadd.s32 s2, s17  }
0x8e: {  	[smem:$0x3F92] =	sst s2  }
0x8f: {  	_ = 	snop  }
0x90: {  	(tm) =	ssettm $0x1  }
0x91: {  	s18 =	sld [smem:$0x3FFB];
	_ =	sdelay $0x3  }
0x92: {  	_ =	strace s18  }
0x93: {  	s2 =	sld [smem:$0x3FFC];
	_ =	sdelay $0x3  }
0x94: {  	_ =	strace s2  }
0x95: {  	s2 =	sld [smem:$0x3FFD];
	_ =	sdelay $0x3  }
0x96: {  	_ =	strace s2  }
0x97: {  	_ =	strace $0x8FFFFFFF  }
0x98: {  	s19 =	sld [smem:$0x3FDB];
	_ =	sdelay $0x1  }
0x99: {  	s20 =	simm.s32 $_scs_section_size  }
0x9a: {  	s4 =	simm.s32 $_size__tile_overlayer_lowered;
	s5 =	simm.s32 $_tile_overlayer_lowered  }
0x9b: {  	s6 =	simm.s32 $0x1BFF;
	s21 =	sshll.u32 s5, $0x1;
	s3 =	sadd.s32 s20, s19  }
0x9c: {  	s22 =	simm.s32 $0x0;
	s4 =	sshll.u32 s4, $0x1;
	s5 =	sadd.s32 s21, s3  }
0x9d: {  	[timem:s22], [sflag:s6] =	dma.local [hbm:s5], s4  }
0x9e: {  	_ =	swait.ge [sflag:s6], s4  }
0x9f: {  	s4 =	ssub.s32 $0x0, s4;
	[sflag:s6] =	ssyncset.done $0x0  }
0xa0: {  	[sflag:s6] =	ssyncadd.s32 s4;
	_ =	sdelay $0x1  }
0xa1: {  	s23 =	simm.s32 $0x1B8B  }
0xa2: {  	_ =	swait.ge [sflag:s23], $0x1  }
0xa3: {  	[sflag:s23] =	ssyncset.done $0x0  }
0xa4: {  	[sflag:s23] =	ssyncadd.s32 $0xFFFFFFFF  }
0xa5: {  	s4 =	sld [smem:$0x0]  }
0xa6: {  	s5 =	sand.u32 $0xFFFFFFFE, s1  }
0xa7: {  	p0 =	sne.s32 s1, s5  }
0xa8: {  	s5 =	sshll.u32 @p0 s5, $0xE  }
0xa9: {  	s5 =	sadd.s32 @p0 $0x11B8D, s5;
	s6 =	sshll.u32 @p0 s4, $0x11  }
0xaa: {  	s5 =	sor.u32 @p0 s6, s5  }
0xab: {  	[sflag:s5] =	ssyncadd.remote.s32 @p0 $0x1;
	_ =	sdelay $0x1  }
0xac: {  	s5 =	simm.s32 @p0 $0x1B8D  }
0xad: {  	_ =	swait.eq @p0 [sflag:s5], $0x1  }
0xae: {  	[sflag:s5] =	ssyncadd.s32 @p0 $0xFFFFFFFF  }
0xaf: {  	s6 =	sshll.u32 @!p0 s1, $0xE  }
0xb0: {  	s6 =	sor.u32 @!p0 $0x4000, s6;
	s5 =	simm.s32 @!p0 $0x1B8D  }
0xb1: {  	s4 =	sshll.u32 @!p0 s4, $0x11;
	s6 =	sadd.s32 @!p0 $0x11B8D, s6;
	_ =	swait.eq @!p0 [sflag:s5], $0x1  }
0xb2: {  	s4 =	sor.u32 @!p0 s4, s6;
	[sflag:s5] =	ssyncadd.s32 @!p0 $0xFFFFFFFF  }
0xb3: {  	s25 =	simm.s32 $0x1B8E;
	s24 =	sld [smem:$0x3FFE];
	[sflag:s4] =	ssyncadd.remote.s32 @!p0 $0x1  }
0xb4: {  	s26 =	simm.s32 $execute0_lowered;
	[smem:$0x3FD2] =	sst s25  }
0xb5: {  	s5 =	sshll.u32 s26, $0x1;
	_ =	strace $0x8000005B;
	[dreg:$0x1] =	wrdreg $0xFFFFFFFF  }
0xb6: {  	s28 =	simm.s32 $_size_execute0_lowered;
	s3 =	sadd.s32 s3, s5;
	[dreg:$0x0] =	wrdreg $0x0  }
0xb7: {  	s5 =	sshll.u32 s28, $0x1;
	[dreg:$0x2] =	wrdreg s3  }
0xb8: {  	[dreg:$0x3] =	wrdreg s5  }
0xb9: {  	[dreg:$0x4] =	wrdreg $0xC0  }
0xba: {  	_ =	task [dreg:s22], $0x5FFFF  }
0xbb: {  	[dreg:$0x1] =	wrdreg $0xFFFFFFFF  }
0xbc: {  	[dreg:$0x0] =	wrdreg $0x60  }
0xbd: {  	[dreg:$0x2] =	wrdreg s24  }
0xbe: {  	[dreg:$0x3] =	wrdreg $0x4E000  }
0xbf: {  	[dreg:$0x4] =	wrdreg $0x9  }
0xc0: {  	_ =	task.clear_ibuf [dreg:s22], $0x5FFFF;
	_ =	strace $0x9000005B  }
0xc1: {  	s29 =	simm.s32 $0x9;
	_ =	strace $0x8000005D  }
0xc2: {  	_ =	swait.ge [sflag:s29], $0x1  }
0xc3: {  	[sflag:s29] =	ssyncadd.s32 $0xFFFFFFFF  }
0xc4: {  	_ =	strace $0x9000005D  }
0xc5: {  	_ =	sfence  }
0xc6: {  	s30 =	sld [smem:$0x0];
	_ =	sdelay $0x2  }
0xc7: {  	s31 =	sshll.u32 s1, $0xD;
	s1 =	sshrl.u32 s1, $0x2  }
0xc8: {  	s4 =	sand.u32 $0x4000, s31;
	s1 =	sadd.s32 s1, s30  }
0xc9: {  	s0 =	sor.u32 s4, s0;
	s1 =	sshll.u32 s1, $0x11  }
0xca: {  	s0 =	sor.u32 s1, s0  }
0xcb: {  	s0 =	sadd.s32 $0x8F2B, s0  }
0xcc: {  	[sflag:s0] =	ssyncadd.remote.s32 $0x1  }
0xcd: {  	_ =	sfence.sel $0xFFFF  }
0xce: {  	[dreg:$0x0] =	wrdreg $0xFFFFFFFF;
	(pc) =	sbr.abs _section_cstart, $3  }
0xcf: {  	[dreg:$0x1] =	wrdreg $0xFFFFFFFF  }
0xd0: {  	_ =	task.clear_ibuf [dreg:s22], $0x2FFFF;
	_ =	strace $0x9FFFFFFF  }
0xd1: {  	(tm) =	ssettm $0x7FFFFFFF  }
tec
execute0_lowered:
.L_overlay_start_1:
0x0: {  	(tag) =	ssettag $0x1  }
0x1: {  	s6 =	rddreg [dreg:$0x0]  }
0x2: {  	s2 =	rddreg [dreg:$0x1]  }
0x3: {  	s0 =	srdreg.scid;
	s1 =	rddreg [dreg:$0x2]  }
0x4: {  	s3 =	simm.s32 $0x0;
	s13 =	simm.s32 $0x100;
	s7 =	sand.u32 $0x1, s0  }
0x5: {  	s14 =	simm.s32 $0x98;
	s0 =	stileid.u32;
	s4 =	smul.u32 $0x27300, s7  }
0x6: {  	s15 =	simm.s32 $0x200;
	s16 =	simm.s32 $0x1;
	s5 =	smul.u32 $0x2730, s0  }
0x7: {  	s17 =	simm.s32 $0x0;
	[smem:$0x7FF] =	sst s3;
	s8 =	smul.u32 $0x140000, s7  }
0x8: {  	s9 =	smul.u32 $0x14000, s0;
	_ =	strace $0x8000005C;
	s7 =	ssub.s32 $0x2, s7  }
0x9: {  	s29 =	smul.u32 $0x50000, s0;
	s31 =	sshll.u32 s0, $0x6;
	s30 =	sshrl.u32 s7, $0x1  }
0xa: {  	s5 =	sadd.s32 s5, s4;
	s4 =	sadd.s32 $0x9EE00, s6;
	s8 =	sadd.s32 s9, s8  }
0xb: {  	s9 =	sshrl.u32 s29, $0x2;
	s11 =	ssub.s32 s7, s30;
	s5 =	sshrl.u32 s5, $0x3  }
0xc: {  	s8 =	sshrl.u32 s8, $0x3;
	s12 =	sadd.s32 s9, s2;
	s10 =	sadd.s32 s5, s6  }
0xd: {  	s5 =	sadd.s32 $0x46800, s6;
	s8 =	sadd.s32 s8, s6;
	s6 =	sor.u32 $0x1C02, s31  }
0xe: {  	s7 =	sadd.s32 $0x18F800, s8;
	s8 =	smax.u32 s11, $0x1;
	s9 =	sadd.s32 $0x15800, s10  }
0xf: {  	s10 =	sadd.s32 $0xBA00, s10;
	s11 =	sshrl.u32 s12, $0x3;
	s12 =	simm.s32 $0x2  }
.LBB2_1:
0x10: {  	[spmem:s11], [sflag:s6] =	dma.local [hbm:s5], $0x2800  }
0x11: {  	_ =	swait.ge [sflag:s12], $0x2800  }
0x12: {  	[sflag:s12] =	ssyncset.done $0x0  }
0x13: {  	[sflag:s12] =	ssyncadd.s32 $0xFFFFD800  }
0x14: {  	s18 =	sadd.s32 $0x0, s10;
	[bflag:$0x0] =	sbarrier.arrive $0xFFFF  }
0x15: {  	[tilespmem:s3], [sflag:$0x2] =	stream.linear.gather [hbm4b:s18+s3], $0x98, $0x38;
	[tilespmem:$0x18E00] =	vst v63  }
0x16: {  	_ =	swait.ge [sflag:s12], $0x98  }
0x17: {  	[sflag:s12] =	ssyncset.done $0x0  }
0x18: {  	s31 =	sadd.s32 $0x0, s9;
	[sflag:s12] =	ssyncadd.s32 $0xFFFFFF68  }
0x19: {  	[tilespmem:s13], [sflag:$0x2] =	stream.linear.gather [hbm4b:s31+s3], $0x98, $0x38;
	[tilespmem:$0x18E00] =	vst v63  }
0x1a: {  	_ =	swait.ge [sflag:s12], $0x98  }
0x1b: {  	[sflag:s12] =	ssyncset.done $0x0  }
0x1c: {  	[sflag:s12] =	ssyncadd.s32 $0xFFFFFF68  }
0x1d: {  	[tilespmem:s15], [sflag:$0x1] =	stream.indirect.gather [hbm4b:s4+s14], $0x80, s3, s14, $0xb8;
	[tilespmem:$0x18E00] =	vst v63  }
0x1e: {  	_ =	swait.ge [sflag:s16], $0x4C00  }
0x1f: {  	[sflag:s16] =	ssyncset.done $0x0  }
0x20: {  	[sflag:s16] =	ssyncadd.s32 $0xFFFFB400  }
0x21: {  	[spmem:s2] =	stream.indirect.scatter.add.f32 [tilespmem:s15], [sflag:$0x2], $0x80, s13, s14, $0xb8;
	[tilespmem:$0x18E00] =	vst v63  }
0x22: {  	_ =	swait.ge [sflag:s12], $0x4C00  }
0x23: {  	s19 =	simm.s32 $0x26;
	s18 =	simm.s32 $0x13;
	[sflag:s12] =	ssyncset.done $0x0  }
.LBB2_2:
0x24: {  	s20 =	sadd.s32 s18, s10  }
0x25: {  	[sflag:s12] =	ssyncadd.s32 $0xFFFFB400;
	s21 =	smov.u32 s19;
	s22 =	sadd.s32 $0x13, s19  }
0x26: {  	[tilespmem:s3], [sflag:$0x2] =	stream.linear.gather [hbm4b:s20+s3], $0x98, $0x38;
	[tilespmem:$0x18E00] =	vst v63  }
0x27: {  	p0 =	sne.s32 s19, $0x4D3;
	_ =	swait.ge [sflag:s12], $0x98  }
0x28: {  	[sflag:s12] =	ssyncset.done $0x0  }
0x29: {  	s19 =	sadd.s32 s18, s9;
	s18 =	smov.u32 s21;
	[sflag:s12] =	ssyncadd.s32 $0xFFFFFF68  }
0x2a: {  	[tilespmem:s13], [sflag:$0x2] =	stream.linear.gather [hbm4b:s19+s3], $0x98, $0x38;
	[tilespmem:$0x18E00] =	vst v63  }
0x2b: {  	_ =	swait.ge [sflag:s12], $0x98  }
0x2c: {  	[sflag:s12] =	ssyncset.done $0x0  }
0x2d: {  	[sflag:s12] =	ssyncadd.s32 $0xFFFFFF68  }
0x2e: {  	[tilespmem:s15], [sflag:$0x1] =	stream.indirect.gather [hbm4b:s4+s14], $0x80, s3, s14, $0xb8;
	[tilespmem:$0x18E00] =	vst v63  }
0x2f: {  	_ =	swait.ge [sflag:s16], $0x4C00  }
.Ltmp0:
0x30: {  	[sflag:s16] =	ssyncset.done $0x0;
	(pc) =	sbr.rel @p0 .LBB2_2-.Ltmp0, $4  }
0x31: {  	[sflag:s16] =	ssyncadd.s32 $0xFFFFB400  }
0x32: {  	[spmem:s2] =	stream.indirect.scatter.add.f32 [tilespmem:s15], [sflag:$0x2], $0x80, s13, s14, $0xb8;
	[tilespmem:$0x18E00] =	vst v63  }
0x33: {  	_ =	swait.ge [sflag:s12], $0x4C00  }
0x34: {  	s19 =	smov.u32 s22;
	[sflag:s12] =	ssyncset.done $0x0  }
0x35: {  	s19 =	sadd.s32 s18, s10;
	[sflag:s12] =	ssyncadd.s32 $0xFFFFB400  }
0x36: {  	[tilespmem:s3], [sflag:$0x2] =	stream.linear.gather [hbm4b:s19+s3], $0x98, $0x38;
	[tilespmem:$0x18E00] =	vst v63  }
0x37: {  	_ =	swait.ge [sflag:s12], $0x98  }
0x38: {  	[sflag:s12] =	ssyncset.done $0x0  }
0x39: {  	s31 =	sadd.s32 s18, s9;
	[sflag:s12] =	ssyncadd.s32 $0xFFFFFF68  }
0x3a: {  	[tilespmem:s13], [sflag:$0x2] =	stream.linear.gather [hbm4b:s31+s3], $0x98, $0x38;
	[tilespmem:$0x18E00] =	vst v63  }
0x3b: {  	_ =	swait.ge [sflag:s12], $0x98  }
0x3c: {  	[sflag:s12] =	ssyncset.done $0x0  }
0x3d: {  	[sflag:s12] =	ssyncadd.s32 $0xFFFFFF68  }
0x3e: {  	[tilespmem:s15], [sflag:$0x1] =	stream.indirect.gather [hbm4b:s4+s14], $0x80, s3, s14, $0xb8;
	[tilespmem:$0x18E00] =	vst v63  }
0x3f: {  	_ =	swait.ge [sflag:s16], $0x4C00  }
0x40: {  	[sflag:s16] =	ssyncset.done $0x0  }
0x41: {  	[sflag:s16] =	ssyncadd.s32 $0xFFFFB400  }
0x42: {  	[spmem:s2] =	stream.indirect.scatter.add.f32 [tilespmem:s15], [sflag:$0x2], $0x80, s13, s14, $0xb8;
	[tilespmem:$0x18E00] =	vst v63  }
0x43: {  	_ =	swait.ge [sflag:s12], $0x4C00  }
0x44: {  	s17 =	sadd.s32 $0x1, s17;
	[sflag:s12] =	ssyncset.done $0x0  }
0x45: {  	p0 =	sne.s32 s17, s8;
	[sflag:s12] =	ssyncadd.s32 $0xFFFFB400  }
.Ltmp1:
0x46: {  	[bflag:$0x0] =	sbarrier.arrive $0xFFFF;
	(pc) =	sbr.rel @p0 .LBB2_1-.Ltmp1, $4  }
0x47: {  	[hbm:s7], [sflag:s6] =	dma.local [spmem:s11], $0x2800  }
0x48: {  	_ =	swait.ge [sflag:s12], $0x2800  }
0x49: {  	[sflag:s12] =	ssyncset.done $0x0  }
0x4a: {  	[sflag:s12] =	ssyncadd.s32 $0xFFFFD800  }
0x4b: {  	_ =	sfence.sel $0x180000  }
0x4c: {  	[bflag:$0x0] =	sbarrier.arrive $0xFFFF  }
0x4d: {  	p0 =	sne.s32 s0, $0x0;
	_ =	strace $0x9000005C  }
0x4e: {  	s0 =	sadd.s32 @!p0 $0x100000, s1;
	[bflag:$0x2] =	sbarrier.arrive $0xFFFF  }
0x4f: {  	[sflag:s0] =	ssyncadd.tile.s32 @!p0 $0x1;
	_ =	shalt  }
.Lfunc_end2:
_tile_overlayer_lowered:
.L_overlay_start_2:
0x50: {  	(tag) =	ssettag $0x2  }
0x51: {  	s0 =	rddreg [dreg:$0x0];
	s2 =	stileid.u32  }
0x52: {  	s1 =	rddreg [dreg:$0x1];
	p0 =	sne.s32 s2, $0x0  }
0x53: {  	s3 =	rddreg [dreg:$0x2];
	[bflag:$0x3] =	sbarrier.arrive $0xFFFF;
	s2 =	simm.s32 @!p0 $0x1C02  }
0x54: {  	[timem:s3], [sflag:s2] =	dma.local @!p0 [hbm:s0], s1  }
0x55: {  	s0 =	simm.s32 @!p0 $0x2  }
0x56: {  	_ =	swait.ge @!p0 [sflag:s0], s1  }
0x57: {  	s1 =	ssub.s32 @!p0 $0x0, s1;
	[sflag:s0] =	ssyncset.done @!p0 $0x0  }
0x58: {  	[sflag:s0] =	ssyncadd.s32 @!p0 s1  }
0x59: {  	[bflag:$0x3] =	sbarrier.arrive $0xFFFF  }
0x5a: {  	_ =	shalt  }

// kernel: kernel.37.cloned.1.call-start
scs
__scs_entry_jumppad:
0x0: {  	(pc) =	sbr.rel $0x88, $3  }
0x1: {  	(tag) =	ssettag $0x0;
	lr =	simm.s32 $0x1  }
0x2: {  	[smem:$0x3F6B] =	sst lr;
	_ =	strace $0xD0000000  }
0x3: {  	_ = 	snop  }
0x4: {  	_ = 	snop  }
0x5: {  	_ = 	snop  }
0x6: {  	_ = 	snop  }
0x7: {  	_ = 	snop  }
__scs_overlays_trampoline_lowered:
0x8: {  	[smem:$0x3F7A] =	sst s0  }
0x9: {  	[smem:$0x3F7B] =	sst s1  }
0xa: {  	[smem:$0x3F7C] =	sst s2  }
0xb: {  	[smem:$0x3F7D] =	sst s3  }
0xc: {  	[smem:$0x3F7E] =	sst s4  }
0xd: {  	[smem:$0x3F7F] =	sst s5  }
0xe: {  	[smem:$0x3F80] =	sst s6  }
0xf: {  	[smem:$0x3F81] =	sst s7  }
0x10: {  	[smem:$0x3F82] =	sst s8  }
0x11: {  	[smem:$0x3F83] =	sst s9;
	s0 =	simm.s32 @!p0 $0x0  }
0x12: {  	s1 =	sld [smem:$0x3F69];
	s0 =	simm.s32 @p0 $0x1  }
0x13: {  	[smem:$0x3F84] =	sst s0;
	s0 =	simm.s32 @!p1 $0x0  }
0x14: {  	s2 =	sld [smem:$0x3F68];
	s0 =	simm.s32 @p1 $0x1  }
0x15: {  	[smem:$0x3F85] =	sst s0;
	s0 =	simm.s32 @!p2 $0x0  }
0x16: {  	s3 =	sld [smem:$0x3FDB];
	s0 =	simm.s32 @p2 $0x1  }
0x17: {  	s4 =	simm.s32 $0x1BF5;
	[smem:$0x3F87] =	sst s0  }
0x18: {  	s0 =	sld [smem:$0x3F6A];
	_ =	swait.ge [sflag:s4], $0x0  }
0x19: {  	s7 =	sld [smem:$0x3F6B]  }
0x1a: {  	s8 =	sadd.s32 $0xFFFFE003, lr  }
0x1b: {  	s9 =	sadd.s32 $0xFFFFFEF7, lr;
	s5 =	simm.s32 $0xFFFFFFFF;
	p2 =	slt.u32 s8, $0xFFFFF086  }
0x1c: {  	p1 =	slt.u32 s9, $0xF7A;
	s5 =	simm.s32 @!p2 $0x0  }
0x1d: {  	s5 =	simm.s32 @p1 $0x1;
	p0 =	seq.s32 s7, s2  }
0x1e: {  	s7 =	smul.u32 @!p0 $0xF7A, s2;
	p2 =	seq.s32 @!p0 s5, $0x0  }
0x1f: {  	s9 =	smul.u32 $0xF7A, s1;
	s8 =	simm.s32 @!p0 $0x1BF5;
	p2 =	por !p2, p0  }
0x20: {  	[sflag:s8] =	ssyncset.s32 @!p0 $0xFFFFF086;
	s6 =	sadd.s32 @!p0 s3, s7;
	s7 =	simm.s32 @!p0 $0x108  }
0x21: {  	s3 =	sadd.s32 s3, s9;
	s6 =	sadd.s32 @!p0 $0x88, s6;
	s7 =	simm.s32 @p2 $0x1082  }
0x22: {  	[simem:s7], [sflag:s8] =	dma.local @!p0 [hbm:s6], $0xF7A  }
0x23: {  	s9 =	sor.u32 $0xD0000000, s2;
	s6 =	simm.s32 $0x108;
	_ =	swait.ge @!p0 [sflag:s8], $0x0  }
0x24: {  	s3 =	sadd.s32 $0x88, s3;
	s6 =	simm.s32 @!p1 $0x1082;
	[sflag:s4] =	ssyncset.s32 $0xFFFFF086  }
0x25: {  	[simem:s6], [sflag:s4] =	dma.local [hbm:s3], $0xF7A  }
0x26: {  	[smem:$0x3F6B] =	sst s1;
	(tag) =	ssettag s2;
	_ =	strace s9  }
0x27: {  	s1 =	sld [smem:$0x3F7B]  }
0x28: {  	s2 =	sld [smem:$0x3F7C]  }
0x29: {  	s4 =	sld [smem:$0x3F7E]  }
0x2a: {  	p0 =	seq.s32 s5, $0x0;
	s5 =	sld [smem:$0x3F7F]  }
0x2b: {  	s6 =	sld [smem:$0x3F80]  }
0x2c: {  	s7 =	sld [smem:$0x3F81]  }
0x2d: {  	s3 =	simm.s32 $0x108;
	s8 =	sld [smem:$0x3F82]  }
0x2e: {  	s3 =	simm.s32 @!p0 $0x1082;
	s9 =	sld [smem:$0x3F83]  }
0x2f: {  	lr =	sadd.s32 s0, s3;
	s0 =	sld [smem:$0x3F7A]  }
0x30: {  	s3 =	sld [smem:$0x3F7D]  }
0x31: {  	[smem:$0x3F86] =	sst s10  }
0x32: {  	s10 =	sld [smem:$0x3F84];
	_ =	sdelay $0x3  }
0x33: {  	p0 =	seq.s32 s10, $0x1;
	s10 =	sld [smem:$0x3F86];
	_ =	sdelay $0x3  }
0x34: {  	[smem:$0x3F86] =	sst s10  }
0x35: {  	s10 =	sld [smem:$0x3F85];
	_ =	sdelay $0x3  }
0x36: {  	p1 =	seq.s32 s10, $0x1;
	s10 =	sld [smem:$0x3F86];
	_ =	sdelay $0x3  }
0x37: {  	[smem:$0x3F86] =	sst s10  }
0x38: {  	s10 =	sld [smem:$0x3F87]  }
0x39: {  	_ = 	snop;
	(pc) =	sbr.ind lr, $3  }
0x3a: {  	_ = 	snop  }
0x3b: {  	_ = 	snop  }
0x3c: {  	p2 =	seq.s32 s10, $0x1;
	s10 =	sld [smem:$0x3F86]  }
0x3d: {  	_ =	shalt  }
0x3e: {  	_ =	shalt  }
0x3f: {  	_ =	shalt  }
0x40: {  	_ =	shalt  }
0x41: {  	_ =	shalt  }
0x42: {  	_ =	shalt  }
0x43: {  	_ =	shalt  }
0x44: {  	_ =	shalt  }
0x45: {  	_ =	shalt  }
0x46: {  	_ =	shalt  }
0x47: {  	_ =	shalt  }
0x48: {  	_ =	shalt  }
0x49: {  	_ =	shalt  }
0x4a: {  	_ =	shalt  }
0x4b: {  	_ =	shalt  }
0x4c: {  	_ =	shalt  }
0x4d: {  	_ =	shalt  }
0x4e: {  	_ =	shalt  }
0x4f: {  	_ =	shalt  }
0x50: {  	_ =	shalt  }
0x51: {  	_ =	shalt  }
0x52: {  	_ =	shalt  }
0x53: {  	_ =	shalt  }
0x54: {  	_ =	shalt  }
0x55: {  	_ =	shalt  }
0x56: {  	_ =	shalt  }
0x57: {  	_ =	shalt  }
0x58: {  	_ =	shalt  }
0x59: {  	_ =	shalt  }
0x5a: {  	_ =	shalt  }
0x5b: {  	_ =	shalt  }
0x5c: {  	_ =	shalt  }
0x5d: {  	_ =	shalt  }
0x5e: {  	_ =	shalt  }
0x5f: {  	_ =	shalt  }
0x60: {  	_ =	shalt  }
0x61: {  	_ =	shalt  }
0x62: {  	_ =	shalt  }
0x63: {  	_ =	shalt  }
0x64: {  	_ =	shalt  }
0x65: {  	_ =	shalt  }
0x66: {  	_ =	shalt  }
0x67: {  	_ =	shalt  }
0x68: {  	_ =	shalt  }
0x69: {  	_ =	shalt  }
0x6a: {  	_ =	shalt  }
0x6b: {  	_ =	shalt  }
0x6c: {  	_ =	shalt  }
0x6d: {  	_ =	shalt  }
0x6e: {  	_ =	shalt  }
0x6f: {  	_ =	shalt  }
0x70: {  	_ =	shalt  }
0x71: {  	_ =	shalt  }
0x72: {  	_ =	shalt  }
0x73: {  	_ =	shalt  }
0x74: {  	_ =	shalt  }
0x75: {  	_ =	shalt  }
0x76: {  	_ =	shalt  }
0x77: {  	_ =	shalt  }
0x78: {  	_ =	shalt  }
0x79: {  	_ =	shalt  }
0x7a: {  	_ =	shalt  }
0x7b: {  	_ =	shalt  }
0x7c: {  	_ =	shalt  }
0x7d: {  	_ =	shalt  }
0x7e: {  	_ =	shalt  }
0x7f: {  	_ =	shalt  }
0x80: {  	_ =	shalt  }
0x81: {  	_ =	shalt  }
0x82: {  	_ =	shalt  }
0x83: {  	_ =	shalt  }
0x84: {  	_ =	shalt  }
0x85: {  	_ =	shalt  }
0x86: {  	_ =	shalt  }
0x87: {  	_ =	shalt  }
.Lfunc_end0:
.L_simem_size_0:
called_computation.7_lowered:
.L_overlay_start_0:
0x88: {  	s2 =	sld [smem:$0x3FD9]  }
0x89: {  	s3 =	sld [smem:$0x3FFE];
	_ =	sdelay $0x1  }
0x8a: {  	s1 =	srdreg.scid  }
0x8b: {  	s0 =	sand.u32 $0x1, s1  }
0x8c: {  	s17 =	sshll.u32 s0, $0xA;
	s2 =	sadd.s32 s3, s2  }
0x8d: {  	s2 =	sadd.s32 s2, s17  }
0x8e: {  	[smem:$0x3F92] =	sst s2  }
0x8f: {  	_ = 	snop  }
0x90: {  	s2 =	sld [smem:$0x3FD0];
	(tm) =	ssettm $0x1  }
0x91: {  	s18 =	sld [smem:$0x3FFB];
	_ =	sdelay $0x3  }
0x92: {  	_ =	strace s18  }
0x93: {  	s3 =	sld [smem:$0x3FFC];
	_ =	sdelay $0x3  }
0x94: {  	_ =	strace s3  }
0x95: {  	s3 =	sld [smem:$0x3FFD];
	_ =	sdelay $0x3  }
0x96: {  	_ =	strace s3  }
0x97: {  	_ =	strace $0x8FFFFFFF  }
0x98: {  	s19 =	sld [smem:$0x3FDB];
	_ =	sdelay $0x1  }
0x99: {  	s4 =	simm.s32 $_scs_section_size  }
0x9a: {  	s5 =	simm.s32 $_size__tile_overlayer_lowered;
	s6 =	simm.s32 $_tile_overlayer_lowered  }
0x9b: {  	s22 =	simm.s32 $0x1BFF;
	s21 =	sshll.u32 s6, $0x1;
	s3 =	sadd.s32 s4, s19  }
0x9c: {  	s7 =	simm.s32 $0x0;
	s20 =	sshll.u32 s5, $0x1;
	s5 =	sadd.s32 s21, s3  }
0x9d: {  	[timem:s7], [sflag:s22] =	dma.local [hbm:s5], s20  }
0x9e: {  	_ =	swait.ge [sflag:s22], s20  }
0x9f: {  	s4 =	ssub.s32 $0x0, s20;
	[sflag:s22] =	ssyncset.done $0x0  }
0xa0: {  	[sflag:s22] =	ssyncadd.s32 s4;
	_ =	sdelay $0x1  }
0xa1: {  	s23 =	simm.s32 $0x1B8B  }
0xa2: {  	_ =	swait.ge [sflag:s23], $0x1  }
0xa3: {  	[sflag:s23] =	ssyncset.done $0x0  }
0xa4: {  	s25 =	simm.s32 $0x1B8E;
	s24 =	sld [smem:$0x3FFE];
	[sflag:s23] =	ssyncadd.s32 $0xFFFFFFFF  }
0xa5: {  	s26 =	simm.s32 $execute0_lowered;
	[smem:$0x3FD2] =	sst s25  }
0xa6: {  	s5 =	sshll.u32 s26, $0x1;
	_ =	strace $0x80000058;
	[dreg:$0x1] =	wrdreg $0xFFFFFFFF  }
0xa7: {  	s28 =	simm.s32 $_size_execute0_lowered;
	s3 =	sadd.s32 s3, s5;
	[dreg:$0x0] =	wrdreg $0x0  }
0xa8: {  	s5 =	sshll.u32 s28, $0x1;
	[dreg:$0x2] =	wrdreg s3  }
0xa9: {  	[dreg:$0x3] =	wrdreg s5  }
0xaa: {  	[dreg:$0x4] =	wrdreg $0xC0  }
0xab: {  	_ =	task [dreg:s7], $0x5FFFF  }
0xac: {  	[dreg:$0x1] =	wrdreg $0xFFFFFFFF  }
0xad: {  	[dreg:$0x0] =	wrdreg $0x60  }
0xae: {  	[dreg:$0x2] =	wrdreg s24  }
0xaf: {  	[dreg:$0x3] =	wrdreg s2  }
0xb0: {  	[dreg:$0x4] =	wrdreg $0x4E000  }
0xb1: {  	[dreg:$0x5] =	wrdreg $0xA  }
0xb2: {  	_ =	task.clear_ibuf [dreg:s7], $0x6FFFF;
	_ =	strace $0x90000058  }
0xb3: {  	s29 =	simm.s32 $0xA;
	_ =	strace $0x8000005A  }
0xb4: {  	_ =	swait.ge [sflag:s29], $0x1  }
0xb5: {  	[sflag:s29] =	ssyncadd.s32 $0xFFFFFFFF  }
0xb6: {  	_ =	strace $0x9000005A  }
0xb7: {  	_ =	sfence  }
0xb8: {  	s30 =	sld [smem:$0x0];
	_ =	sdelay $0x2  }
0xb9: {  	s31 =	sshll.u32 s1, $0xD;
	s1 =	sshrl.u32 s1, $0x2  }
0xba: {  	s3 =	sand.u32 $0x4000, s31;
	s1 =	sadd.s32 s1, s30  }
0xbb: {  	s0 =	sor.u32 s3, s0;
	s1 =	sshll.u32 s1, $0x11  }
0xbc: {  	s0 =	sor.u32 s1, s0  }
0xbd: {  	s0 =	sadd.s32 $0x8F2B, s0  }
0xbe: {  	[sflag:s0] =	ssyncadd.remote.s32 $0x1  }
0xbf: {  	_ =	sfence.sel $0xFFFF  }
0xc0: {  	[dreg:$0x0] =	wrdreg $0xFFFFFFFF;
	(pc) =	sbr.abs _section_cstart, $3  }
0xc1: {  	[dreg:$0x1] =	wrdreg $0xFFFFFFFF  }
0xc2: {  	_ =	task.clear_ibuf [dreg:s7], $0x2FFFF;
	_ =	strace $0x9FFFFFFF  }
0xc3: {  	(tm) =	ssettm $0x7FFFFFFF  }
tec
execute0_lowered:
.L_overlay_start_1:
0x0: {  	(tag) =	ssettag $0x1  }
0x1: {  	s6 =	rddreg [dreg:$0x0]  }
0x2: {  	s10 =	rddreg [dreg:$0x1]  }
0x3: {  	s0 =	srdreg.scid;
	s2 =	rddreg [dreg:$0x2]  }
0x4: {  	s1 =	rddreg [dreg:$0x3];
	s7 =	sand.u32 $0x1, s0  }
0x5: {  	s0 =	stileid.u32;
	s4 =	smul.u32 $0x13980, s7  }
0x6: {  	s3 =	simm.s32 $0x0;
	s15 =	simm.s32 $0x200;
	s5 =	smul.u32 $0x1398, s0  }
0x7: {  	s16 =	simm.s32 $0x1;
	[smem:$0x7FF] =	sst s3;
	s8 =	smul.u32 $0x140000, s7  }
0x8: {  	s17 =	simm.s32 $0x0;
	s9 =	smul.u32 $0x14000, s0;
	_ =	strace $0x80000059  }
0x9: {  	s29 =	smul.u32 $0x50000, s0;
	s7 =	ssub.s32 $0x2, s7;
	s31 =	sshll.u32 s0, $0x6  }
0xa: {  	s30 =	sshrl.u32 s7, $0x1;
	s5 =	sadd.s32 s5, s4;
	s4 =	sadd.s32 $0x1F600, s6  }
0xb: {  	s8 =	sadd.s32 s9, s8;
	s9 =	sshrl.u32 s29, $0x2;
	s13 =	ssub.s32 s7, s30  }
0xc: {  	s11 =	sshrl.u32 s5, $0x3;
	s5 =	sadd.s32 $0x46800, s6;
	s8 =	sshrl.u32 s8, $0x3  }
0xd: {  	s14 =	sadd.s32 s9, s2;
	s12 =	sadd.s32 s11, s6;
	s8 =	sadd.s32 s8, s6  }
0xe: {  	s6 =	sor.u32 $0x1C02, s31;
	s10 =	sadd.s32 s11, s10;
	s11 =	sshrl.u32 s14, $0x3  }
0xf: {  	s14 =	simm.s32 $0x98;
	s7 =	sadd.s32 $0x49000, s8;
	s8 =	smax.u32 s13, $0x1  }
0x10: {  	s9 =	sadd.s32 $0x99E00, s12;
	s12 =	simm.s32 $0x2;
	s13 =	simm.s32 $0x100  }
.LBB2_1:
0x11: {  	[spmem:s11], [sflag:s6] =	dma.local [hbm:s5], $0x2800  }
0x12: {  	_ =	swait.ge [sflag:s12], $0x2800  }
0x13: {  	[sflag:s12] =	ssyncset.done $0x0  }
0x14: {  	[sflag:s12] =	ssyncadd.s32 $0xFFFFD800  }
0x15: {  	s18 =	sadd.s32 $0x0, s10;
	[bflag:$0x0] =	sbarrier.arrive $0xFFFF  }
0x16: {  	[tilespmem:s3], [sflag:$0x2] =	stream.linear.gather [hbm4b:s18+s3], $0x98, $0x38;
	[tilespmem:$0x18E00] =	vst v63  }
0x17: {  	_ =	swait.ge [sflag:s12], $0x98  }
0x18: {  	[sflag:s12] =	ssyncset.done $0x0  }
0x19: {  	s31 =	sadd.s32 $0x0, s9;
	[sflag:s12] =	ssyncadd.s32 $0xFFFFFF68  }
0x1a: {  	[tilespmem:s13], [sflag:$0x2] =	stream.linear.gather [hbm4b:s31+s3], $0x98, $0x38;
	[tilespmem:$0x18E00] =	vst v63  }
0x1b: {  	_ =	swait.ge [sflag:s12], $0x98  }
0x1c: {  	[sflag:s12] =	ssyncset.done $0x0  }
0x1d: {  	[sflag:s12] =	ssyncadd.s32 $0xFFFFFF68  }
0x1e: {  	[tilespmem:s15], [sflag:$0x1] =	stream.indirect.gather [hbm4b:s4+s14], $0x80, s3, s14, $0xb8;
	[tilespmem:$0x18E00] =	vst v63  }
0x1f: {  	_ =	swait.ge [sflag:s16], $0x4C00  }
0x20: {  	[sflag:s16] =	ssyncset.done $0x0  }
0x21: {  	[sflag:s16] =	ssyncadd.s32 $0xFFFFB400  }
0x22: {  	[spmem:s2] =	stream.indirect.scatter.add.f32 [tilespmem:s15], [sflag:$0x2], $0x80, s13, s14, $0xb8;
	[tilespmem:$0x18E00] =	vst v63  }
0x23: {  	_ =	swait.ge [sflag:s12], $0x4C00  }
0x24: {  	s19 =	simm.s32 $0x26;
	s18 =	simm.s32 $0x13;
	[sflag:s12] =	ssyncset.done $0x0  }
.LBB2_2:
0x25: {  	s20 =	sadd.s32 s18, s10  }
0x26: {  	[sflag:s12] =	ssyncadd.s32 $0xFFFFB400;
	s21 =	smov.u32 s19;
	s22 =	sadd.s32 $0x13, s19  }
0x27: {  	[tilespmem:s3], [sflag:$0x2] =	stream.linear.gather [hbm4b:s20+s3], $0x98, $0x38;
	[tilespmem:$0x18E00] =	vst v63  }
0x28: {  	p0 =	sne.s32 s19, $0x260;
	_ =	swait.ge [sflag:s12], $0x98  }
0x29: {  	[sflag:s12] =	ssyncset.done $0x0  }
0x2a: {  	s19 =	sadd.s32 s18, s9;
	s18 =	smov.u32 s21;
	[sflag:s12] =	ssyncadd.s32 $0xFFFFFF68  }
0x2b: {  	[tilespmem:s13], [sflag:$0x2] =	stream.linear.gather [hbm4b:s19+s3], $0x98, $0x38;
	[tilespmem:$0x18E00] =	vst v63  }
0x2c: {  	_ =	swait.ge [sflag:s12], $0x98  }
0x2d: {  	[sflag:s12] =	ssyncset.done $0x0  }
0x2e: {  	[sflag:s12] =	ssyncadd.s32 $0xFFFFFF68  }
0x2f: {  	[tilespmem:s15], [sflag:$0x1] =	stream.indirect.gather [hbm4b:s4+s14], $0x80, s3, s14, $0xb8;
	[tilespmem:$0x18E00] =	vst v63  }
0x30: {  	_ =	swait.ge [sflag:s16], $0x4C00  }
.Ltmp0:
0x31: {  	[sflag:s16] =	ssyncset.done $0x0;
	(pc) =	sbr.rel @p0 .LBB2_2-.Ltmp0, $4  }
0x32: {  	[sflag:s16] =	ssyncadd.s32 $0xFFFFB400  }
0x33: {  	[spmem:s2] =	stream.indirect.scatter.add.f32 [tilespmem:s15], [sflag:$0x2], $0x80, s13, s14, $0xb8;
	[tilespmem:$0x18E00] =	vst v63  }
0x34: {  	_ =	swait.ge [sflag:s12], $0x4C00  }
0x35: {  	s19 =	smov.u32 s22;
	[sflag:s12] =	ssyncset.done $0x0  }
0x36: {  	s19 =	sadd.s32 s18, s10;
	[sflag:s12] =	ssyncadd.s32 $0xFFFFB400  }
0x37: {  	[tilespmem:s3], [sflag:$0x2] =	stream.linear.gather [hbm4b:s19+s3], $0x98, $0x38;
	[tilespmem:$0x18E00] =	vst v63  }
0x38: {  	_ =	swait.ge [sflag:s12], $0x98  }
0x39: {  	[sflag:s12] =	ssyncset.done $0x0  }
0x3a: {  	s31 =	sadd.s32 s18, s9;
	[sflag:s12] =	ssyncadd.s32 $0xFFFFFF68  }
0x3b: {  	[tilespmem:s13], [sflag:$0x2] =	stream.linear.gather [hbm4b:s31+s3], $0x98, $0x38;
	[tilespmem:$0x18E00] =	vst v63  }
0x3c: {  	_ =	swait.ge [sflag:s12], $0x98  }
0x3d: {  	[sflag:s12] =	ssyncset.done $0x0  }
0x3e: {  	[sflag:s12] =	ssyncadd.s32 $0xFFFFFF68  }
0x3f: {  	[tilespmem:s15], [sflag:$0x1] =	stream.indirect.gather [hbm4b:s4+s14], $0x80, s3, s14, $0xb8;
	[tilespmem:$0x18E00] =	vst v63  }
0x40: {  	_ =	swait.ge [sflag:s16], $0x4C00  }
0x41: {  	[sflag:s16] =	ssyncset.done $0x0  }
0x42: {  	[sflag:s16] =	ssyncadd.s32 $0xFFFFB400  }
0x43: {  	[spmem:s2] =	stream.indirect.scatter.add.f32 [tilespmem:s15], [sflag:$0x2], $0x80, s13, s14, $0xb8;
	[tilespmem:$0x18E00] =	vst v63  }
0x44: {  	_ =	swait.ge [sflag:s12], $0x4C00  }
0x45: {  	s17 =	sadd.s32 $0x1, s17;
	[sflag:s12] =	ssyncset.done $0x0  }
0x46: {  	p0 =	sne.s32 s17, s8;
	[sflag:s12] =	ssyncadd.s32 $0xFFFFB400  }
.Ltmp1:
0x47: {  	[bflag:$0x0] =	sbarrier.arrive $0xFFFF;
	(pc) =	sbr.rel @p0 .LBB2_1-.Ltmp1, $4  }
0x48: {  	[hbm:s7], [sflag:s6] =	dma.local [spmem:s11], $0x2800  }
0x49: {  	_ =	swait.ge [sflag:s12], $0x2800  }
0x4a: {  	[sflag:s12] =	ssyncset.done $0x0  }
0x4b: {  	[sflag:s12] =	ssyncadd.s32 $0xFFFFD800  }
0x4c: {  	_ =	sfence.sel $0x180000  }
0x4d: {  	[bflag:$0x0] =	sbarrier.arrive $0xFFFF  }
0x4e: {  	p0 =	sne.s32 s0, $0x0;
	_ =	strace $0x90000059  }
0x4f: {  	s0 =	sadd.s32 @!p0 $0x100000, s1;
	[bflag:$0x2] =	sbarrier.arrive $0xFFFF  }
0x50: {  	[sflag:s0] =	ssyncadd.tile.s32 @!p0 $0x1;
	_ =	shalt  }
.Lfunc_end2:
_tile_overlayer_lowered:
.L_overlay_start_2:
0x51: {  	(tag) =	ssettag $0x2  }
0x52: {  	s0 =	rddreg [dreg:$0x0];
	s2 =	stileid.u32  }
0x53: {  	s1 =	rddreg [dreg:$0x1];
	p0 =	sne.s32 s2, $0x0  }
0x54: {  	s3 =	rddreg [dreg:$0x2];
	[bflag:$0x3] =	sbarrier.arrive $0xFFFF;
	s2 =	simm.s32 @!p0 $0x1C02  }
0x55: {  	[timem:s3], [sflag:s2] =	dma.local @!p0 [hbm:s0], s1  }
0x56: {  	s0 =	simm.s32 @!p0 $0x2  }
0x57: {  	_ =	swait.ge @!p0 [sflag:s0], s1  }
0x58: {  	s1 =	ssub.s32 @!p0 $0x0, s1;
	[sflag:s0] =	ssyncset.done @!p0 $0x0  }
0x59: {  	[sflag:s0] =	ssyncadd.s32 @!p0 s1  }
0x5a: {  	[bflag:$0x3] =	sbarrier.arrive $0xFFFF  }
0x5b: {  	_ =	shalt  }

</sc_bundles>
